<compile_context>
chip_gen: v7x
topology: tpu7x:2x2x1
jax: 0.10.2.dev20260603
libtpu: 0.0.44.dev20260713+nightly
codegen_flags: <defaults>
</compile_context>

<pallas_src>
import functools

import jax
import jax.numpy as jnp
from jax import lax
from jax.experimental import pallas as pl
from jax.experimental.pallas import tpu as pltpu
from jax.experimental.pallas import tpu_sc as plsc

N_NODES = 10000
D = 128
N_EDGES = 320000

NC, NS = 2, 16
NW = NC * NS
CHUNK = 128
NBUF = 2
IDXG = 40
K = -(-(-(-N_EDGES // (NW * CHUNK))) // IDXG) * IDXG
E_PAD = NW * K * CHUNK
N_PAD = 10240
STRIPE = N_PAD // NS

NB = 2000
GRID = N_NODES // NB

def _sc_mesh():
    return plsc.VectorSubcoreMesh(
        core_axis_name="c", subcore_axis_name="s", num_cores=NC, num_subcores=NS)


def _gelu(x):
    return 0.5 * x * (1.0 + lax.erf(x * 0.7071067811865476))



def _sc_degree(cidx):

    @functools.partial(
        pl.kernel,
        mesh=_sc_mesh(),
        out_type=jax.ShapeDtypeStruct((NC, N_PAD), jnp.float32),
        scratch_types=[
            pltpu.VMEM((K, CHUNK), jnp.int32),
            pltpu.VMEM((CHUNK,), jnp.float32),
            pltpu.VMEM((CHUNK,), jnp.float32),
            pltpu.VMEM_SHARED((N_PAD,), jnp.float32),
        ],
    )
    def deg_kernel(cidx_hbm, degp_hbm, cidx_v, ones_v, zeros_v, acc):
        cid = lax.axis_index("c")
        sid = lax.axis_index("s")
        t = cid * NS + sid
        pltpu.sync_copy(cidx_hbm.at[t], cidx_v)
        for i in range(CHUNK // 16):
            ones_v[pl.ds(i * 16, 16)] = jnp.full((16,), 1.0, jnp.float32)
            zeros_v[pl.ds(i * 16, 16)] = jnp.zeros((16,), jnp.float32)
        for b in range(STRIPE // CHUNK):
            pltpu.sync_copy(zeros_v, acc.at[pl.ds(sid * STRIPE + b * CHUNK, CHUNK)])
        plsc.subcore_barrier()

        def body(j, carry):
            pltpu.sync_copy(ones_v, acc.at[cidx_v.at[j]], add=True)
            return carry

        lax.fori_loop(0, K, body, 0)
        plsc.subcore_barrier()
        for b in range(STRIPE // CHUNK):
            s = pl.ds(sid * STRIPE + b * CHUNK, CHUNK)
            pltpu.sync_copy(acc.at[s], degp_hbm.at[cid, s])

    return deg_kernel(cidx)


def _sc_conv(g, ridx, cidx):

    @functools.partial(
        pl.kernel,
        mesh=_sc_mesh(),
        out_type=jax.ShapeDtypeStruct((NC, N_PAD, D), jnp.float32),
        scratch_types=[
            pltpu.VMEM((IDXG, CHUNK), jnp.int32),
            pltpu.VMEM((IDXG, CHUNK), jnp.int32),
        ] + [pltpu.VMEM((CHUNK, D), jnp.float32)] * NBUF
          + [pltpu.VMEM_SHARED((N_PAD, D), jnp.float32)]
          + [pltpu.SemaphoreType.DMA] * NBUF,
    )
    def conv_kernel(g_hbm, ridx_hbm, cidx_hbm, out_hbm,
                    ridx_v, cidx_v, *rest):
        rows = rest[:NBUF]
        acc = rest[NBUF]
        sems = rest[NBUF + 1:]
        cid = lax.axis_index("c")
        sid = lax.axis_index("s")
        t = cid * NS + sid

        def zero_row(r, carry):
            for c8 in range(D // 16):
                rows[0][r, pl.ds(c8 * 16, 16)] = jnp.zeros((16,), jnp.float32)
            return carry

        lax.fori_loop(0, CHUNK, zero_row, 0)
        for b in range(STRIPE // CHUNK):
            pltpu.sync_copy(rows[0], acc.at[pl.ds(sid * STRIPE + b * CHUNK, CHUNK)])
        plsc.subcore_barrier()

        for grp in range(K // IDXG):
            pltpu.sync_copy(ridx_hbm.at[t, pl.ds(grp * IDXG, IDXG)], ridx_v)
            pltpu.sync_copy(cidx_hbm.at[t, pl.ds(grp * IDXG, IDXG)], cidx_v)
            for b in range(NBUF):
                pltpu.async_copy(g_hbm.at[ridx_v.at[b]], rows[b], sems[b])

            def body(r, carry):
                for b in range(NBUF):
                    j = r * NBUF + b
                    pltpu.make_async_copy(g_hbm.at[ridx_v.at[j]], rows[b],
                                          sems[b]).wait()
                    pltpu.sync_copy(rows[b], acc.at[cidx_v.at[j]], add=True)

                    @pl.when(j + NBUF < IDXG)
                    def _():
                        pltpu.async_copy(g_hbm.at[ridx_v.at[j + NBUF]],
                                         rows[b], sems[b])
                return carry

            lax.fori_loop(0, IDXG // NBUF, body, 0)
        plsc.subcore_barrier()
        for b in range(STRIPE // CHUNK):
            s = pl.ds(sid * STRIPE + b * CHUNK, CHUNK)
            pltpu.sync_copy(acc.at[s], out_hbm.at[cid, s])

    return conv_kernel(g, ridx, cidx)



def _tc_prep(X, W1, degt):

    NBP = 2048

    def body(x_ref, w1_ref, degt_ref, xt_ref, g1_ref, dis_ref, xn_ref):
        xb = x_ref[...]
        xt = xb.T
        db = degt_ref[...]
        deg = db[:, 0:1] + db[:, 1:2] + 1.0
        dis = lax.rsqrt(deg)
        h1 = lax.dot_general(xt, w1_ref[...], (((1,), (1,)), ((), ())),
                             preferred_element_type=jnp.float32)
        xt_ref[...] = xt
        g1_ref[...] = h1 * dis
        dis_ref[...] = jnp.broadcast_to(dis, (NBP, 8))
        xn = jnp.sqrt(jnp.sum(xt * xt, axis=1, keepdims=True))
        xn_ref[...] = jnp.broadcast_to(xn, (NBP, 8))

    return pl.pallas_call(
        body,
        grid=(N_PAD // NBP,),
        in_specs=[
            pl.BlockSpec((D, NBP), lambda i: (0, i)),
            pl.BlockSpec((D, D), lambda i: (0, 0)),
            pl.BlockSpec((NBP, NC), lambda i: (i, 0)),
        ],
        out_specs=[pl.BlockSpec((NBP, D), lambda i: (i, 0))] * 2
                  + [pl.BlockSpec((NBP, 8), lambda i: (i, 0))] * 2,
        out_shape=[jax.ShapeDtypeStruct((N_NODES, D), jnp.float32)] * 2
                  + [jax.ShapeDtypeStruct((N_NODES, 8), jnp.float32)] * 2,
    )(X, W1, degt)


def _tc_mid(s1, g1, dis, xn, W2, b1, scale1):

    def body(s_ref, g1_ref, dis_ref, xn_ref, w2_ref, b1_ref, sc1_ref,
             f_ref, g2_ref, fn_ref):
        sb = s_ref[...]
        s = sb[0] + sb[1]
        g1b = g1_ref[...]
        dis = dis_ref[...][:, 0:1]
        xn = xn_ref[...][:, 0:1]
        c1 = dis * (s + g1b) + b1_ref[...]
        mn = jnp.sqrt(jnp.sum(c1 * c1, axis=1, keepdims=True))
        f = _gelu(c1 / jnp.maximum(mn, 1e-12) * (xn * sc1_ref[0, 0]))
        h2 = lax.dot_general(f, w2_ref[...], (((1,), (1,)), ((), ())),
                             preferred_element_type=jnp.float32)
        f_ref[...] = f
        g2_ref[...] = h2 * dis
        fn = jnp.sqrt(jnp.sum(f * f, axis=1, keepdims=True))
        fn_ref[...] = jnp.broadcast_to(fn, (NB, 8))

    return pl.pallas_call(
        body,
        grid=(GRID,),
        in_specs=[
            pl.BlockSpec((NC, NB, D), lambda i: (0, i, 0)),
            pl.BlockSpec((NB, D), lambda i: (i, 0)),
            pl.BlockSpec((NB, 8), lambda i: (i, 0)),
            pl.BlockSpec((NB, 8), lambda i: (i, 0)),
            pl.BlockSpec((D, D), lambda i: (0, 0)),
            pl.BlockSpec((1, D), lambda i: (0, 0)),
            pl.BlockSpec((1, 1), lambda i: (0, 0)),
        ],
        out_specs=[pl.BlockSpec((NB, D), lambda i: (i, 0))] * 2
                  + [pl.BlockSpec((NB, 8), lambda i: (i, 0))],
        out_shape=[jax.ShapeDtypeStruct((N_NODES, D), jnp.float32)] * 2
                  + [jax.ShapeDtypeStruct((N_NODES, 8), jnp.float32)],
    )(s1, g1, dis, xn, W2, b1, scale1)


def _tc_resfinal(s2, g2, dis, fn, xt, b2, scale2, gnw, gnb, gnms):

    def body(s_ref, g2_ref, dis_ref, fn_ref, xt_ref, b2_ref, sc2_ref,
             w_ref, bb_ref, ms_ref, out_ref, y_s, mom_s):
        p = pl.program_id(0)
        i = pl.program_id(1)

        @pl.when(p == 0)
        def _():
            sb = s_ref[...]
            s = sb[0] + sb[1]
            dis = dis_ref[...][:, 0:1]
            fn = fn_ref[...][:, 0:1]
            c2 = dis * (s + g2_ref[...]) + b2_ref[...]
            mn = jnp.sqrt(jnp.sum(c2 * c2, axis=1, keepdims=True))
            f2 = _gelu(c2 / jnp.maximum(mn, 1e-12) * (fn * sc2_ref[0, 0]))
            y = f2 + xt_ref[...]
            y_s[pl.ds(i * NB, NB), :] = y
            s1m = jnp.sum(y, axis=0, keepdims=True)
            s2m = jnp.sum(y * y, axis=0, keepdims=True)

            @pl.when(i == 0)
            def _():
                mom_s[0:1, :] = s1m
                mom_s[1:2, :] = s2m

            @pl.when(i > 0)
            def _():
                mom_s[0:1, :] = mom_s[0:1, :] + s1m
                mom_s[1:2, :] = mom_s[1:2, :] + s2m

            out_ref[...] = y

        @pl.when(p == 1)
        def _():
            inv_n = 1.0 / N_NODES
            mean = mom_s[0:1, :] * inv_n
            u = mean * ms_ref[...]
            var = mom_s[1:2, :] * inv_n - 2.0 * u * mean + u * u
            inv = lax.rsqrt(var + 1e-5)
            yb = y_s[pl.ds(i * NB, NB), :]
            out_ref[...] = _gelu((yb - u) * inv * w_ref[...] + bb_ref[...])

    return pl.pallas_call(
        body,
        grid=(2, GRID),
        in_specs=[
            pl.BlockSpec((NC, NB, D), lambda p, i: (0, i * (1 - p), 0)),
            pl.BlockSpec((NB, D), lambda p, i: (i * (1 - p), 0)),
            pl.BlockSpec((NB, 8), lambda p, i: (i * (1 - p), 0)),
            pl.BlockSpec((NB, 8), lambda p, i: (i * (1 - p), 0)),
            pl.BlockSpec((NB, D), lambda p, i: (i * (1 - p), 0)),
            pl.BlockSpec((1, D), lambda p, i: (0, 0)),
            pl.BlockSpec((1, 1), lambda p, i: (0, 0)),
            pl.BlockSpec((1, D), lambda p, i: (0, 0)),
            pl.BlockSpec((1, D), lambda p, i: (0, 0)),
            pl.BlockSpec((1, D), lambda p, i: (0, 0)),
        ],
        out_specs=pl.BlockSpec((NB, D), lambda p, i: (i, 0)),
        out_shape=jax.ShapeDtypeStruct((N_NODES, D), jnp.float32),
        scratch_shapes=[
            pltpu.VMEM((N_NODES, D), jnp.float32),
            pltpu.VMEM((8, D), jnp.float32),
        ],
    )(s2, g2, dis, fn, xt, b2, scale2, gnw, gnb, gnms)



def kernel(X, edge_index, W1, b1, scale1, W2, b2, scale2,
           gn_weight, gn_bias, gn_mean_scale):
    ei = edge_index.astype(jnp.int32)
    pad = E_PAD - N_EDGES
    pad_r = jnp.arange(pad, dtype=jnp.int32) % N_NODES
    pad_c = N_NODES + jnp.arange(pad, dtype=jnp.int32) % (N_PAD - N_NODES)
    ridx = jnp.concatenate([ei[0], pad_r]).reshape(NW, K, CHUNK)
    cidx = jnp.concatenate([ei[1], pad_c]).reshape(NW, K, CHUNK)

    degp = _sc_degree(cidx)
    degt = degp.T

    xt, g1, dis, xn = _tc_prep(X, W1, degt)
    s1 = _sc_conv(g1, ridx, cidx)
    f, g2, fn = _tc_mid(s1, g1, dis, xn, W2,
                        b1.reshape(1, D), scale1.reshape(1, 1))
    s2 = _sc_conv(g2, ridx, cidx)
    return _tc_resfinal(s2, g2, dis, fn, xt,
                        b2.reshape(1, D), scale2.reshape(1, 1),
                        gn_weight.reshape(1, D), gn_bias.reshape(1, D),
                        gn_mean_scale.reshape(1, D))

# --- scband reference (transcript-rebuilt; emitter-appended) ---
"""Pipeline reference for scband-gcnffn-23167053595561 (READ-ONLY COPY).

The authoritative reference and input builder live on the scoring server;
editing this copy changes nothing except your own understanding.
"""

import jax, jax.numpy as jnp
import numpy as np

N_NODES = 10000
IN_DIM = 128
HID_DIM = 128
N_EDGES = 320000


def gcn_conv(x, edge_index, W, b, n):
    # torch_geometric GCNConv: lin (no bias) -> add self loops -> sym norm -> scatter add -> + bias
    h = x @ W.T
    loops = jnp.arange(n)
    row = jnp.concatenate([edge_index[0], loops])
    col = jnp.concatenate([edge_index[1], loops])
    deg = jnp.zeros((n,), dtype=h.dtype).at[col].add(1.0)
    dis = jnp.where(deg > 0, 1.0 / jnp.sqrt(deg), 0.0)
    norm = dis[row] * dis[col]
    msg = h[row] * norm[:, None]
    out = jnp.zeros((n, h.shape[1]), dtype=h.dtype).at[col].add(msg)
    return out + b


def message_norm(x, msg, scale):
    # tnn.MessageNorm(learn_scale=True), p=2
    msg_n = msg / jnp.maximum(jnp.linalg.norm(msg, axis=-1, keepdims=True), 1e-12)
    x_norm = jnp.linalg.norm(x, axis=-1, keepdims=True)
    return msg_n * x_norm * scale


def graph_norm(x, weight, bias, mean_scale, eps=1e-5):
    # tnn.GraphNorm with batch=None (single graph)
    mean = jnp.mean(x, axis=0, keepdims=True)
    out = x - mean * mean_scale
    var = jnp.mean(out * out, axis=0, keepdims=True)
    return out / jnp.sqrt(var + eps) * weight + bias


def gelu(x):
    return jax.nn.gelu(x, approximate=False)


def setup_inputs(seed: int = 0) -> dict:
    key = jax.random.key(seed)
    ks = jax.random.split(key, 8)
    X = jax.random.normal(ks[0], (IN_DIM, N_NODES), dtype=jnp.float32)
    edge_index = jax.random.randint(ks[1], (2, N_EDGES), 0, N_NODES, dtype=jnp.int64)
    W1 = jax.random.normal(ks[2], (HID_DIM, IN_DIM), dtype=jnp.float32) * 0.05
    b1 = jnp.zeros((HID_DIM,), dtype=jnp.float32)
    scale1 = jnp.ones((1,), dtype=jnp.float32)
    W2 = jax.random.normal(ks[3], (IN_DIM, HID_DIM), dtype=jnp.float32) * 0.05
    b2 = jnp.zeros((IN_DIM,), dtype=jnp.float32)
    scale2 = jnp.ones((1,), dtype=jnp.float32)
    gn_weight = jnp.ones((IN_DIM,), dtype=jnp.float32)
    gn_bias = jnp.zeros((IN_DIM,), dtype=jnp.float32)
    gn_mean_scale = jnp.ones((IN_DIM,), dtype=jnp.float32)
    return {"X": X, "edge_index": edge_index, "W1": W1, "b1": b1, "scale1": scale1,
            "W2": W2, "b2": b2, "scale2": scale2, "gn_weight": gn_weight,
            "gn_bias": gn_bias, "gn_mean_scale": gn_mean_scale}


def reference(X, edge_index, W1, b1, scale1, W2, b2, scale2, gn_weight, gn_bias, gn_mean_scale):
    Xt = X.T  # [N, in_dim]
    n = Xt.shape[0]
    # ffn1: GCNChain(in -> hid)
    c1 = gcn_conv(Xt, edge_index, W1, b1, n)
    f = gelu(message_norm(Xt, c1, scale1))
    # ffn2: GCNChain(hid -> in)
    c2 = gcn_conv(f, edge_index, W2, b2, n)
    f2 = gelu(message_norm(f, c2, scale2))
    # norm: GraphNorm + GELU on residual
    return gelu(graph_norm(f2 + Xt, gn_weight, gn_bias, gn_mean_scale))

if __name__ == "__main__":
    import jax
    _d = setup_inputs()
    print(jax.jit(kernel)(*tuple(_d.values())))

</pallas_src>

<mosaic_0001>
#map = affine_map<(d0, d1) -> (0, 0, 0)>
#map1 = affine_map<(d0, d1) -> (0, 0)>
module attributes {stable_mosaic.version = 14 : i64} {
  func.func @deg_kernel(%arg0: i32, %arg1: i32, %arg2: memref<32x80x128xi32, #tpu.memory_space<hbm>>, %arg3: memref<2x10240xf32, #tpu.memory_space<hbm>>, %arg4: memref<80x128xi32, #tpu.memory_space<vmem>>, %arg5: memref<128xf32, #tpu.memory_space<vmem>>, %arg6: memref<128xf32, #tpu.memory_space<vmem>>, %arg7: memref<10240xf32, #tpu.memory_space<vmem_shared>>) attributes {dimension_semantics = [#tpu.dimension_semantics<core_parallel>, #tpu.dimension_semantics<subcore_parallel>], iteration_bounds = array<i64: 2, 16>, scalar_prefetch = 0 : i64, scratch_operands = 4 : i64, tpu.core_type = #tpu.core_type<sc_vector_subcore>, window_params = [{transform_indices = #map}, {transform_indices = #map1}]} {
    %mul3A = arith.constant 16 : i32
    %mul3A_0 = arith.muli %arg0, %mul3A : i32
    %add3A = arith.addi %mul3A_0, %arg1 : i32
    "tpu.region"() ({
      %run_scoped3A = tpu.sem_alloc : memref<!tpu.dma_semaphore, #tpu.memory_space<semaphore_mem>>
      %dma_start3A = arith.constant 0 : i32
      %dma_start3A_141 = arith.constant 0 : i32
      %dma_start3A_142 = tpu.memref_slice %arg2[%add3A, %dma_start3A, %dma_start3A_141] : memref<32x80x128xi32, #tpu.memory_space<hbm>> -> memref<1x80x128xi32, #tpu.memory_space<hbm>>
      %dma_start3A_143 = tpu.memref_squeeze %dma_start3A_142 : memref<1x80x128xi32, #tpu.memory_space<hbm>> -> memref<80x128xi32, #tpu.memory_space<hbm>>
      %dma_start3A_144 = arith.constant 0 : i32
      %dma_start3A_145 = arith.constant 0 : i32
      %dma_start3A_146 = tpu.memref_slice %arg2[%add3A, %dma_start3A_144, %dma_start3A_145] : memref<32x80x128xi32, #tpu.memory_space<hbm>> -> memref<1x80x128xi32, #tpu.memory_space<hbm>>
      %dma_start3A_147 = tpu.memref_squeeze %dma_start3A_146 : memref<1x80x128xi32, #tpu.memory_space<hbm>> -> memref<80x128xi32, #tpu.memory_space<hbm>>
      tpu.enqueue_dma source(%dma_start3A_147 : memref<80x128xi32, #tpu.memory_space<hbm>>) target(%arg4 : memref<80x128xi32, #tpu.memory_space<vmem>>) target_semaphore(%run_scoped3A : memref<!tpu.dma_semaphore, #tpu.memory_space<semaphore_mem>>)
      %dma_wait3A = arith.constant 0 : i32
      %dma_wait3A_148 = arith.constant 0 : i32
      %dma_wait3A_149 = tpu.memref_slice %arg2[%add3A, %dma_wait3A, %dma_wait3A_148] : memref<32x80x128xi32, #tpu.memory_space<hbm>> -> memref<1x80x128xi32, #tpu.memory_space<hbm>>
      %dma_wait3A_150 = tpu.memref_squeeze %dma_wait3A_149 : memref<1x80x128xi32, #tpu.memory_space<hbm>> -> memref<80x128xi32, #tpu.memory_space<hbm>>
      %dma_wait3A_151 = arith.constant 0 : i32
      %dma_wait3A_152 = arith.constant 0 : i32
      %dma_wait3A_153 = tpu.memref_slice %arg2[%add3A, %dma_wait3A_151, %dma_wait3A_152] : memref<32x80x128xi32, #tpu.memory_space<hbm>> -> memref<1x80x128xi32, #tpu.memory_space<hbm>>
      %dma_wait3A_154 = tpu.memref_squeeze %dma_wait3A_153 : memref<1x80x128xi32, #tpu.memory_space<hbm>> -> memref<80x128xi32, #tpu.memory_space<hbm>>
      tpu.wait_dma2 semaphore(%run_scoped3A : memref<!tpu.dma_semaphore, #tpu.memory_space<semaphore_mem>>) src(%dma_wait3A_154 : memref<80x128xi32, #tpu.memory_space<hbm>>) dst(%arg4 : memref<80x128xi32, #tpu.memory_space<vmem>>)
      tpu.yield
    }) : () -> ()
    %broadcast_in_dim3A = arith.constant 1.000000e+00 : f32
    %broadcast_in_dim3A_1 = vector.broadcast %broadcast_in_dim3A : f32 to vector<16xf32>
    %swap3A = arith.constant 0 : index
    %swap3A_2 = tpu.vector_load %arg5[%swap3A] {strides = array<i32>} : memref<128xf32, #tpu.memory_space<vmem>>, vector<16xf32>,
    %swap3A_3 = vector.shape_cast %swap3A_2 : vector<16xf32> to vector<16xf32>
    %swap3A_4 = vector.shape_cast %broadcast_in_dim3A_1 : vector<16xf32> to vector<16xf32>
    tpu.vector_store %arg5[%swap3A], %swap3A_4 {strides = array<i32>} : memref<128xf32, #tpu.memory_space<vmem>>, vector<16xf32>,
    %broadcast_in_dim3A_5 = arith.constant 0.000000e+00 : f32
    %broadcast_in_dim3A_6 = vector.broadcast %broadcast_in_dim3A_5 : f32 to vector<16xf32>
    %swap3A_7 = arith.constant 0 : index
    %swap3A_8 = tpu.vector_load %arg6[%swap3A_7] {strides = array<i32>} : memref<128xf32, #tpu.memory_space<vmem>>, vector<16xf32>,
    %swap3A_9 = vector.shape_cast %swap3A_8 : vector<16xf32> to vector<16xf32>
    %swap3A_10 = vector.shape_cast %broadcast_in_dim3A_6 : vector<16xf32> to vector<16xf32>
    tpu.vector_store %arg6[%swap3A_7], %swap3A_10 {strides = array<i32>} : memref<128xf32, #tpu.memory_space<vmem>>, vector<16xf32>,
    %broadcast_in_dim3A_11 = arith.constant 1.000000e+00 : f32
    %broadcast_in_dim3A_12 = vector.broadcast %broadcast_in_dim3A_11 : f32 to vector<16xf32>
    %swap3A_13 = arith.constant 16 : index
    %swap3A_14 = tpu.vector_load %arg5[%swap3A_13] {strides = array<i32>} : memref<128xf32, #tpu.memory_space<vmem>>, vector<16xf32>,
    %swap3A_15 = vector.shape_cast %swap3A_14 : vector<16xf32> to vector<16xf32>
    %swap3A_16 = vector.shape_cast %broadcast_in_dim3A_12 : vector<16xf32> to vector<16xf32>
    tpu.vector_store %arg5[%swap3A_13], %swap3A_16 {strides = array<i32>} : memref<128xf32, #tpu.memory_space<vmem>>, vector<16xf32>,
    %broadcast_in_dim3A_17 = arith.constant 0.000000e+00 : f32
    %broadcast_in_dim3A_18 = vector.broadcast %broadcast_in_dim3A_17 : f32 to vector<16xf32>
    %swap3A_19 = arith.constant 16 : index
    %swap3A_20 = tpu.vector_load %arg6[%swap3A_19] {strides = array<i32>} : memref<128xf32, #tpu.memory_space<vmem>>, vector<16xf32>,
    %swap3A_21 = vector.shape_cast %swap3A_20 : vector<16xf32> to vector<16xf32>
    %swap3A_22 = vector.shape_cast %broadcast_in_dim3A_18 : vector<16xf32> to vector<16xf32>
    tpu.vector_store %arg6[%swap3A_19], %swap3A_22 {strides = array<i32>} : memref<128xf32, #tpu.memory_space<vmem>>, vector<16xf32>,
    %broadcast_in_dim3A_23 = arith.constant 1.000000e+00 : f32
    %broadcast_in_dim3A_24 = vector.broadcast %broadcast_in_dim3A_23 : f32 to vector<16xf32>
    %swap3A_25 = arith.constant 32 : index
    %swap3A_26 = tpu.vector_load %arg5[%swap3A_25] {strides = array<i32>} : memref<128xf32, #tpu.memory_space<vmem>>, vector<16xf32>,
    %swap3A_27 = vector.shape_cast %swap3A_26 : vector<16xf32> to vector<16xf32>
    %swap3A_28 = vector.shape_cast %broadcast_in_dim3A_24 : vector<16xf32> to vector<16xf32>
    tpu.vector_store %arg5[%swap3A_25], %swap3A_28 {strides = array<i32>} : memref<128xf32, #tpu.memory_space<vmem>>, vector<16xf32>,
    %broadcast_in_dim3A_29 = arith.constant 0.000000e+00 : f32
    %broadcast_in_dim3A_30 = vector.broadcast %broadcast_in_dim3A_29 : f32 to vector<16xf32>
    %swap3A_31 = arith.constant 32 : index
    %swap3A_32 = tpu.vector_load %arg6[%swap3A_31] {strides = array<i32>} : memref<128xf32, #tpu.memory_space<vmem>>, vector<16xf32>,
    %swap3A_33 = vector.shape_cast %swap3A_32 : vector<16xf32> to vector<16xf32>
    %swap3A_34 = vector.shape_cast %broadcast_in_dim3A_30 : vector<16xf32> to vector<16xf32>
    tpu.vector_store %arg6[%swap3A_31], %swap3A_34 {strides = array<i32>} : memref<128xf32, #tpu.memory_space<vmem>>, vector<16xf32>,
    %broadcast_in_dim3A_35 = arith.constant 1.000000e+00 : f32
    %broadcast_in_dim3A_36 = vector.broadcast %broadcast_in_dim3A_35 : f32 to vector<16xf32>
    %swap3A_37 = arith.constant 48 : index
    %swap3A_38 = tpu.vector_load %arg5[%swap3A_37] {strides = array<i32>} : memref<128xf32, #tpu.memory_space<vmem>>, vector<16xf32>,
    %swap3A_39 = vector.shape_cast %swap3A_38 : vector<16xf32> to vector<16xf32>
    %swap3A_40 = vector.shape_cast %broadcast_in_dim3A_36 : vector<16xf32> to vector<16xf32>
    tpu.vector_store %arg5[%swap3A_37], %swap3A_40 {strides = array<i32>} : memref<128xf32, #tpu.memory_space<vmem>>, vector<16xf32>,
    %broadcast_in_dim3A_41 = arith.constant 0.000000e+00 : f32
    %broadcast_in_dim3A_42 = vector.broadcast %broadcast_in_dim3A_41 : f32 to vector<16xf32>
    %swap3A_43 = arith.constant 48 : index
    %swap3A_44 = tpu.vector_load %arg6[%swap3A_43] {strides = array<i32>} : memref<128xf32, #tpu.memory_space<vmem>>, vector<16xf32>,
    %swap3A_45 = vector.shape_cast %swap3A_44 : vector<16xf32> to vector<16xf32>
    %swap3A_46 = vector.shape_cast %broadcast_in_dim3A_42 : vector<16xf32> to vector<16xf32>
    tpu.vector_store %arg6[%swap3A_43], %swap3A_46 {strides = array<i32>} : memref<128xf32, #tpu.memory_space<vmem>>, vector<16xf32>,
    %broadcast_in_dim3A_47 = arith.constant 1.000000e+00 : f32
    %broadcast_in_dim3A_48 = vector.broadcast %broadcast_in_dim3A_47 : f32 to vector<16xf32>
    %swap3A_49 = arith.constant 64 : index
    %swap3A_50 = tpu.vector_load %arg5[%swap3A_49] {strides = array<i32>} : memref<128xf32, #tpu.memory_space<vmem>>, vector<16xf32>,
    %swap3A_51 = vector.shape_cast %swap3A_50 : vector<16xf32> to vector<16xf32>
    %swap3A_52 = vector.shape_cast %broadcast_in_dim3A_48 : vector<16xf32> to vector<16xf32>
    tpu.vector_store %arg5[%swap3A_49], %swap3A_52 {strides = array<i32>} : memref<128xf32, #tpu.memory_space<vmem>>, vector<16xf32>,
    %broadcast_in_dim3A_53 = arith.constant 0.000000e+00 : f32
    %broadcast_in_dim3A_54 = vector.broadcast %broadcast_in_dim3A_53 : f32 to vector<16xf32>
    %swap3A_55 = arith.constant 64 : index
    %swap3A_56 = tpu.vector_load %arg6[%swap3A_55] {strides = array<i32>} : memref<128xf32, #tpu.memory_space<vmem>>, vector<16xf32>,
    %swap3A_57 = vector.shape_cast %swap3A_56 : vector<16xf32> to vector<16xf32>
    %swap3A_58 = vector.shape_cast %broadcast_in_dim3A_54 : vector<16xf32> to vector<16xf32>
    tpu.vector_store %arg6[%swap3A_55], %swap3A_58 {strides = array<i32>} : memref<128xf32, #tpu.memory_space<vmem>>, vector<16xf32>,
    %broadcast_in_dim3A_59 = arith.constant 1.000000e+00 : f32
    %broadcast_in_dim3A_60 = vector.broadcast %broadcast_in_dim3A_59 : f32 to vector<16xf32>
    %swap3A_61 = arith.constant 80 : index
    %swap3A_62 = tpu.vector_load %arg5[%swap3A_61] {strides = array<i32>} : memref<128xf32, #tpu.memory_space<vmem>>, vector<16xf32>,
    %swap3A_63 = vector.shape_cast %swap3A_62 : vector<16xf32> to vector<16xf32>
    %swap3A_64 = vector.shape_cast %broadcast_in_dim3A_60 : vector<16xf32> to vector<16xf32>
    tpu.vector_store %arg5[%swap3A_61], %swap3A_64 {strides = array<i32>} : memref<128xf32, #tpu.memory_space<vmem>>, vector<16xf32>,
    %broadcast_in_dim3A_65 = arith.constant 0.000000e+00 : f32
    %broadcast_in_dim3A_66 = vector.broadcast %broadcast_in_dim3A_65 : f32 to vector<16xf32>
    %swap3A_67 = arith.constant 80 : index
    %swap3A_68 = tpu.vector_load %arg6[%swap3A_67] {strides = array<i32>} : memref<128xf32, #tpu.memory_space<vmem>>, vector<16xf32>,
    %swap3A_69 = vector.shape_cast %swap3A_68 : vector<16xf32> to vector<16xf32>
    %swap3A_70 = vector.shape_cast %broadcast_in_dim3A_66 : vector<16xf32> to vector<16xf32>
    tpu.vector_store %arg6[%swap3A_67], %swap3A_70 {strides = array<i32>} : memref<128xf32, #tpu.memory_space<vmem>>, vector<16xf32>,
    %broadcast_in_dim3A_71 = arith.constant 1.000000e+00 : f32
    %broadcast_in_dim3A_72 = vector.broadcast %broadcast_in_dim3A_71 : f32 to vector<16xf32>
    %swap3A_73 = arith.constant 96 : index
    %swap3A_74 = tpu.vector_load %arg5[%swap3A_73] {strides = array<i32>} : memref<128xf32, #tpu.memory_space<vmem>>, vector<16xf32>,
    %swap3A_75 = vector.shape_cast %swap3A_74 : vector<16xf32> to vector<16xf32>
    %swap3A_76 = vector.shape_cast %broadcast_in_dim3A_72 : vector<16xf32> to vector<16xf32>
    tpu.vector_store %arg5[%swap3A_73], %swap3A_76 {strides = array<i32>} : memref<128xf32, #tpu.memory_space<vmem>>, vector<16xf32>,
    %broadcast_in_dim3A_77 = arith.constant 0.000000e+00 : f32
    %broadcast_in_dim3A_78 = vector.broadcast %broadcast_in_dim3A_77 : f32 to vector<16xf32>
    %swap3A_79 = arith.constant 96 : index
    %swap3A_80 = tpu.vector_load %arg6[%swap3A_79] {strides = array<i32>} : memref<128xf32, #tpu.memory_space<vmem>>, vector<16xf32>,
    %swap3A_81 = vector.shape_cast %swap3A_80 : vector<16xf32> to vector<16xf32>
    %swap3A_82 = vector.shape_cast %broadcast_in_dim3A_78 : vector<16xf32> to vector<16xf32>
    tpu.vector_store %arg6[%swap3A_79], %swap3A_82 {strides = array<i32>} : memref<128xf32, #tpu.memory_space<vmem>>, vector<16xf32>,
    %broadcast_in_dim3A_83 = arith.constant 1.000000e+00 : f32
    %broadcast_in_dim3A_84 = vector.broadcast %broadcast_in_dim3A_83 : f32 to vector<16xf32>
    %swap3A_85 = arith.constant 112 : index
    %swap3A_86 = tpu.vector_load %arg5[%swap3A_85] {strides = array<i32>} : memref<128xf32, #tpu.memory_space<vmem>>, vector<16xf32>,
    %swap3A_87 = vector.shape_cast %swap3A_86 : vector<16xf32> to vector<16xf32>
    %swap3A_88 = vector.shape_cast %broadcast_in_dim3A_84 : vector<16xf32> to vector<16xf32>
    tpu.vector_store %arg5[%swap3A_85], %swap3A_88 {strides = array<i32>} : memref<128xf32, #tpu.memory_space<vmem>>, vector<16xf32>,
    %broadcast_in_dim3A_89 = arith.constant 0.000000e+00 : f32
    %broadcast_in_dim3A_90 = vector.broadcast %broadcast_in_dim3A_89 : f32 to vector<16xf32>
    %swap3A_91 = arith.constant 112 : index
    %swap3A_92 = tpu.vector_load %arg6[%swap3A_91] {strides = array<i32>} : memref<128xf32, #tpu.memory_space<vmem>>, vector<16xf32>,
    %swap3A_93 = vector.shape_cast %swap3A_92 : vector<16xf32> to vector<16xf32>
    %swap3A_94 = vector.shape_cast %broadcast_in_dim3A_90 : vector<16xf32> to vector<16xf32>
    tpu.vector_store %arg6[%swap3A_91], %swap3A_94 {strides = array<i32>} : memref<128xf32, #tpu.memory_space<vmem>>, vector<16xf32>,
    %mul3A_95 = arith.constant 640 : i32
    %mul3A_96 = arith.muli %arg1, %mul3A_95 : i32
    %add3A_97 = arith.constant 0 : i32
    %add3A_98 = arith.addi %mul3A_96, %add3A_97 : i32
    "tpu.region"() ({
      %run_scoped3A = tpu.sem_alloc : memref<!tpu.dma_semaphore, #tpu.memory_space<semaphore_mem>>
      %dma_start3A = tpu.memref_slice %arg7[%add3A_98] : memref<10240xf32, #tpu.memory_space<vmem_shared>> -> memref<128xf32, #tpu.memory_space<vmem_shared>>
      %dma_start3A_141 = tpu.memref_slice %arg7[%add3A_98] : memref<10240xf32, #tpu.memory_space<vmem_shared>> -> memref<128xf32, #tpu.memory_space<vmem_shared>>
      tpu.enqueue_dma source(%arg6 : memref<128xf32, #tpu.memory_space<vmem>>) target(%dma_start3A_141 : memref<128xf32, #tpu.memory_space<vmem_shared>>) target_semaphore(%run_scoped3A : memref<!tpu.dma_semaphore, #tpu.memory_space<semaphore_mem>>)
      %dma_wait3A = tpu.memref_slice %arg7[%add3A_98] : memref<10240xf32, #tpu.memory_space<vmem_shared>> -> memref<128xf32, #tpu.memory_space<vmem_shared>>
      %dma_wait3A_142 = tpu.memref_slice %arg7[%add3A_98] : memref<10240xf32, #tpu.memory_space<vmem_shared>> -> memref<128xf32, #tpu.memory_space<vmem_shared>>
      tpu.wait_dma2 semaphore(%run_scoped3A : memref<!tpu.dma_semaphore, #tpu.memory_space<semaphore_mem>>) src(%arg6 : memref<128xf32, #tpu.memory_space<vmem>>) dst(%dma_wait3A_142 : memref<128xf32, #tpu.memory_space<vmem_shared>>)
      tpu.yield
    }) : () -> ()
    %mul3A_99 = arith.constant 640 : i32
    %mul3A_100 = arith.muli %arg1, %mul3A_99 : i32
    %add3A_101 = arith.constant 128 : i32
    %add3A_102 = arith.addi %mul3A_100, %add3A_101 : i32
    "tpu.region"() ({
      %run_scoped3A = tpu.sem_alloc : memref<!tpu.dma_semaphore, #tpu.memory_space<semaphore_mem>>
      %dma_start3A = tpu.memref_slice %arg7[%add3A_102] : memref<10240xf32, #tpu.memory_space<vmem_shared>> -> memref<128xf32, #tpu.memory_space<vmem_shared>>
      %dma_start3A_141 = tpu.memref_slice %arg7[%add3A_102] : memref<10240xf32, #tpu.memory_space<vmem_shared>> -> memref<128xf32, #tpu.memory_space<vmem_shared>>
      tpu.enqueue_dma source(%arg6 : memref<128xf32, #tpu.memory_space<vmem>>) target(%dma_start3A_141 : memref<128xf32, #tpu.memory_space<vmem_shared>>) target_semaphore(%run_scoped3A : memref<!tpu.dma_semaphore, #tpu.memory_space<semaphore_mem>>)
      %dma_wait3A = tpu.memref_slice %arg7[%add3A_102] : memref<10240xf32, #tpu.memory_space<vmem_shared>> -> memref<128xf32, #tpu.memory_space<vmem_shared>>
      %dma_wait3A_142 = tpu.memref_slice %arg7[%add3A_102] : memref<10240xf32, #tpu.memory_space<vmem_shared>> -> memref<128xf32, #tpu.memory_space<vmem_shared>>
      tpu.wait_dma2 semaphore(%run_scoped3A : memref<!tpu.dma_semaphore, #tpu.memory_space<semaphore_mem>>) src(%arg6 : memref<128xf32, #tpu.memory_space<vmem>>) dst(%dma_wait3A_142 : memref<128xf32, #tpu.memory_space<vmem_shared>>)
      tpu.yield
    }) : () -> ()
    %mul3A_103 = arith.constant 640 : i32
    %mul3A_104 = arith.muli %arg1, %mul3A_103 : i32
    %add3A_105 = arith.constant 256 : i32
    %add3A_106 = arith.addi %mul3A_104, %add3A_105 : i32
    "tpu.region"() ({
      %run_scoped3A = tpu.sem_alloc : memref<!tpu.dma_semaphore, #tpu.memory_space<semaphore_mem>>
      %dma_start3A = tpu.memref_slice %arg7[%add3A_106] : memref<10240xf32, #tpu.memory_space<vmem_shared>> -> memref<128xf32, #tpu.memory_space<vmem_shared>>
      %dma_start3A_141 = tpu.memref_slice %arg7[%add3A_106] : memref<10240xf32, #tpu.memory_space<vmem_shared>> -> memref<128xf32, #tpu.memory_space<vmem_shared>>
      tpu.enqueue_dma source(%arg6 : memref<128xf32, #tpu.memory_space<vmem>>) target(%dma_start3A_141 : memref<128xf32, #tpu.memory_space<vmem_shared>>) target_semaphore(%run_scoped3A : memref<!tpu.dma_semaphore, #tpu.memory_space<semaphore_mem>>)
      %dma_wait3A = tpu.memref_slice %arg7[%add3A_106] : memref<10240xf32, #tpu.memory_space<vmem_shared>> -> memref<128xf32, #tpu.memory_space<vmem_shared>>
      %dma_wait3A_142 = tpu.memref_slice %arg7[%add3A_106] : memref<10240xf32, #tpu.memory_space<vmem_shared>> -> memref<128xf32, #tpu.memory_space<vmem_shared>>
      tpu.wait_dma2 semaphore(%run_scoped3A : memref<!tpu.dma_semaphore, #tpu.memory_space<semaphore_mem>>) src(%arg6 : memref<128xf32, #tpu.memory_space<vmem>>) dst(%dma_wait3A_142 : memref<128xf32, #tpu.memory_space<vmem_shared>>)
      tpu.yield
    }) : () -> ()
    %mul3A_107 = arith.constant 640 : i32
    %mul3A_108 = arith.muli %arg1, %mul3A_107 : i32
    %add3A_109 = arith.constant 384 : i32
    %add3A_110 = arith.addi %mul3A_108, %add3A_109 : i32
    "tpu.region"() ({
      %run_scoped3A = tpu.sem_alloc : memref<!tpu.dma_semaphore, #tpu.memory_space<semaphore_mem>>
      %dma_start3A = tpu.memref_slice %arg7[%add3A_110] : memref<10240xf32, #tpu.memory_space<vmem_shared>> -> memref<128xf32, #tpu.memory_space<vmem_shared>>
      %dma_start3A_141 = tpu.memref_slice %arg7[%add3A_110] : memref<10240xf32, #tpu.memory_space<vmem_shared>> -> memref<128xf32, #tpu.memory_space<vmem_shared>>
      tpu.enqueue_dma source(%arg6 : memref<128xf32, #tpu.memory_space<vmem>>) target(%dma_start3A_141 : memref<128xf32, #tpu.memory_space<vmem_shared>>) target_semaphore(%run_scoped3A : memref<!tpu.dma_semaphore, #tpu.memory_space<semaphore_mem>>)
      %dma_wait3A = tpu.memref_slice %arg7[%add3A_110] : memref<10240xf32, #tpu.memory_space<vmem_shared>> -> memref<128xf32, #tpu.memory_space<vmem_shared>>
      %dma_wait3A_142 = tpu.memref_slice %arg7[%add3A_110] : memref<10240xf32, #tpu.memory_space<vmem_shared>> -> memref<128xf32, #tpu.memory_space<vmem_shared>>
      tpu.wait_dma2 semaphore(%run_scoped3A : memref<!tpu.dma_semaphore, #tpu.memory_space<semaphore_mem>>) src(%arg6 : memref<128xf32, #tpu.memory_space<vmem>>) dst(%dma_wait3A_142 : memref<128xf32, #tpu.memory_space<vmem_shared>>)
      tpu.yield
    }) : () -> ()
    %mul3A_111 = arith.constant 640 : i32
    %mul3A_112 = arith.muli %arg1, %mul3A_111 : i32
    %add3A_113 = arith.constant 512 : i32
    %add3A_114 = arith.addi %mul3A_112, %add3A_113 : i32
    "tpu.region"() ({
      %run_scoped3A = tpu.sem_alloc : memref<!tpu.dma_semaphore, #tpu.memory_space<semaphore_mem>>
      %dma_start3A = tpu.memref_slice %arg7[%add3A_114] : memref<10240xf32, #tpu.memory_space<vmem_shared>> -> memref<128xf32, #tpu.memory_space<vmem_shared>>
      %dma_start3A_141 = tpu.memref_slice %arg7[%add3A_114] : memref<10240xf32, #tpu.memory_space<vmem_shared>> -> memref<128xf32, #tpu.memory_space<vmem_shared>>
      tpu.enqueue_dma source(%arg6 : memref<128xf32, #tpu.memory_space<vmem>>) target(%dma_start3A_141 : memref<128xf32, #tpu.memory_space<vmem_shared>>) target_semaphore(%run_scoped3A : memref<!tpu.dma_semaphore, #tpu.memory_space<semaphore_mem>>)
      %dma_wait3A = tpu.memref_slice %arg7[%add3A_114] : memref<10240xf32, #tpu.memory_space<vmem_shared>> -> memref<128xf32, #tpu.memory_space<vmem_shared>>
      %dma_wait3A_142 = tpu.memref_slice %arg7[%add3A_114] : memref<10240xf32, #tpu.memory_space<vmem_shared>> -> memref<128xf32, #tpu.memory_space<vmem_shared>>
      tpu.wait_dma2 semaphore(%run_scoped3A : memref<!tpu.dma_semaphore, #tpu.memory_space<semaphore_mem>>) src(%arg6 : memref<128xf32, #tpu.memory_space<vmem>>) dst(%dma_wait3A_142 : memref<128xf32, #tpu.memory_space<vmem_shared>>)
      tpu.yield
    }) : () -> ()
    %barrier3A = arith.constant 0 : index
    tpu.barrier barrier_id(%barrier3A)
    %scan3A = arith.constant 0 : i32
    %scan3A_115 = arith.constant 0 : i32
    %scan3A_116 = arith.constant 80 : i32
    %scan3A_117 = arith.addi %scan3A_115, %scan3A_116 : i32
    %scan3A_118 = arith.constant 1 : i32
    scf.for %scan3A_141 = %scan3A_115 to %scan3A_117 step %scan3A_118  : i32 {
      "tpu.region"() ({
        %run_scoped3A = tpu.sem_alloc : memref<!tpu.dma_semaphore, #tpu.memory_space<semaphore_mem>>
        %dma_start3A = arith.constant 0 : i32
        %dma_start3A_142 = tpu.memref_slice %arg4[%scan3A_141, %dma_start3A] : memref<80x128xi32, #tpu.memory_space<vmem>> -> memref<1x128xi32, #tpu.memory_space<vmem>>
        %dma_start3A_143 = tpu.memref_squeeze %dma_start3A_142 : memref<1x128xi32, #tpu.memory_space<vmem>> -> memref<128xi32, #tpu.memory_space<vmem>>
        %dma_start3A_144 = arith.constant 0 : i32
        %dma_start3A_145 = tpu.memref_slice %arg7[%dma_start3A_144] : memref<10240xf32, #tpu.memory_space<vmem_shared>> -> memref<10240xf32, #tpu.memory_space<vmem_shared>>
        tpu.enqueue_indirect_dma source(%arg5 : memref<128xf32, #tpu.memory_space<vmem>>) target(%dma_start3A_145 : memref<10240xf32, #tpu.memory_space<vmem_shared>>) offsets(%dma_start3A_143 : memref<128xi32, #tpu.memory_space<vmem>>) semaphore(%run_scoped3A : memref<!tpu.dma_semaphore, #tpu.memory_space<semaphore_mem>>) {add = true}
        %dma_wait3A = arith.constant 0 : i32
        %dma_wait3A_146 = tpu.memref_slice %arg4[%scan3A_141, %dma_wait3A] : memref<80x128xi32, #tpu.memory_space<vmem>> -> memref<1x128xi32, #tpu.memory_space<vmem>>
        %dma_wait3A_147 = tpu.memref_squeeze %dma_wait3A_146 : memref<1x128xi32, #tpu.memory_space<vmem>> -> memref<128xi32, #tpu.memory_space<vmem>>
        %dma_wait3A_148 = arith.constant 0 : i32
        %dma_wait3A_149 = tpu.memref_slice %arg7[%dma_wait3A_148] : memref<10240xf32, #tpu.memory_space<vmem_shared>> -> memref<10240xf32, #tpu.memory_space<vmem_shared>>
        tpu.wait_indirect_dma semaphore(%run_scoped3A : memref<!tpu.dma_semaphore, #tpu.memory_space<semaphore_mem>>) src(%arg5 : memref<128xf32, #tpu.memory_space<vmem>>) dst(%dma_wait3A_149 : memref<10240xf32, #tpu.memory_space<vmem_shared>>)
        tpu.yield
      }) : () -> ()
    }
    %scan3A_119 = arith.constant 80 : i32
    %barrier3A_120 = arith.constant 0 : index
    tpu.barrier barrier_id(%barrier3A_120)
    %mul3A_121 = arith.constant 640 : i32
    %mul3A_122 = arith.muli %arg1, %mul3A_121 : i32
    %add3A_123 = arith.constant 0 : i32
    %add3A_124 = arith.addi %mul3A_122, %add3A_123 : i32
    "tpu.region"() ({
      %run_scoped3A = tpu.sem_alloc : memref<!tpu.dma_semaphore, #tpu.memory_space<semaphore_mem>>
      %dma_start3A = tpu.memref_slice %arg3[%arg0, %add3A_124] : memref<2x10240xf32, #tpu.memory_space<hbm>> -> memref<1x128xf32, #tpu.memory_space<hbm>>
      %dma_start3A_141 = tpu.memref_squeeze %dma_start3A : memref<1x128xf32, #tpu.memory_space<hbm>> -> memref<128xf32, #tpu.memory_space<hbm>>
      %dma_start3A_142 = tpu.memref_slice %arg7[%add3A_124] : memref<10240xf32, #tpu.memory_space<vmem_shared>> -> memref<128xf32, #tpu.memory_space<vmem_shared>>
      tpu.enqueue_dma source(%dma_start3A_142 : memref<128xf32, #tpu.memory_space<vmem_shared>>) target(%dma_start3A_141 : memref<128xf32, #tpu.memory_space<hbm>>) target_semaphore(%run_scoped3A : memref<!tpu.dma_semaphore, #tpu.memory_space<semaphore_mem>>)
      %dma_wait3A = tpu.memref_slice %arg3[%arg0, %add3A_124] : memref<2x10240xf32, #tpu.memory_space<hbm>> -> memref<1x128xf32, #tpu.memory_space<hbm>>
      %dma_wait3A_143 = tpu.memref_squeeze %dma_wait3A : memref<1x128xf32, #tpu.memory_space<hbm>> -> memref<128xf32, #tpu.memory_space<hbm>>
      %dma_wait3A_144 = tpu.memref_slice %arg7[%add3A_124] : memref<10240xf32, #tpu.memory_space<vmem_shared>> -> memref<128xf32, #tpu.memory_space<vmem_shared>>
      tpu.wait_dma2 semaphore(%run_scoped3A : memref<!tpu.dma_semaphore, #tpu.memory_space<semaphore_mem>>) src(%dma_wait3A_144 : memref<128xf32, #tpu.memory_space<vmem_shared>>) dst(%dma_wait3A_143 : memref<128xf32, #tpu.memory_space<hbm>>)
      tpu.yield
    }) : () -> ()
    %mul3A_125 = arith.constant 640 : i32
    %mul3A_126 = arith.muli %arg1, %mul3A_125 : i32
    %add3A_127 = arith.constant 128 : i32
    %add3A_128 = arith.addi %mul3A_126, %add3A_127 : i32
    "tpu.region"() ({
      %run_scoped3A = tpu.sem_alloc : memref<!tpu.dma_semaphore, #tpu.memory_space<semaphore_mem>>
      %dma_start3A = tpu.memref_slice %arg3[%arg0, %add3A_128] : memref<2x10240xf32, #tpu.memory_space<hbm>> -> memref<1x128xf32, #tpu.memory_space<hbm>>
      %dma_start3A_141 = tpu.memref_squeeze %dma_start3A : memref<1x128xf32, #tpu.memory_space<hbm>> -> memref<128xf32, #tpu.memory_space<hbm>>
      %dma_start3A_142 = tpu.memref_slice %arg7[%add3A_128] : memref<10240xf32, #tpu.memory_space<vmem_shared>> -> memref<128xf32, #tpu.memory_space<vmem_shared>>
      tpu.enqueue_dma source(%dma_start3A_142 : memref<128xf32, #tpu.memory_space<vmem_shared>>) target(%dma_start3A_141 : memref<128xf32, #tpu.memory_space<hbm>>) target_semaphore(%run_scoped3A : memref<!tpu.dma_semaphore, #tpu.memory_space<semaphore_mem>>)
      %dma_wait3A = tpu.memref_slice %arg3[%arg0, %add3A_128] : memref<2x10240xf32, #tpu.memory_space<hbm>> -> memref<1x128xf32, #tpu.memory_space<hbm>>
      %dma_wait3A_143 = tpu.memref_squeeze %dma_wait3A : memref<1x128xf32, #tpu.memory_space<hbm>> -> memref<128xf32, #tpu.memory_space<hbm>>
      %dma_wait3A_144 = tpu.memref_slice %arg7[%add3A_128] : memref<10240xf32, #tpu.memory_space<vmem_shared>> -> memref<128xf32, #tpu.memory_space<vmem_shared>>
      tpu.wait_dma2 semaphore(%run_scoped3A : memref<!tpu.dma_semaphore, #tpu.memory_space<semaphore_mem>>) src(%dma_wait3A_144 : memref<128xf32, #tpu.memory_space<vmem_shared>>) dst(%dma_wait3A_143 : memref<128xf32, #tpu.memory_space<hbm>>)
      tpu.yield
    }) : () -> ()
    %mul3A_129 = arith.constant 640 : i32
    %mul3A_130 = arith.muli %arg1, %mul3A_129 : i32
    %add3A_131 = arith.constant 256 : i32
    %add3A_132 = arith.addi %mul3A_130, %add3A_131 : i32
    "tpu.region"() ({
      %run_scoped3A = tpu.sem_alloc : memref<!tpu.dma_semaphore, #tpu.memory_space<semaphore_mem>>
      %dma_start3A = tpu.memref_slice %arg3[%arg0, %add3A_132] : memref<2x10240xf32, #tpu.memory_space<hbm>> -> memref<1x128xf32, #tpu.memory_space<hbm>>
      %dma_start3A_141 = tpu.memref_squeeze %dma_start3A : memref<1x128xf32, #tpu.memory_space<hbm>> -> memref<128xf32, #tpu.memory_space<hbm>>
      %dma_start3A_142 = tpu.memref_slice %arg7[%add3A_132] : memref<10240xf32, #tpu.memory_space<vmem_shared>> -> memref<128xf32, #tpu.memory_space<vmem_shared>>
      tpu.enqueue_dma source(%dma_start3A_142 : memref<128xf32, #tpu.memory_space<vmem_shared>>) target(%dma_start3A_141 : memref<128xf32, #tpu.memory_space<hbm>>) target_semaphore(%run_scoped3A : memref<!tpu.dma_semaphore, #tpu.memory_space<semaphore_mem>>)
      %dma_wait3A = tpu.memref_slice %arg3[%arg0, %add3A_132] : memref<2x10240xf32, #tpu.memory_space<hbm>> -> memref<1x128xf32, #tpu.memory_space<hbm>>
      %dma_wait3A_143 = tpu.memref_squeeze %dma_wait3A : memref<1x128xf32, #tpu.memory_space<hbm>> -> memref<128xf32, #tpu.memory_space<hbm>>
      %dma_wait3A_144 = tpu.memref_slice %arg7[%add3A_132] : memref<10240xf32, #tpu.memory_space<vmem_shared>> -> memref<128xf32, #tpu.memory_space<vmem_shared>>
      tpu.wait_dma2 semaphore(%run_scoped3A : memref<!tpu.dma_semaphore, #tpu.memory_space<semaphore_mem>>) src(%dma_wait3A_144 : memref<128xf32, #tpu.memory_space<vmem_shared>>) dst(%dma_wait3A_143 : memref<128xf32, #tpu.memory_space<hbm>>)
      tpu.yield
    }) : () -> ()
    %mul3A_133 = arith.constant 640 : i32
    %mul3A_134 = arith.muli %arg1, %mul3A_133 : i32
    %add3A_135 = arith.constant 384 : i32
    %add3A_136 = arith.addi %mul3A_134, %add3A_135 : i32
    "tpu.region"() ({
      %run_scoped3A = tpu.sem_alloc : memref<!tpu.dma_semaphore, #tpu.memory_space<semaphore_mem>>
      %dma_start3A = tpu.memref_slice %arg3[%arg0, %add3A_136] : memref<2x10240xf32, #tpu.memory_space<hbm>> -> memref<1x128xf32, #tpu.memory_space<hbm>>
      %dma_start3A_141 = tpu.memref_squeeze %dma_start3A : memref<1x128xf32, #tpu.memory_space<hbm>> -> memref<128xf32, #tpu.memory_space<hbm>>
      %dma_start3A_142 = tpu.memref_slice %arg7[%add3A_136] : memref<10240xf32, #tpu.memory_space<vmem_shared>> -> memref<128xf32, #tpu.memory_space<vmem_shared>>
      tpu.enqueue_dma source(%dma_start3A_142 : memref<128xf32, #tpu.memory_space<vmem_shared>>) target(%dma_start3A_141 : memref<128xf32, #tpu.memory_space<hbm>>) target_semaphore(%run_scoped3A : memref<!tpu.dma_semaphore, #tpu.memory_space<semaphore_mem>>)
      %dma_wait3A = tpu.memref_slice %arg3[%arg0, %add3A_136] : memref<2x10240xf32, #tpu.memory_space<hbm>> -> memref<1x128xf32, #tpu.memory_space<hbm>>
      %dma_wait3A_143 = tpu.memref_squeeze %dma_wait3A : memref<1x128xf32, #tpu.memory_space<hbm>> -> memref<128xf32, #tpu.memory_space<hbm>>
      %dma_wait3A_144 = tpu.memref_slice %arg7[%add3A_136] : memref<10240xf32, #tpu.memory_space<vmem_shared>> -> memref<128xf32, #tpu.memory_space<vmem_shared>>
      tpu.wait_dma2 semaphore(%run_scoped3A : memref<!tpu.dma_semaphore, #tpu.memory_space<semaphore_mem>>) src(%dma_wait3A_144 : memref<128xf32, #tpu.memory_space<vmem_shared>>) dst(%dma_wait3A_143 : memref<128xf32, #tpu.memory_space<hbm>>)
      tpu.yield
    }) : () -> ()
    %mul3A_137 = arith.constant 640 : i32
    %mul3A_138 = arith.muli %arg1, %mul3A_137 : i32
    %add3A_139 = arith.constant 512 : i32
    %add3A_140 = arith.addi %mul3A_138, %add3A_139 : i32
    "tpu.region"() ({
      %run_scoped3A = tpu.sem_alloc : memref<!tpu.dma_semaphore, #tpu.memory_space<semaphore_mem>>
      %dma_start3A = tpu.memref_slice %arg3[%arg0, %add3A_140] : memref<2x10240xf32, #tpu.memory_space<hbm>> -> memref<1x128xf32, #tpu.memory_space<hbm>>
      %dma_start3A_141 = tpu.memref_squeeze %dma_start3A : memref<1x128xf32, #tpu.memory_space<hbm>> -> memref<128xf32, #tpu.memory_space<hbm>>
      %dma_start3A_142 = tpu.memref_slice %arg7[%add3A_140] : memref<10240xf32, #tpu.memory_space<vmem_shared>> -> memref<128xf32, #tpu.memory_space<vmem_shared>>
      tpu.enqueue_dma source(%dma_start3A_142 : memref<128xf32, #tpu.memory_space<vmem_shared>>) target(%dma_start3A_141 : memref<128xf32, #tpu.memory_space<hbm>>) target_semaphore(%run_scoped3A : memref<!tpu.dma_semaphore, #tpu.memory_space<semaphore_mem>>)
      %dma_wait3A = tpu.memref_slice %arg3[%arg0, %add3A_140] : memref<2x10240xf32, #tpu.memory_space<hbm>> -> memref<1x128xf32, #tpu.memory_space<hbm>>
      %dma_wait3A_143 = tpu.memref_squeeze %dma_wait3A : memref<1x128xf32, #tpu.memory_space<hbm>> -> memref<128xf32, #tpu.memory_space<hbm>>
      %dma_wait3A_144 = tpu.memref_slice %arg7[%add3A_140] : memref<10240xf32, #tpu.memory_space<vmem_shared>> -> memref<128xf32, #tpu.memory_space<vmem_shared>>
      tpu.wait_dma2 semaphore(%run_scoped3A : memref<!tpu.dma_semaphore, #tpu.memory_space<semaphore_mem>>) src(%dma_wait3A_144 : memref<128xf32, #tpu.memory_space<vmem_shared>>) dst(%dma_wait3A_143 : memref<128xf32, #tpu.memory_space<hbm>>)
      tpu.yield
    }) : () -> ()
    return
  }
}

#map = affine_map<(d0, d1) -> (0, 0)>
#map1 = affine_map<(d0, d1) -> (0, 0, 0)>
module attributes {stable_mosaic.version = 14 : i64} {
  func.func @conv_kernel(%arg0: i32, %arg1: i32, %arg2: memref<10000x128xf32, #tpu.memory_space<hbm>>, %arg3: memref<32x80x128xi32, #tpu.memory_space<hbm>>, %arg4: memref<32x80x128xi32, #tpu.memory_space<hbm>>, %arg5: memref<2x10240x128xf32, #tpu.memory_space<hbm>>, %arg6: memref<40x128xi32, #tpu.memory_space<vmem>>, %arg7: memref<40x128xi32, #tpu.memory_space<vmem>>, %arg8: memref<128x128xf32, #tpu.memory_space<vmem>>, %arg9: memref<128x128xf32, #tpu.memory_space<vmem>>, %arg10: memref<10240x128xf32, #tpu.memory_space<vmem_shared>>, %arg11: memref<!tpu.dma_semaphore, #tpu.memory_space<semaphore_mem>>, %arg12: memref<!tpu.dma_semaphore, #tpu.memory_space<semaphore_mem>>) attributes {dimension_semantics = [#tpu.dimension_semantics<core_parallel>, #tpu.dimension_semantics<subcore_parallel>], iteration_bounds = array<i64: 2, 16>, scalar_prefetch = 0 : i64, scratch_operands = 7 : i64, tpu.core_type = #tpu.core_type<sc_vector_subcore>, window_params = [{transform_indices = #map}, {transform_indices = #map1}, {transform_indices = #map1}, {transform_indices = #map1}]} {
    %mul3A = arith.constant 16 : i32
    %mul3A_0 = arith.muli %arg0, %mul3A : i32
    %add3A = arith.addi %mul3A_0, %arg1 : i32
    %scan3A = arith.constant 0 : i32
    %scan3A_1 = arith.constant 0 : i32
    %scan3A_2 = arith.constant 128 : i32
    %scan3A_3 = arith.addi %scan3A_1, %scan3A_2 : i32
    %scan3A_4 = arith.constant 1 : i32
    scf.for %scan3A_86 = %scan3A_1 to %scan3A_3 step %scan3A_4  : i32 {
      %broadcast_in_dim3A = arith.constant 0.000000e+00 : f32
      %broadcast_in_dim3A_87 = vector.broadcast %broadcast_in_dim3A : f32 to vector<16xf32>
      %swap3A = arith.index_cast %scan3A_86 : i32 to index
      %swap3A_88 = arith.constant 0 : index
      %swap3A_89 = tpu.vector_load %arg8[%swap3A, %swap3A_88] {strides = array<i32>} : memref<128x128xf32, #tpu.memory_space<vmem>>, vector<1x16xf32>,
      %swap3A_90 = vector.shape_cast %swap3A_89 : vector<1x16xf32> to vector<16xf32>
      %swap3A_91 = vector.shape_cast %broadcast_in_dim3A_87 : vector<16xf32> to vector<1x16xf32>
      tpu.vector_store %arg8[%swap3A, %swap3A_88], %swap3A_91 {strides = array<i32>} : memref<128x128xf32, #tpu.memory_space<vmem>>, vector<1x16xf32>,
      %broadcast_in_dim3A_92 = arith.constant 0.000000e+00 : f32
      %broadcast_in_dim3A_93 = vector.broadcast %broadcast_in_dim3A_92 : f32 to vector<16xf32>
      %swap3A_94 = arith.index_cast %scan3A_86 : i32 to index
      %swap3A_95 = arith.constant 16 : index
      %swap3A_96 = tpu.vector_load %arg8[%swap3A_94, %swap3A_95] {strides = array<i32>} : memref<128x128xf32, #tpu.memory_space<vmem>>, vector<1x16xf32>,
      %swap3A_97 = vector.shape_cast %swap3A_96 : vector<1x16xf32> to vector<16xf32>
      %swap3A_98 = vector.shape_cast %broadcast_in_dim3A_93 : vector<16xf32> to vector<1x16xf32>
      tpu.vector_store %arg8[%swap3A_94, %swap3A_95], %swap3A_98 {strides = array<i32>} : memref<128x128xf32, #tpu.memory_space<vmem>>, vector<1x16xf32>,
      %broadcast_in_dim3A_99 = arith.constant 0.000000e+00 : f32
      %broadcast_in_dim3A_100 = vector.broadcast %broadcast_in_dim3A_99 : f32 to vector<16xf32>
      %swap3A_101 = arith.index_cast %scan3A_86 : i32 to index
      %swap3A_102 = arith.constant 32 : index
      %swap3A_103 = tpu.vector_load %arg8[%swap3A_101, %swap3A_102] {strides = array<i32>} : memref<128x128xf32, #tpu.memory_space<vmem>>, vector<1x16xf32>,
      %swap3A_104 = vector.shape_cast %swap3A_103 : vector<1x16xf32> to vector<16xf32>
      %swap3A_105 = vector.shape_cast %broadcast_in_dim3A_100 : vector<16xf32> to vector<1x16xf32>
      tpu.vector_store %arg8[%swap3A_101, %swap3A_102], %swap3A_105 {strides = array<i32>} : memref<128x128xf32, #tpu.memory_space<vmem>>, vector<1x16xf32>,
      %broadcast_in_dim3A_106 = arith.constant 0.000000e+00 : f32
      %broadcast_in_dim3A_107 = vector.broadcast %broadcast_in_dim3A_106 : f32 to vector<16xf32>
      %swap3A_108 = arith.index_cast %scan3A_86 : i32 to index
      %swap3A_109 = arith.constant 48 : index
      %swap3A_110 = tpu.vector_load %arg8[%swap3A_108, %swap3A_109] {strides = array<i32>} : memref<128x128xf32, #tpu.memory_space<vmem>>, vector<1x16xf32>,
      %swap3A_111 = vector.shape_cast %swap3A_110 : vector<1x16xf32> to vector<16xf32>
      %swap3A_112 = vector.shape_cast %broadcast_in_dim3A_107 : vector<16xf32> to vector<1x16xf32>
      tpu.vector_store %arg8[%swap3A_108, %swap3A_109], %swap3A_112 {strides = array<i32>} : memref<128x128xf32, #tpu.memory_space<vmem>>, vector<1x16xf32>,
      %broadcast_in_dim3A_113 = arith.constant 0.000000e+00 : f32
      %broadcast_in_dim3A_114 = vector.broadcast %broadcast_in_dim3A_113 : f32 to vector<16xf32>
      %swap3A_115 = arith.index_cast %scan3A_86 : i32 to index
      %swap3A_116 = arith.constant 64 : index
      %swap3A_117 = tpu.vector_load %arg8[%swap3A_115, %swap3A_116] {strides = array<i32>} : memref<128x128xf32, #tpu.memory_space<vmem>>, vector<1x16xf32>,
      %swap3A_118 = vector.shape_cast %swap3A_117 : vector<1x16xf32> to vector<16xf32>
      %swap3A_119 = vector.shape_cast %broadcast_in_dim3A_114 : vector<16xf32> to vector<1x16xf32>
      tpu.vector_store %arg8[%swap3A_115, %swap3A_116], %swap3A_119 {strides = array<i32>} : memref<128x128xf32, #tpu.memory_space<vmem>>, vector<1x16xf32>,
      %broadcast_in_dim3A_120 = arith.constant 0.000000e+00 : f32
      %broadcast_in_dim3A_121 = vector.broadcast %broadcast_in_dim3A_120 : f32 to vector<16xf32>
      %swap3A_122 = arith.index_cast %scan3A_86 : i32 to index
      %swap3A_123 = arith.constant 80 : index
      %swap3A_124 = tpu.vector_load %arg8[%swap3A_122, %swap3A_123] {strides = array<i32>} : memref<128x128xf32, #tpu.memory_space<vmem>>, vector<1x16xf32>,
      %swap3A_125 = vector.shape_cast %swap3A_124 : vector<1x16xf32> to vector<16xf32>
      %swap3A_126 = vector.shape_cast %broadcast_in_dim3A_121 : vector<16xf32> to vector<1x16xf32>
      tpu.vector_store %arg8[%swap3A_122, %swap3A_123], %swap3A_126 {strides = array<i32>} : memref<128x128xf32, #tpu.memory_space<vmem>>, vector<1x16xf32>,
      %broadcast_in_dim3A_127 = arith.constant 0.000000e+00 : f32
      %broadcast_in_dim3A_128 = vector.broadcast %broadcast_in_dim3A_127 : f32 to vector<16xf32>
      %swap3A_129 = arith.index_cast %scan3A_86 : i32 to index
      %swap3A_130 = arith.constant 96 : index
      %swap3A_131 = tpu.vector_load %arg8[%swap3A_129, %swap3A_130] {strides = array<i32>} : memref<128x128xf32, #tpu.memory_space<vmem>>, vector<1x16xf32>,
      %swap3A_132 = vector.shape_cast %swap3A_131 : vector<1x16xf32> to vector<16xf32>
      %swap3A_133 = vector.shape_cast %broadcast_in_dim3A_128 : vector<16xf32> to vector<1x16xf32>
      tpu.vector_store %arg8[%swap3A_129, %swap3A_130], %swap3A_133 {strides = array<i32>} : memref<128x128xf32, #tpu.memory_space<vmem>>, vector<1x16xf32>,
      %broadcast_in_dim3A_134 = arith.constant 0.000000e+00 : f32
      %broadcast_in_dim3A_135 = vector.broadcast %broadcast_in_dim3A_134 : f32 to vector<16xf32>
      %swap3A_136 = arith.index_cast %scan3A_86 : i32 to index
      %swap3A_137 = arith.constant 112 : index
      %swap3A_138 = tpu.vector_load %arg8[%swap3A_136, %swap3A_137] {strides = array<i32>} : memref<128x128xf32, #tpu.memory_space<vmem>>, vector<1x16xf32>,
      %swap3A_139 = vector.shape_cast %swap3A_138 : vector<1x16xf32> to vector<16xf32>
      %swap3A_140 = vector.shape_cast %broadcast_in_dim3A_135 : vector<16xf32> to vector<1x16xf32>
      tpu.vector_store %arg8[%swap3A_136, %swap3A_137], %swap3A_140 {strides = array<i32>} : memref<128x128xf32, #tpu.memory_space<vmem>>, vector<1x16xf32>,
    }
    %scan3A_5 = arith.constant 128 : i32
    %mul3A_6 = arith.constant 640 : i32
    %mul3A_7 = arith.muli %arg1, %mul3A_6 : i32
    %add3A_8 = arith.constant 0 : i32
    %add3A_9 = arith.addi %mul3A_7, %add3A_8 : i32
    "tpu.region"() ({
      %run_scoped3A = tpu.sem_alloc : memref<!tpu.dma_semaphore, #tpu.memory_space<semaphore_mem>>
      %dma_start3A_86 = arith.constant 0 : i32
      %dma_start3A_87 = tpu.memref_slice %arg10[%add3A_9, %dma_start3A_86] : memref<10240x128xf32, #tpu.memory_space<vmem_shared>> -> memref<128x128xf32, #tpu.memory_space<vmem_shared>>
      %dma_start3A_88 = arith.constant 0 : i32
      %dma_start3A_89 = tpu.memref_slice %arg10[%add3A_9, %dma_start3A_88] : memref<10240x128xf32, #tpu.memory_space<vmem_shared>> -> memref<128x128xf32, #tpu.memory_space<vmem_shared>>
      tpu.enqueue_dma source(%arg8 : memref<128x128xf32, #tpu.memory_space<vmem>>) target(%dma_start3A_89 : memref<128x128xf32, #tpu.memory_space<vmem_shared>>) target_semaphore(%run_scoped3A : memref<!tpu.dma_semaphore, #tpu.memory_space<semaphore_mem>>)
      %dma_wait3A = arith.constant 0 : i32
      %dma_wait3A_90 = tpu.memref_slice %arg10[%add3A_9, %dma_wait3A] : memref<10240x128xf32, #tpu.memory_space<vmem_shared>> -> memref<128x128xf32, #tpu.memory_space<vmem_shared>>
      %dma_wait3A_91 = arith.constant 0 : i32
      %dma_wait3A_92 = tpu.memref_slice %arg10[%add3A_9, %dma_wait3A_91] : memref<10240x128xf32, #tpu.memory_space<vmem_shared>> -> memref<128x128xf32, #tpu.memory_space<vmem_shared>>
      tpu.wait_dma2 semaphore(%run_scoped3A : memref<!tpu.dma_semaphore, #tpu.memory_space<semaphore_mem>>) src(%arg8 : memref<128x128xf32, #tpu.memory_space<vmem>>) dst(%dma_wait3A_92 : memref<128x128xf32, #tpu.memory_space<vmem_shared>>)
      tpu.yield
    }) : () -> ()
    %mul3A_10 = arith.constant 640 : i32
    %mul3A_11 = arith.muli %arg1, %mul3A_10 : i32
    %add3A_12 = arith.constant 128 : i32
    %add3A_13 = arith.addi %mul3A_11, %add3A_12 : i32
    "tpu.region"() ({
      %run_scoped3A = tpu.sem_alloc : memref<!tpu.dma_semaphore, #tpu.memory_space<semaphore_mem>>
      %dma_start3A_86 = arith.constant 0 : i32
      %dma_start3A_87 = tpu.memref_slice %arg10[%add3A_13, %dma_start3A_86] : memref<10240x128xf32, #tpu.memory_space<vmem_shared>> -> memref<128x128xf32, #tpu.memory_space<vmem_shared>>
      %dma_start3A_88 = arith.constant 0 : i32
      %dma_start3A_89 = tpu.memref_slice %arg10[%add3A_13, %dma_start3A_88] : memref<10240x128xf32, #tpu.memory_space<vmem_shared>> -> memref<128x128xf32, #tpu.memory_space<vmem_shared>>
      tpu.enqueue_dma source(%arg8 : memref<128x128xf32, #tpu.memory_space<vmem>>) target(%dma_start3A_89 : memref<128x128xf32, #tpu.memory_space<vmem_shared>>) target_semaphore(%run_scoped3A : memref<!tpu.dma_semaphore, #tpu.memory_space<semaphore_mem>>)
      %dma_wait3A = arith.constant 0 : i32
      %dma_wait3A_90 = tpu.memref_slice %arg10[%add3A_13, %dma_wait3A] : memref<10240x128xf32, #tpu.memory_space<vmem_shared>> -> memref<128x128xf32, #tpu.memory_space<vmem_shared>>
      %dma_wait3A_91 = arith.constant 0 : i32
      %dma_wait3A_92 = tpu.memref_slice %arg10[%add3A_13, %dma_wait3A_91] : memref<10240x128xf32, #tpu.memory_space<vmem_shared>> -> memref<128x128xf32, #tpu.memory_space<vmem_shared>>
      tpu.wait_dma2 semaphore(%run_scoped3A : memref<!tpu.dma_semaphore, #tpu.memory_space<semaphore_mem>>) src(%arg8 : memref<128x128xf32, #tpu.memory_space<vmem>>) dst(%dma_wait3A_92 : memref<128x128xf32, #tpu.memory_space<vmem_shared>>)
      tpu.yield
    }) : () -> ()
    %mul3A_14 = arith.constant 640 : i32
    %mul3A_15 = arith.muli %arg1, %mul3A_14 : i32
    %add3A_16 = arith.constant 256 : i32
    %add3A_17 = arith.addi %mul3A_15, %add3A_16 : i32
    "tpu.region"() ({
      %run_scoped3A = tpu.sem_alloc : memref<!tpu.dma_semaphore, #tpu.memory_space<semaphore_mem>>
      %dma_start3A_86 = arith.constant 0 : i32
      %dma_start3A_87 = tpu.memref_slice %arg10[%add3A_17, %dma_start3A_86] : memref<10240x128xf32, #tpu.memory_space<vmem_shared>> -> memref<128x128xf32, #tpu.memory_space<vmem_shared>>
      %dma_start3A_88 = arith.constant 0 : i32
      %dma_start3A_89 = tpu.memref_slice %arg10[%add3A_17, %dma_start3A_88] : memref<10240x128xf32, #tpu.memory_space<vmem_shared>> -> memref<128x128xf32, #tpu.memory_space<vmem_shared>>
      tpu.enqueue_dma source(%arg8 : memref<128x128xf32, #tpu.memory_space<vmem>>) target(%dma_start3A_89 : memref<128x128xf32, #tpu.memory_space<vmem_shared>>) target_semaphore(%run_scoped3A : memref<!tpu.dma_semaphore, #tpu.memory_space<semaphore_mem>>)
      %dma_wait3A = arith.constant 0 : i32
      %dma_wait3A_90 = tpu.memref_slice %arg10[%add3A_17, %dma_wait3A] : memref<10240x128xf32, #tpu.memory_space<vmem_shared>> -> memref<128x128xf32, #tpu.memory_space<vmem_shared>>
      %dma_wait3A_91 = arith.constant 0 : i32
      %dma_wait3A_92 = tpu.memref_slice %arg10[%add3A_17, %dma_wait3A_91] : memref<10240x128xf32, #tpu.memory_space<vmem_shared>> -> memref<128x128xf32, #tpu.memory_space<vmem_shared>>
      tpu.wait_dma2 semaphore(%run_scoped3A : memref<!tpu.dma_semaphore, #tpu.memory_space<semaphore_mem>>) src(%arg8 : memref<128x128xf32, #tpu.memory_space<vmem>>) dst(%dma_wait3A_92 : memref<128x128xf32, #tpu.memory_space<vmem_shared>>)
      tpu.yield
    }) : () -> ()
    %mul3A_18 = arith.constant 640 : i32
    %mul3A_19 = arith.muli %arg1, %mul3A_18 : i32
    %add3A_20 = arith.constant 384 : i32
    %add3A_21 = arith.addi %mul3A_19, %add3A_20 : i32
    "tpu.region"() ({
      %run_scoped3A = tpu.sem_alloc : memref<!tpu.dma_semaphore, #tpu.memory_space<semaphore_mem>>
      %dma_start3A_86 = arith.constant 0 : i32
      %dma_start3A_87 = tpu.memref_slice %arg10[%add3A_21, %dma_start3A_86] : memref<10240x128xf32, #tpu.memory_space<vmem_shared>> -> memref<128x128xf32, #tpu.memory_space<vmem_shared>>
      %dma_start3A_88 = arith.constant 0 : i32
      %dma_start3A_89 = tpu.memref_slice %arg10[%add3A_21, %dma_start3A_88] : memref<10240x128xf32, #tpu.memory_space<vmem_shared>> -> memref<128x128xf32, #tpu.memory_space<vmem_shared>>
      tpu.enqueue_dma source(%arg8 : memref<128x128xf32, #tpu.memory_space<vmem>>) target(%dma_start3A_89 : memref<128x128xf32, #tpu.memory_space<vmem_shared>>) target_semaphore(%run_scoped3A : memref<!tpu.dma_semaphore, #tpu.memory_space<semaphore_mem>>)
      %dma_wait3A = arith.constant 0 : i32
      %dma_wait3A_90 = tpu.memref_slice %arg10[%add3A_21, %dma_wait3A] : memref<10240x128xf32, #tpu.memory_space<vmem_shared>> -> memref<128x128xf32, #tpu.memory_space<vmem_shared>>
      %dma_wait3A_91 = arith.constant 0 : i32
      %dma_wait3A_92 = tpu.memref_slice %arg10[%add3A_21, %dma_wait3A_91] : memref<10240x128xf32, #tpu.memory_space<vmem_shared>> -> memref<128x128xf32, #tpu.memory_space<vmem_shared>>
      tpu.wait_dma2 semaphore(%run_scoped3A : memref<!tpu.dma_semaphore, #tpu.memory_space<semaphore_mem>>) src(%arg8 : memref<128x128xf32, #tpu.memory_space<vmem>>) dst(%dma_wait3A_92 : memref<128x128xf32, #tpu.memory_space<vmem_shared>>)
      tpu.yield
    }) : () -> ()
    %mul3A_22 = arith.constant 640 : i32
    %mul3A_23 = arith.muli %arg1, %mul3A_22 : i32
    %add3A_24 = arith.constant 512 : i32
    %add3A_25 = arith.addi %mul3A_23, %add3A_24 : i32
    "tpu.region"() ({
      %run_scoped3A = tpu.sem_alloc : memref<!tpu.dma_semaphore, #tpu.memory_space<semaphore_mem>>
      %dma_start3A_86 = arith.constant 0 : i32
      %dma_start3A_87 = tpu.memref_slice %arg10[%add3A_25, %dma_start3A_86] : memref<10240x128xf32, #tpu.memory_space<vmem_shared>> -> memref<128x128xf32, #tpu.memory_space<vmem_shared>>
      %dma_start3A_88 = arith.constant 0 : i32
      %dma_start3A_89 = tpu.memref_slice %arg10[%add3A_25, %dma_start3A_88] : memref<10240x128xf32, #tpu.memory_space<vmem_shared>> -> memref<128x128xf32, #tpu.memory_space<vmem_shared>>
      tpu.enqueue_dma source(%arg8 : memref<128x128xf32, #tpu.memory_space<vmem>>) target(%dma_start3A_89 : memref<128x128xf32, #tpu.memory_space<vmem_shared>>) target_semaphore(%run_scoped3A : memref<!tpu.dma_semaphore, #tpu.memory_space<semaphore_mem>>)
      %dma_wait3A = arith.constant 0 : i32
      %dma_wait3A_90 = tpu.memref_slice %arg10[%add3A_25, %dma_wait3A] : memref<10240x128xf32, #tpu.memory_space<vmem_shared>> -> memref<128x128xf32, #tpu.memory_space<vmem_shared>>
      %dma_wait3A_91 = arith.constant 0 : i32
      %dma_wait3A_92 = tpu.memref_slice %arg10[%add3A_25, %dma_wait3A_91] : memref<10240x128xf32, #tpu.memory_space<vmem_shared>> -> memref<128x128xf32, #tpu.memory_space<vmem_shared>>
      tpu.wait_dma2 semaphore(%run_scoped3A : memref<!tpu.dma_semaphore, #tpu.memory_space<semaphore_mem>>) src(%arg8 : memref<128x128xf32, #tpu.memory_space<vmem>>) dst(%dma_wait3A_92 : memref<128x128xf32, #tpu.memory_space<vmem_shared>>)
      tpu.yield
    }) : () -> ()
    %barrier3A = arith.constant 0 : index
    tpu.barrier barrier_id(%barrier3A)
    "tpu.region"() ({
      %run_scoped3A = tpu.sem_alloc : memref<!tpu.dma_semaphore, #tpu.memory_space<semaphore_mem>>
      %dma_start3A_86 = arith.constant 0 : i32
      %dma_start3A_87 = arith.constant 0 : i32
      %dma_start3A_88 = tpu.memref_slice %arg3[%add3A, %dma_start3A_86, %dma_start3A_87] : memref<32x80x128xi32, #tpu.memory_space<hbm>> -> memref<1x40x128xi32, #tpu.memory_space<hbm>>
      %dma_start3A_89 = tpu.memref_squeeze %dma_start3A_88 : memref<1x40x128xi32, #tpu.memory_space<hbm>> -> memref<40x128xi32, #tpu.memory_space<hbm>>
      %dma_start3A_90 = arith.constant 0 : i32
      %dma_start3A_91 = arith.constant 0 : i32
      %dma_start3A_92 = tpu.memref_slice %arg3[%add3A, %dma_start3A_90, %dma_start3A_91] : memref<32x80x128xi32, #tpu.memory_space<hbm>> -> memref<1x40x128xi32, #tpu.memory_space<hbm>>
      %dma_start3A_93 = tpu.memref_squeeze %dma_start3A_92 : memref<1x40x128xi32, #tpu.memory_space<hbm>> -> memref<40x128xi32, #tpu.memory_space<hbm>>
      tpu.enqueue_dma source(%dma_start3A_93 : memref<40x128xi32, #tpu.memory_space<hbm>>) target(%arg6 : memref<40x128xi32, #tpu.memory_space<vmem>>) target_semaphore(%run_scoped3A : memref<!tpu.dma_semaphore, #tpu.memory_space<semaphore_mem>>)
      %dma_wait3A = arith.constant 0 : i32
      %dma_wait3A_94 = arith.constant 0 : i32
      %dma_wait3A_95 = tpu.memref_slice %arg3[%add3A, %dma_wait3A, %dma_wait3A_94] : memref<32x80x128xi32, #tpu.memory_space<hbm>> -> memref<1x40x128xi32, #tpu.memory_space<hbm>>
      %dma_wait3A_96 = tpu.memref_squeeze %dma_wait3A_95 : memref<1x40x128xi32, #tpu.memory_space<hbm>> -> memref<40x128xi32, #tpu.memory_space<hbm>>
      %dma_wait3A_97 = arith.constant 0 : i32
      %dma_wait3A_98 = arith.constant 0 : i32
      %dma_wait3A_99 = tpu.memref_slice %arg3[%add3A, %dma_wait3A_97, %dma_wait3A_98] : memref<32x80x128xi32, #tpu.memory_space<hbm>> -> memref<1x40x128xi32, #tpu.memory_space<hbm>>
      %dma_wait3A_100 = tpu.memref_squeeze %dma_wait3A_99 : memref<1x40x128xi32, #tpu.memory_space<hbm>> -> memref<40x128xi32, #tpu.memory_space<hbm>>
      tpu.wait_dma2 semaphore(%run_scoped3A : memref<!tpu.dma_semaphore, #tpu.memory_space<semaphore_mem>>) src(%dma_wait3A_100 : memref<40x128xi32, #tpu.memory_space<hbm>>) dst(%arg6 : memref<40x128xi32, #tpu.memory_space<vmem>>)
      tpu.yield
    }) : () -> ()
    "tpu.region"() ({
      %run_scoped3A = tpu.sem_alloc : memref<!tpu.dma_semaphore, #tpu.memory_space<semaphore_mem>>
      %dma_start3A_86 = arith.constant 0 : i32
      %dma_start3A_87 = arith.constant 0 : i32
      %dma_start3A_88 = tpu.memref_slice %arg4[%add3A, %dma_start3A_86, %dma_start3A_87] : memref<32x80x128xi32, #tpu.memory_space<hbm>> -> memref<1x40x128xi32, #tpu.memory_space<hbm>>
      %dma_start3A_89 = tpu.memref_squeeze %dma_start3A_88 : memref<1x40x128xi32, #tpu.memory_space<hbm>> -> memref<40x128xi32, #tpu.memory_space<hbm>>
      %dma_start3A_90 = arith.constant 0 : i32
      %dma_start3A_91 = arith.constant 0 : i32
      %dma_start3A_92 = tpu.memref_slice %arg4[%add3A, %dma_start3A_90, %dma_start3A_91] : memref<32x80x128xi32, #tpu.memory_space<hbm>> -> memref<1x40x128xi32, #tpu.memory_space<hbm>>
      %dma_start3A_93 = tpu.memref_squeeze %dma_start3A_92 : memref<1x40x128xi32, #tpu.memory_space<hbm>> -> memref<40x128xi32, #tpu.memory_space<hbm>>
      tpu.enqueue_dma source(%dma_start3A_93 : memref<40x128xi32, #tpu.memory_space<hbm>>) target(%arg7 : memref<40x128xi32, #tpu.memory_space<vmem>>) target_semaphore(%run_scoped3A : memref<!tpu.dma_semaphore, #tpu.memory_space<semaphore_mem>>)
      %dma_wait3A = arith.constant 0 : i32
      %dma_wait3A_94 = arith.constant 0 : i32
      %dma_wait3A_95 = tpu.memref_slice %arg4[%add3A, %dma_wait3A, %dma_wait3A_94] : memref<32x80x128xi32, #tpu.memory_space<hbm>> -> memref<1x40x128xi32, #tpu.memory_space<hbm>>
      %dma_wait3A_96 = tpu.memref_squeeze %dma_wait3A_95 : memref<1x40x128xi32, #tpu.memory_space<hbm>> -> memref<40x128xi32, #tpu.memory_space<hbm>>
      %dma_wait3A_97 = arith.constant 0 : i32
      %dma_wait3A_98 = arith.constant 0 : i32
      %dma_wait3A_99 = tpu.memref_slice %arg4[%add3A, %dma_wait3A_97, %dma_wait3A_98] : memref<32x80x128xi32, #tpu.memory_space<hbm>> -> memref<1x40x128xi32, #tpu.memory_space<hbm>>
      %dma_wait3A_100 = tpu.memref_squeeze %dma_wait3A_99 : memref<1x40x128xi32, #tpu.memory_space<hbm>> -> memref<40x128xi32, #tpu.memory_space<hbm>>
      tpu.wait_dma2 semaphore(%run_scoped3A : memref<!tpu.dma_semaphore, #tpu.memory_space<semaphore_mem>>) src(%dma_wait3A_100 : memref<40x128xi32, #tpu.memory_space<hbm>>) dst(%arg7 : memref<40x128xi32, #tpu.memory_space<vmem>>)
      tpu.yield
    }) : () -> ()
    %dma_start3A = arith.constant 0 : i32
    %dma_start3A_26 = arith.constant 0 : i32
    %dma_start3A_27 = tpu.memref_slice %arg6[%dma_start3A, %dma_start3A_26] : memref<40x128xi32, #tpu.memory_space<vmem>> -> memref<1x128xi32, #tpu.memory_space<vmem>>
    %dma_start3A_28 = tpu.memref_squeeze %dma_start3A_27 : memref<1x128xi32, #tpu.memory_space<vmem>> -> memref<128xi32, #tpu.memory_space<vmem>>
    %dma_start3A_29 = arith.constant 0 : i32
    %dma_start3A_30 = arith.constant 0 : i32
    %dma_start3A_31 = tpu.memref_slice %arg2[%dma_start3A_29, %dma_start3A_30] : memref<10000x128xf32, #tpu.memory_space<hbm>> -> memref<10000x128xf32, #tpu.memory_space<hbm>>
    tpu.enqueue_indirect_dma source(%dma_start3A_31 : memref<10000x128xf32, #tpu.memory_space<hbm>>) target(%arg8 : memref<128x128xf32, #tpu.memory_space<vmem>>) offsets(%dma_start3A_28 : memref<128xi32, #tpu.memory_space<vmem>>) semaphore(%arg11 : memref<!tpu.dma_semaphore, #tpu.memory_space<semaphore_mem>>)
    %dma_start3A_32 = arith.constant 1 : i32
    %dma_start3A_33 = arith.constant 0 : i32
    %dma_start3A_34 = tpu.memref_slice %arg6[%dma_start3A_32, %dma_start3A_33] : memref<40x128xi32, #tpu.memory_space<vmem>> -> memref<1x128xi32, #tpu.memory_space<vmem>>
    %dma_start3A_35 = tpu.memref_squeeze %dma_start3A_34 : memref<1x128xi32, #tpu.memory_space<vmem>> -> memref<128xi32, #tpu.memory_space<vmem>>
    %dma_start3A_36 = arith.constant 0 : i32
    %dma_start3A_37 = arith.constant 0 : i32
    %dma_start3A_38 = tpu.memref_slice %arg2[%dma_start3A_36, %dma_start3A_37] : memref<10000x128xf32, #tpu.memory_space<hbm>> -> memref<10000x128xf32, #tpu.memory_space<hbm>>
    tpu.enqueue_indirect_dma source(%dma_start3A_38 : memref<10000x128xf32, #tpu.memory_space<hbm>>) target(%arg9 : memref<128x128xf32, #tpu.memory_space<vmem>>) offsets(%dma_start3A_35 : memref<128xi32, #tpu.memory_space<vmem>>) semaphore(%arg12 : memref<!tpu.dma_semaphore, #tpu.memory_space<semaphore_mem>>)
    %scan3A_39 = arith.constant 0 : i32
    %scan3A_40 = arith.constant 0 : i32
    %scan3A_41 = arith.constant 20 : i32
    %scan3A_42 = arith.addi %scan3A_40, %scan3A_41 : i32
    %scan3A_43 = arith.constant 1 : i32
    scf.for %scan3A_86 = %scan3A_40 to %scan3A_42 step %scan3A_43  : i32 {
      %mul3A_87 = arith.constant 2 : i32
      %mul3A_88 = arith.muli %scan3A_86, %mul3A_87 : i32
      %add3A_89 = arith.constant 0 : i32
      %add3A_90 = arith.addi %mul3A_88, %add3A_89 : i32
      %dma_wait3A = arith.constant 0 : i32
      %dma_wait3A_91 = tpu.memref_slice %arg6[%add3A_90, %dma_wait3A] : memref<40x128xi32, #tpu.memory_space<vmem>> -> memref<1x128xi32, #tpu.memory_space<vmem>>
      %dma_wait3A_92 = tpu.memref_squeeze %dma_wait3A_91 : memref<1x128xi32, #tpu.memory_space<vmem>> -> memref<128xi32, #tpu.memory_space<vmem>>
      %dma_wait3A_93 = arith.constant 0 : i32
      %dma_wait3A_94 = arith.constant 0 : i32
      %dma_wait3A_95 = tpu.memref_slice %arg2[%dma_wait3A_93, %dma_wait3A_94] : memref<10000x128xf32, #tpu.memory_space<hbm>> -> memref<10000x128xf32, #tpu.memory_space<hbm>>
      tpu.wait_indirect_dma semaphore(%arg11 : memref<!tpu.dma_semaphore, #tpu.memory_space<semaphore_mem>>) src(%dma_wait3A_95 : memref<10000x128xf32, #tpu.memory_space<hbm>>) dst(%arg8 : memref<128x128xf32, #tpu.memory_space<vmem>>)
      "tpu.region"() ({
        %run_scoped3A = tpu.sem_alloc : memref<!tpu.dma_semaphore, #tpu.memory_space<semaphore_mem>>
        %dma_start3A_117 = arith.constant 0 : i32
        %dma_start3A_118 = tpu.memref_slice %arg7[%add3A_90, %dma_start3A_117] : memref<40x128xi32, #tpu.memory_space<vmem>> -> memref<1x128xi32, #tpu.memory_space<vmem>>
        %dma_start3A_119 = tpu.memref_squeeze %dma_start3A_118 : memref<1x128xi32, #tpu.memory_space<vmem>> -> memref<128xi32, #tpu.memory_space<vmem>>
        %dma_start3A_120 = arith.constant 0 : i32
        %dma_start3A_121 = arith.constant 0 : i32
        %dma_start3A_122 = tpu.memref_slice %arg10[%dma_start3A_120, %dma_start3A_121] : memref<10240x128xf32, #tpu.memory_space<vmem_shared>> -> memref<10240x128xf32, #tpu.memory_space<vmem_shared>>
        tpu.enqueue_indirect_dma source(%arg8 : memref<128x128xf32, #tpu.memory_space<vmem>>) target(%dma_start3A_122 : memref<10240x128xf32, #tpu.memory_space<vmem_shared>>) offsets(%dma_start3A_119 : memref<128xi32, #tpu.memory_space<vmem>>) semaphore(%run_scoped3A : memref<!tpu.dma_semaphore, #tpu.memory_space<semaphore_mem>>) {add = true}
        %dma_wait3A_123 = arith.constant 0 : i32
        %dma_wait3A_124 = tpu.memref_slice %arg7[%add3A_90, %dma_wait3A_123] : memref<40x128xi32, #tpu.memory_space<vmem>> -> memref<1x128xi32, #tpu.memory_space<vmem>>
        %dma_wait3A_125 = tpu.memref_squeeze %dma_wait3A_124 : memref<1x128xi32, #tpu.memory_space<vmem>> -> memref<128xi32, #tpu.memory_space<vmem>>
        %dma_wait3A_126 = arith.constant 0 : i32
        %dma_wait3A_127 = arith.constant 0 : i32
        %dma_wait3A_128 = tpu.memref_slice %arg10[%dma_wait3A_126, %dma_wait3A_127] : memref<10240x128xf32, #tpu.memory_space<vmem_shared>> -> memref<10240x128xf32, #tpu.memory_space<vmem_shared>>
        tpu.wait_indirect_dma semaphore(%run_scoped3A : memref<!tpu.dma_semaphore, #tpu.memory_space<semaphore_mem>>) src(%arg8 : memref<128x128xf32, #tpu.memory_space<vmem>>) dst(%dma_wait3A_128 : memref<10240x128xf32, #tpu.memory_space<vmem_shared>>)
        tpu.yield
      }) : () -> ()
      %add3A_96 = arith.constant 2 : i32
      %add3A_97 = arith.addi %add3A_90, %add3A_96 : i32
      %lt3A = arith.constant 40 : i32
      %lt3A_98 = arith.cmpi slt, %add3A_97, %lt3A : i32
      %convert_element_type3A = arith.extui %lt3A_98 : i1 to i32
      %cond3A = arith.constant 0 : i32
      %cond3A_99 = arith.cmpi ne, %convert_element_type3A, %cond3A : i32
      scf.if %cond3A_99 {
        %add3A_117 = arith.constant 2 : i32
        %add3A_118 = arith.addi %add3A_90, %add3A_117 : i32
        %dma_start3A_119 = arith.constant 0 : i32
        %dma_start3A_120 = tpu.memref_slice %arg6[%add3A_118, %dma_start3A_119] : memref<40x128xi32, #tpu.memory_space<vmem>> -> memref<1x128xi32, #tpu.memory_space<vmem>>
        %dma_start3A_121 = tpu.memref_squeeze %dma_start3A_120 : memref<1x128xi32, #tpu.memory_space<vmem>> -> memref<128xi32, #tpu.memory_space<vmem>>
        %dma_start3A_122 = arith.constant 0 : i32
        %dma_start3A_123 = arith.constant 0 : i32
        %dma_start3A_124 = tpu.memref_slice %arg2[%dma_start3A_122, %dma_start3A_123] : memref<10000x128xf32, #tpu.memory_space<hbm>> -> memref<10000x128xf32, #tpu.memory_space<hbm>>
        tpu.enqueue_indirect_dma source(%dma_start3A_124 : memref<10000x128xf32, #tpu.memory_space<hbm>>) target(%arg8 : memref<128x128xf32, #tpu.memory_space<vmem>>) offsets(%dma_start3A_121 : memref<128xi32, #tpu.memory_space<vmem>>) semaphore(%arg11 : memref<!tpu.dma_semaphore, #tpu.memory_space<semaphore_mem>>)
      } else {
      }
      %mul3A_100 = arith.constant 2 : i32
      %mul3A_101 = arith.muli %scan3A_86, %mul3A_100 : i32
      %add3A_102 = arith.constant 1 : i32
      %add3A_103 = arith.addi %mul3A_101, %add3A_102 : i32
      %dma_wait3A_104 = arith.constant 0 : i32
      %dma_wait3A_105 = tpu.memref_slice %arg6[%add3A_103, %dma_wait3A_104] : memref<40x128xi32, #tpu.memory_space<vmem>> -> memref<1x128xi32, #tpu.memory_space<vmem>>
      %dma_wait3A_106 = tpu.memref_squeeze %dma_wait3A_105 : memref<1x128xi32, #tpu.memory_space<vmem>> -> memref<128xi32, #tpu.memory_space<vmem>>
      %dma_wait3A_107 = arith.constant 0 : i32
      %dma_wait3A_108 = arith.constant 0 : i32
      %dma_wait3A_109 = tpu.memref_slice %arg2[%dma_wait3A_107, %dma_wait3A_108] : memref<10000x128xf32, #tpu.memory_space<hbm>> -> memref<10000x128xf32, #tpu.memory_space<hbm>>
      tpu.wait_indirect_dma semaphore(%arg12 : memref<!tpu.dma_semaphore, #tpu.memory_space<semaphore_mem>>) src(%dma_wait3A_109 : memref<10000x128xf32, #tpu.memory_space<hbm>>) dst(%arg9 : memref<128x128xf32, #tpu.memory_space<vmem>>)
      "tpu.region"() ({
        %run_scoped3A = tpu.sem_alloc : memref<!tpu.dma_semaphore, #tpu.memory_space<semaphore_mem>>
        %dma_start3A_117 = arith.constant 0 : i32
        %dma_start3A_118 = tpu.memref_slice %arg7[%add3A_103, %dma_start3A_117] : memref<40x128xi32, #tpu.memory_space<vmem>> -> memref<1x128xi32, #tpu.memory_space<vmem>>
        %dma_start3A_119 = tpu.memref_squeeze %dma_start3A_118 : memref<1x128xi32, #tpu.memory_space<vmem>> -> memref<128xi32, #tpu.memory_space<vmem>>
        %dma_start3A_120 = arith.constant 0 : i32
        %dma_start3A_121 = arith.constant 0 : i32
        %dma_start3A_122 = tpu.memref_slice %arg10[%dma_start3A_120, %dma_start3A_121] : memref<10240x128xf32, #tpu.memory_space<vmem_shared>> -> memref<10240x128xf32, #tpu.memory_space<vmem_shared>>
        tpu.enqueue_indirect_dma source(%arg9 : memref<128x128xf32, #tpu.memory_space<vmem>>) target(%dma_start3A_122 : memref<10240x128xf32, #tpu.memory_space<vmem_shared>>) offsets(%dma_start3A_119 : memref<128xi32, #tpu.memory_space<vmem>>) semaphore(%run_scoped3A : memref<!tpu.dma_semaphore, #tpu.memory_space<semaphore_mem>>) {add = true}
        %dma_wait3A_123 = arith.constant 0 : i32
        %dma_wait3A_124 = tpu.memref_slice %arg7[%add3A_103, %dma_wait3A_123] : memref<40x128xi32, #tpu.memory_space<vmem>> -> memref<1x128xi32, #tpu.memory_space<vmem>>
        %dma_wait3A_125 = tpu.memref_squeeze %dma_wait3A_124 : memref<1x128xi32, #tpu.memory_space<vmem>> -> memref<128xi32, #tpu.memory_space<vmem>>
        %dma_wait3A_126 = arith.constant 0 : i32
        %dma_wait3A_127 = arith.constant 0 : i32
        %dma_wait3A_128 = tpu.memref_slice %arg10[%dma_wait3A_126, %dma_wait3A_127] : memref<10240x128xf32, #tpu.memory_space<vmem_shared>> -> memref<10240x128xf32, #tpu.memory_space<vmem_shared>>
        tpu.wait_indirect_dma semaphore(%run_scoped3A : memref<!tpu.dma_semaphore, #tpu.memory_space<semaphore_mem>>) src(%arg9 : memref<128x128xf32, #tpu.memory_space<vmem>>) dst(%dma_wait3A_128 : memref<10240x128xf32, #tpu.memory_space<vmem_shared>>)
        tpu.yield
      }) : () -> ()
      %add3A_110 = arith.constant 2 : i32
      %add3A_111 = arith.addi %add3A_103, %add3A_110 : i32
      %lt3A_112 = arith.constant 40 : i32
      %lt3A_113 = arith.cmpi slt, %add3A_111, %lt3A_112 : i32
      %convert_element_type3A_114 = arith.extui %lt3A_113 : i1 to i32
      %cond3A_115 = arith.constant 0 : i32
      %cond3A_116 = arith.cmpi ne, %convert_element_type3A_114, %cond3A_115 : i32
      scf.if %cond3A_116 {
        %add3A_117 = arith.constant 2 : i32
        %add3A_118 = arith.addi %add3A_103, %add3A_117 : i32
        %dma_start3A_119 = arith.constant 0 : i32
        %dma_start3A_120 = tpu.memref_slice %arg6[%add3A_118, %dma_start3A_119] : memref<40x128xi32, #tpu.memory_space<vmem>> -> memref<1x128xi32, #tpu.memory_space<vmem>>
        %dma_start3A_121 = tpu.memref_squeeze %dma_start3A_120 : memref<1x128xi32, #tpu.memory_space<vmem>> -> memref<128xi32, #tpu.memory_space<vmem>>
        %dma_start3A_122 = arith.constant 0 : i32
        %dma_start3A_123 = arith.constant 0 : i32
        %dma_start3A_124 = tpu.memref_slice %arg2[%dma_start3A_122, %dma_start3A_123] : memref<10000x128xf32, #tpu.memory_space<hbm>> -> memref<10000x128xf32, #tpu.memory_space<hbm>>
        tpu.enqueue_indirect_dma source(%dma_start3A_124 : memref<10000x128xf32, #tpu.memory_space<hbm>>) target(%arg9 : memref<128x128xf32, #tpu.memory_space<vmem>>) offsets(%dma_start3A_121 : memref<128xi32, #tpu.memory_space<vmem>>) semaphore(%arg12 : memref<!tpu.dma_semaphore, #tpu.memory_space<semaphore_mem>>)
      } else {
      }
    }
    %scan3A_44 = arith.constant 20 : i32
    "tpu.region"() ({
      %run_scoped3A = tpu.sem_alloc : memref<!tpu.dma_semaphore, #tpu.memory_space<semaphore_mem>>
      %dma_start3A_86 = arith.constant 40 : i32
      %dma_start3A_87 = arith.constant 0 : i32
      %dma_start3A_88 = tpu.memref_slice %arg3[%add3A, %dma_start3A_86, %dma_start3A_87] : memref<32x80x128xi32, #tpu.memory_space<hbm>> -> memref<1x40x128xi32, #tpu.memory_space<hbm>>
      %dma_start3A_89 = tpu.memref_squeeze %dma_start3A_88 : memref<1x40x128xi32, #tpu.memory_space<hbm>> -> memref<40x128xi32, #tpu.memory_space<hbm>>
      %dma_start3A_90 = arith.constant 40 : i32
      %dma_start3A_91 = arith.constant 0 : i32
      %dma_start3A_92 = tpu.memref_slice %arg3[%add3A, %dma_start3A_90, %dma_start3A_91] : memref<32x80x128xi32, #tpu.memory_space<hbm>> -> memref<1x40x128xi32, #tpu.memory_space<hbm>>
      %dma_start3A_93 = tpu.memref_squeeze %dma_start3A_92 : memref<1x40x128xi32, #tpu.memory_space<hbm>> -> memref<40x128xi32, #tpu.memory_space<hbm>>
      tpu.enqueue_dma source(%dma_start3A_93 : memref<40x128xi32, #tpu.memory_space<hbm>>) target(%arg6 : memref<40x128xi32, #tpu.memory_space<vmem>>) target_semaphore(%run_scoped3A : memref<!tpu.dma_semaphore, #tpu.memory_space<semaphore_mem>>)
      %dma_wait3A = arith.constant 40 : i32
      %dma_wait3A_94 = arith.constant 0 : i32
      %dma_wait3A_95 = tpu.memref_slice %arg3[%add3A, %dma_wait3A, %dma_wait3A_94] : memref<32x80x128xi32, #tpu.memory_space<hbm>> -> memref<1x40x128xi32, #tpu.memory_space<hbm>>
      %dma_wait3A_96 = tpu.memref_squeeze %dma_wait3A_95 : memref<1x40x128xi32, #tpu.memory_space<hbm>> -> memref<40x128xi32, #tpu.memory_space<hbm>>
      %dma_wait3A_97 = arith.constant 40 : i32
      %dma_wait3A_98 = arith.constant 0 : i32
      %dma_wait3A_99 = tpu.memref_slice %arg3[%add3A, %dma_wait3A_97, %dma_wait3A_98] : memref<32x80x128xi32, #tpu.memory_space<hbm>> -> memref<1x40x128xi32, #tpu.memory_space<hbm>>
      %dma_wait3A_100 = tpu.memref_squeeze %dma_wait3A_99 : memref<1x40x128xi32, #tpu.memory_space<hbm>> -> memref<40x128xi32, #tpu.memory_space<hbm>>
      tpu.wait_dma2 semaphore(%run_scoped3A : memref<!tpu.dma_semaphore, #tpu.memory_space<semaphore_mem>>) src(%dma_wait3A_100 : memref<40x128xi32, #tpu.memory_space<hbm>>) dst(%arg6 : memref<40x128xi32, #tpu.memory_space<vmem>>)
      tpu.yield
    }) : () -> ()
    "tpu.region"() ({
      %run_scoped3A = tpu.sem_alloc : memref<!tpu.dma_semaphore, #tpu.memory_space<semaphore_mem>>
      %dma_start3A_86 = arith.constant 40 : i32
      %dma_start3A_87 = arith.constant 0 : i32
      %dma_start3A_88 = tpu.memref_slice %arg4[%add3A, %dma_start3A_86, %dma_start3A_87] : memref<32x80x128xi32, #tpu.memory_space<hbm>> -> memref<1x40x128xi32, #tpu.memory_space<hbm>>
      %dma_start3A_89 = tpu.memref_squeeze %dma_start3A_88 : memref<1x40x128xi32, #tpu.memory_space<hbm>> -> memref<40x128xi32, #tpu.memory_space<hbm>>
      %dma_start3A_90 = arith.constant 40 : i32
      %dma_start3A_91 = arith.constant 0 : i32
      %dma_start3A_92 = tpu.memref_slice %arg4[%add3A, %dma_start3A_90, %dma_start3A_91] : memref<32x80x128xi32, #tpu.memory_space<hbm>> -> memref<1x40x128xi32, #tpu.memory_space<hbm>>
      %dma_start3A_93 = tpu.memref_squeeze %dma_start3A_92 : memref<1x40x128xi32, #tpu.memory_space<hbm>> -> memref<40x128xi32, #tpu.memory_space<hbm>>
      tpu.enqueue_dma source(%dma_start3A_93 : memref<40x128xi32, #tpu.memory_space<hbm>>) target(%arg7 : memref<40x128xi32, #tpu.memory_space<vmem>>) target_semaphore(%run_scoped3A : memref<!tpu.dma_semaphore, #tpu.memory_space<semaphore_mem>>)
      %dma_wait3A = arith.constant 40 : i32
      %dma_wait3A_94 = arith.constant 0 : i32
      %dma_wait3A_95 = tpu.memref_slice %arg4[%add3A, %dma_wait3A, %dma_wait3A_94] : memref<32x80x128xi32, #tpu.memory_space<hbm>> -> memref<1x40x128xi32, #tpu.memory_space<hbm>>
      %dma_wait3A_96 = tpu.memref_squeeze %dma_wait3A_95 : memref<1x40x128xi32, #tpu.memory_space<hbm>> -> memref<40x128xi32, #tpu.memory_space<hbm>>
      %dma_wait3A_97 = arith.constant 40 : i32
      %dma_wait3A_98 = arith.constant 0 : i32
      %dma_wait3A_99 = tpu.memref_slice %arg4[%add3A, %dma_wait3A_97, %dma_wait3A_98] : memref<32x80x128xi32, #tpu.memory_space<hbm>> -> memref<1x40x128xi32, #tpu.memory_space<hbm>>
      %dma_wait3A_100 = tpu.memref_squeeze %dma_wait3A_99 : memref<1x40x128xi32, #tpu.memory_space<hbm>> -> memref<40x128xi32, #tpu.memory_space<hbm>>
      tpu.wait_dma2 semaphore(%run_scoped3A : memref<!tpu.dma_semaphore, #tpu.memory_space<semaphore_mem>>) src(%dma_wait3A_100 : memref<40x128xi32, #tpu.memory_space<hbm>>) dst(%arg7 : memref<40x128xi32, #tpu.memory_space<vmem>>)
      tpu.yield
    }) : () -> ()
    %dma_start3A_45 = arith.constant 0 : i32
    %dma_start3A_46 = arith.constant 0 : i32
    %dma_start3A_47 = tpu.memref_slice %arg6[%dma_start3A_45, %dma_start3A_46] : memref<40x128xi32, #tpu.memory_space<vmem>> -> memref<1x128xi32, #tpu.memory_space<vmem>>
    %dma_start3A_48 = tpu.memref_squeeze %dma_start3A_47 : memref<1x128xi32, #tpu.memory_space<vmem>> -> memref<128xi32, #tpu.memory_space<vmem>>
    %dma_start3A_49 = arith.constant 0 : i32
    %dma_start3A_50 = arith.constant 0 : i32
    %dma_start3A_51 = tpu.memref_slice %arg2[%dma_start3A_49, %dma_start3A_50] : memref<10000x128xf32, #tpu.memory_space<hbm>> -> memref<10000x128xf32, #tpu.memory_space<hbm>>
    tpu.enqueue_indirect_dma source(%dma_start3A_51 : memref<10000x128xf32, #tpu.memory_space<hbm>>) target(%arg8 : memref<128x128xf32, #tpu.memory_space<vmem>>) offsets(%dma_start3A_48 : memref<128xi32, #tpu.memory_space<vmem>>) semaphore(%arg11 : memref<!tpu.dma_semaphore, #tpu.memory_space<semaphore_mem>>)
    %dma_start3A_52 = arith.constant 1 : i32
    %dma_start3A_53 = arith.constant 0 : i32
    %dma_start3A_54 = tpu.memref_slice %arg6[%dma_start3A_52, %dma_start3A_53] : memref<40x128xi32, #tpu.memory_space<vmem>> -> memref<1x128xi32, #tpu.memory_space<vmem>>
    %dma_start3A_55 = tpu.memref_squeeze %dma_start3A_54 : memref<1x128xi32, #tpu.memory_space<vmem>> -> memref<128xi32, #tpu.memory_space<vmem>>
    %dma_start3A_56 = arith.constant 0 : i32
    %dma_start3A_57 = arith.constant 0 : i32
    %dma_start3A_58 = tpu.memref_slice %arg2[%dma_start3A_56, %dma_start3A_57] : memref<10000x128xf32, #tpu.memory_space<hbm>> -> memref<10000x128xf32, #tpu.memory_space<hbm>>
    tpu.enqueue_indirect_dma source(%dma_start3A_58 : memref<10000x128xf32, #tpu.memory_space<hbm>>) target(%arg9 : memref<128x128xf32, #tpu.memory_space<vmem>>) offsets(%dma_start3A_55 : memref<128xi32, #tpu.memory_space<vmem>>) semaphore(%arg12 : memref<!tpu.dma_semaphore, #tpu.memory_space<semaphore_mem>>)
    %scan3A_59 = arith.constant 0 : i32
    %scan3A_60 = arith.constant 0 : i32
    %scan3A_61 = arith.constant 20 : i32
    %scan3A_62 = arith.addi %scan3A_60, %scan3A_61 : i32
    %scan3A_63 = arith.constant 1 : i32
    scf.for %scan3A_86 = %scan3A_60 to %scan3A_62 step %scan3A_63  : i32 {
      %mul3A_87 = arith.constant 2 : i32
      %mul3A_88 = arith.muli %scan3A_86, %mul3A_87 : i32
      %add3A_89 = arith.constant 0 : i32
      %add3A_90 = arith.addi %mul3A_88, %add3A_89 : i32
      %dma_wait3A = arith.constant 0 : i32
      %dma_wait3A_91 = tpu.memref_slice %arg6[%add3A_90, %dma_wait3A] : memref<40x128xi32, #tpu.memory_space<vmem>> -> memref<1x128xi32, #tpu.memory_space<vmem>>
      %dma_wait3A_92 = tpu.memref_squeeze %dma_wait3A_91 : memref<1x128xi32, #tpu.memory_space<vmem>> -> memref<128xi32, #tpu.memory_space<vmem>>
      %dma_wait3A_93 = arith.constant 0 : i32
      %dma_wait3A_94 = arith.constant 0 : i32
      %dma_wait3A_95 = tpu.memref_slice %arg2[%dma_wait3A_93, %dma_wait3A_94] : memref<10000x128xf32, #tpu.memory_space<hbm>> -> memref<10000x128xf32, #tpu.memory_space<hbm>>
      tpu.wait_indirect_dma semaphore(%arg11 : memref<!tpu.dma_semaphore, #tpu.memory_space<semaphore_mem>>) src(%dma_wait3A_95 : memref<10000x128xf32, #tpu.memory_space<hbm>>) dst(%arg8 : memref<128x128xf32, #tpu.memory_space<vmem>>)
      "tpu.region"() ({
        %run_scoped3A = tpu.sem_alloc : memref<!tpu.dma_semaphore, #tpu.memory_space<semaphore_mem>>
        %dma_start3A_117 = arith.constant 0 : i32
        %dma_start3A_118 = tpu.memref_slice %arg7[%add3A_90, %dma_start3A_117] : memref<40x128xi32, #tpu.memory_space<vmem>> -> memref<1x128xi32, #tpu.memory_space<vmem>>
        %dma_start3A_119 = tpu.memref_squeeze %dma_start3A_118 : memref<1x128xi32, #tpu.memory_space<vmem>> -> memref<128xi32, #tpu.memory_space<vmem>>
        %dma_start3A_120 = arith.constant 0 : i32
        %dma_start3A_121 = arith.constant 0 : i32
        %dma_start3A_122 = tpu.memref_slice %arg10[%dma_start3A_120, %dma_start3A_121] : memref<10240x128xf32, #tpu.memory_space<vmem_shared>> -> memref<10240x128xf32, #tpu.memory_space<vmem_shared>>
        tpu.enqueue_indirect_dma source(%arg8 : memref<128x128xf32, #tpu.memory_space<vmem>>) target(%dma_start3A_122 : memref<10240x128xf32, #tpu.memory_space<vmem_shared>>) offsets(%dma_start3A_119 : memref<128xi32, #tpu.memory_space<vmem>>) semaphore(%run_scoped3A : memref<!tpu.dma_semaphore, #tpu.memory_space<semaphore_mem>>) {add = true}
        %dma_wait3A_123 = arith.constant 0 : i32
        %dma_wait3A_124 = tpu.memref_slice %arg7[%add3A_90, %dma_wait3A_123] : memref<40x128xi32, #tpu.memory_space<vmem>> -> memref<1x128xi32, #tpu.memory_space<vmem>>
        %dma_wait3A_125 = tpu.memref_squeeze %dma_wait3A_124 : memref<1x128xi32, #tpu.memory_space<vmem>> -> memref<128xi32, #tpu.memory_space<vmem>>
        %dma_wait3A_126 = arith.constant 0 : i32
        %dma_wait3A_127 = arith.constant 0 : i32
        %dma_wait3A_128 = tpu.memref_slice %arg10[%dma_wait3A_126, %dma_wait3A_127] : memref<10240x128xf32, #tpu.memory_space<vmem_shared>> -> memref<10240x128xf32, #tpu.memory_space<vmem_shared>>
        tpu.wait_indirect_dma semaphore(%run_scoped3A : memref<!tpu.dma_semaphore, #tpu.memory_space<semaphore_mem>>) src(%arg8 : memref<128x128xf32, #tpu.memory_space<vmem>>) dst(%dma_wait3A_128 : memref<10240x128xf32, #tpu.memory_space<vmem_shared>>)
        tpu.yield
      }) : () -> ()
      %add3A_96 = arith.constant 2 : i32
      %add3A_97 = arith.addi %add3A_90, %add3A_96 : i32
      %lt3A = arith.constant 40 : i32
      %lt3A_98 = arith.cmpi slt, %add3A_97, %lt3A : i32
      %convert_element_type3A = arith.extui %lt3A_98 : i1 to i32
      %cond3A = arith.constant 0 : i32
      %cond3A_99 = arith.cmpi ne, %convert_element_type3A, %cond3A : i32
      scf.if %cond3A_99 {
        %add3A_117 = arith.constant 2 : i32
        %add3A_118 = arith.addi %add3A_90, %add3A_117 : i32
        %dma_start3A_119 = arith.constant 0 : i32
        %dma_start3A_120 = tpu.memref_slice %arg6[%add3A_118, %dma_start3A_119] : memref<40x128xi32, #tpu.memory_space<vmem>> -> memref<1x128xi32, #tpu.memory_space<vmem>>
        %dma_start3A_121 = tpu.memref_squeeze %dma_start3A_120 : memref<1x128xi32, #tpu.memory_space<vmem>> -> memref<128xi32, #tpu.memory_space<vmem>>
        %dma_start3A_122 = arith.constant 0 : i32
        %dma_start3A_123 = arith.constant 0 : i32
        %dma_start3A_124 = tpu.memref_slice %arg2[%dma_start3A_122, %dma_start3A_123] : memref<10000x128xf32, #tpu.memory_space<hbm>> -> memref<10000x128xf32, #tpu.memory_space<hbm>>
        tpu.enqueue_indirect_dma source(%dma_start3A_124 : memref<10000x128xf32, #tpu.memory_space<hbm>>) target(%arg8 : memref<128x128xf32, #tpu.memory_space<vmem>>) offsets(%dma_start3A_121 : memref<128xi32, #tpu.memory_space<vmem>>) semaphore(%arg11 : memref<!tpu.dma_semaphore, #tpu.memory_space<semaphore_mem>>)
      } else {
      }
      %mul3A_100 = arith.constant 2 : i32
      %mul3A_101 = arith.muli %scan3A_86, %mul3A_100 : i32
      %add3A_102 = arith.constant 1 : i32
      %add3A_103 = arith.addi %mul3A_101, %add3A_102 : i32
      %dma_wait3A_104 = arith.constant 0 : i32
      %dma_wait3A_105 = tpu.memref_slice %arg6[%add3A_103, %dma_wait3A_104] : memref<40x128xi32, #tpu.memory_space<vmem>> -> memref<1x128xi32, #tpu.memory_space<vmem>>
      %dma_wait3A_106 = tpu.memref_squeeze %dma_wait3A_105 : memref<1x128xi32, #tpu.memory_space<vmem>> -> memref<128xi32, #tpu.memory_space<vmem>>
      %dma_wait3A_107 = arith.constant 0 : i32
      %dma_wait3A_108 = arith.constant 0 : i32
      %dma_wait3A_109 = tpu.memref_slice %arg2[%dma_wait3A_107, %dma_wait3A_108] : memref<10000x128xf32, #tpu.memory_space<hbm>> -> memref<10000x128xf32, #tpu.memory_space<hbm>>
      tpu.wait_indirect_dma semaphore(%arg12 : memref<!tpu.dma_semaphore, #tpu.memory_space<semaphore_mem>>) src(%dma_wait3A_109 : memref<10000x128xf32, #tpu.memory_space<hbm>>) dst(%arg9 : memref<128x128xf32, #tpu.memory_space<vmem>>)
      "tpu.region"() ({
        %run_scoped3A = tpu.sem_alloc : memref<!tpu.dma_semaphore, #tpu.memory_space<semaphore_mem>>
        %dma_start3A_117 = arith.constant 0 : i32
        %dma_start3A_118 = tpu.memref_slice %arg7[%add3A_103, %dma_start3A_117] : memref<40x128xi32, #tpu.memory_space<vmem>> -> memref<1x128xi32, #tpu.memory_space<vmem>>
        %dma_start3A_119 = tpu.memref_squeeze %dma_start3A_118 : memref<1x128xi32, #tpu.memory_space<vmem>> -> memref<128xi32, #tpu.memory_space<vmem>>
        %dma_start3A_120 = arith.constant 0 : i32
        %dma_start3A_121 = arith.constant 0 : i32
        %dma_start3A_122 = tpu.memref_slice %arg10[%dma_start3A_120, %dma_start3A_121] : memref<10240x128xf32, #tpu.memory_space<vmem_shared>> -> memref<10240x128xf32, #tpu.memory_space<vmem_shared>>
        tpu.enqueue_indirect_dma source(%arg9 : memref<128x128xf32, #tpu.memory_space<vmem>>) target(%dma_start3A_122 : memref<10240x128xf32, #tpu.memory_space<vmem_shared>>) offsets(%dma_start3A_119 : memref<128xi32, #tpu.memory_space<vmem>>) semaphore(%run_scoped3A : memref<!tpu.dma_semaphore, #tpu.memory_space<semaphore_mem>>) {add = true}
        %dma_wait3A_123 = arith.constant 0 : i32
        %dma_wait3A_124 = tpu.memref_slice %arg7[%add3A_103, %dma_wait3A_123] : memref<40x128xi32, #tpu.memory_space<vmem>> -> memref<1x128xi32, #tpu.memory_space<vmem>>
        %dma_wait3A_125 = tpu.memref_squeeze %dma_wait3A_124 : memref<1x128xi32, #tpu.memory_space<vmem>> -> memref<128xi32, #tpu.memory_space<vmem>>
        %dma_wait3A_126 = arith.constant 0 : i32
        %dma_wait3A_127 = arith.constant 0 : i32
        %dma_wait3A_128 = tpu.memref_slice %arg10[%dma_wait3A_126, %dma_wait3A_127] : memref<10240x128xf32, #tpu.memory_space<vmem_shared>> -> memref<10240x128xf32, #tpu.memory_space<vmem_shared>>
        tpu.wait_indirect_dma semaphore(%run_scoped3A : memref<!tpu.dma_semaphore, #tpu.memory_space<semaphore_mem>>) src(%arg9 : memref<128x128xf32, #tpu.memory_space<vmem>>) dst(%dma_wait3A_128 : memref<10240x128xf32, #tpu.memory_space<vmem_shared>>)
        tpu.yield
      }) : () -> ()
      %add3A_110 = arith.constant 2 : i32
      %add3A_111 = arith.addi %add3A_103, %add3A_110 : i32
      %lt3A_112 = arith.constant 40 : i32
      %lt3A_113 = arith.cmpi slt, %add3A_111, %lt3A_112 : i32
      %convert_element_type3A_114 = arith.extui %lt3A_113 : i1 to i32
      %cond3A_115 = arith.constant 0 : i32
      %cond3A_116 = arith.cmpi ne, %convert_element_type3A_114, %cond3A_115 : i32
      scf.if %cond3A_116 {
        %add3A_117 = arith.constant 2 : i32
        %add3A_118 = arith.addi %add3A_103, %add3A_117 : i32
        %dma_start3A_119 = arith.constant 0 : i32
        %dma_start3A_120 = tpu.memref_slice %arg6[%add3A_118, %dma_start3A_119] : memref<40x128xi32, #tpu.memory_space<vmem>> -> memref<1x128xi32, #tpu.memory_space<vmem>>
        %dma_start3A_121 = tpu.memref_squeeze %dma_start3A_120 : memref<1x128xi32, #tpu.memory_space<vmem>> -> memref<128xi32, #tpu.memory_space<vmem>>
        %dma_start3A_122 = arith.constant 0 : i32
        %dma_start3A_123 = arith.constant 0 : i32
        %dma_start3A_124 = tpu.memref_slice %arg2[%dma_start3A_122, %dma_start3A_123] : memref<10000x128xf32, #tpu.memory_space<hbm>> -> memref<10000x128xf32, #tpu.memory_space<hbm>>
        tpu.enqueue_indirect_dma source(%dma_start3A_124 : memref<10000x128xf32, #tpu.memory_space<hbm>>) target(%arg9 : memref<128x128xf32, #tpu.memory_space<vmem>>) offsets(%dma_start3A_121 : memref<128xi32, #tpu.memory_space<vmem>>) semaphore(%arg12 : memref<!tpu.dma_semaphore, #tpu.memory_space<semaphore_mem>>)
      } else {
      }
    }
    %scan3A_64 = arith.constant 20 : i32
    %barrier3A_65 = arith.constant 0 : index
    tpu.barrier barrier_id(%barrier3A_65)
    %mul3A_66 = arith.constant 640 : i32
    %mul3A_67 = arith.muli %arg1, %mul3A_66 : i32
    %add3A_68 = arith.constant 0 : i32
    %add3A_69 = arith.addi %mul3A_67, %add3A_68 : i32
    "tpu.region"() ({
      %run_scoped3A = tpu.sem_alloc : memref<!tpu.dma_semaphore, #tpu.memory_space<semaphore_mem>>
      %dma_start3A_86 = arith.constant 0 : i32
      %dma_start3A_87 = tpu.memref_slice %arg5[%arg0, %add3A_69, %dma_start3A_86] : memref<2x10240x128xf32, #tpu.memory_space<hbm>> -> memref<1x128x128xf32, #tpu.memory_space<hbm>>
      %dma_start3A_88 = tpu.memref_squeeze %dma_start3A_87 : memref<1x128x128xf32, #tpu.memory_space<hbm>> -> memref<128x128xf32, #tpu.memory_space<hbm>>
      %dma_start3A_89 = arith.constant 0 : i32
      %dma_start3A_90 = tpu.memref_slice %arg10[%add3A_69, %dma_start3A_89] : memref<10240x128xf32, #tpu.memory_space<vmem_shared>> -> memref<128x128xf32, #tpu.memory_space<vmem_shared>>
      tpu.enqueue_dma source(%dma_start3A_90 : memref<128x128xf32, #tpu.memory_space<vmem_shared>>) target(%dma_start3A_88 : memref<128x128xf32, #tpu.memory_space<hbm>>) target_semaphore(%run_scoped3A : memref<!tpu.dma_semaphore, #tpu.memory_space<semaphore_mem>>)
      %dma_wait3A = arith.constant 0 : i32
      %dma_wait3A_91 = tpu.memref_slice %arg5[%arg0, %add3A_69, %dma_wait3A] : memref<2x10240x128xf32, #tpu.memory_space<hbm>> -> memref<1x128x128xf32, #tpu.memory_space<hbm>>
      %dma_wait3A_92 = tpu.memref_squeeze %dma_wait3A_91 : memref<1x128x128xf32, #tpu.memory_space<hbm>> -> memref<128x128xf32, #tpu.memory_space<hbm>>
      %dma_wait3A_93 = arith.constant 0 : i32
      %dma_wait3A_94 = tpu.memref_slice %arg10[%add3A_69, %dma_wait3A_93] : memref<10240x128xf32, #tpu.memory_space<vmem_shared>> -> memref<128x128xf32, #tpu.memory_space<vmem_shared>>
      tpu.wait_dma2 semaphore(%run_scoped3A : memref<!tpu.dma_semaphore, #tpu.memory_space<semaphore_mem>>) src(%dma_wait3A_94 : memref<128x128xf32, #tpu.memory_space<vmem_shared>>) dst(%dma_wait3A_92 : memref<128x128xf32, #tpu.memory_space<hbm>>)
      tpu.yield
    }) : () -> ()
    %mul3A_70 = arith.constant 640 : i32
    %mul3A_71 = arith.muli %arg1, %mul3A_70 : i32
    %add3A_72 = arith.constant 128 : i32
    %add3A_73 = arith.addi %mul3A_71, %add3A_72 : i32
    "tpu.region"() ({
      %run_scoped3A = tpu.sem_alloc : memref<!tpu.dma_semaphore, #tpu.memory_space<semaphore_mem>>
      %dma_start3A_86 = arith.constant 0 : i32
      %dma_start3A_87 = tpu.memref_slice %arg5[%arg0, %add3A_73, %dma_start3A_86] : memref<2x10240x128xf32, #tpu.memory_space<hbm>> -> memref<1x128x128xf32, #tpu.memory_space<hbm>>
      %dma_start3A_88 = tpu.memref_squeeze %dma_start3A_87 : memref<1x128x128xf32, #tpu.memory_space<hbm>> -> memref<128x128xf32, #tpu.memory_space<hbm>>
      %dma_start3A_89 = arith.constant 0 : i32
      %dma_start3A_90 = tpu.memref_slice %arg10[%add3A_73, %dma_start3A_89] : memref<10240x128xf32, #tpu.memory_space<vmem_shared>> -> memref<128x128xf32, #tpu.memory_space<vmem_shared>>
      tpu.enqueue_dma source(%dma_start3A_90 : memref<128x128xf32, #tpu.memory_space<vmem_shared>>) target(%dma_start3A_88 : memref<128x128xf32, #tpu.memory_space<hbm>>) target_semaphore(%run_scoped3A : memref<!tpu.dma_semaphore, #tpu.memory_space<semaphore_mem>>)
      %dma_wait3A = arith.constant 0 : i32
      %dma_wait3A_91 = tpu.memref_slice %arg5[%arg0, %add3A_73, %dma_wait3A] : memref<2x10240x128xf32, #tpu.memory_space<hbm>> -> memref<1x128x128xf32, #tpu.memory_space<hbm>>
      %dma_wait3A_92 = tpu.memref_squeeze %dma_wait3A_91 : memref<1x128x128xf32, #tpu.memory_space<hbm>> -> memref<128x128xf32, #tpu.memory_space<hbm>>
      %dma_wait3A_93 = arith.constant 0 : i32
      %dma_wait3A_94 = tpu.memref_slice %arg10[%add3A_73, %dma_wait3A_93] : memref<10240x128xf32, #tpu.memory_space<vmem_shared>> -> memref<128x128xf32, #tpu.memory_space<vmem_shared>>
      tpu.wait_dma2 semaphore(%run_scoped3A : memref<!tpu.dma_semaphore, #tpu.memory_space<semaphore_mem>>) src(%dma_wait3A_94 : memref<128x128xf32, #tpu.memory_space<vmem_shared>>) dst(%dma_wait3A_92 : memref<128x128xf32, #tpu.memory_space<hbm>>)
      tpu.yield
    }) : () -> ()
    %mul3A_74 = arith.constant 640 : i32
    %mul3A_75 = arith.muli %arg1, %mul3A_74 : i32
    %add3A_76 = arith.constant 256 : i32
    %add3A_77 = arith.addi %mul3A_75, %add3A_76 : i32
    "tpu.region"() ({
      %run_scoped3A = tpu.sem_alloc : memref<!tpu.dma_semaphore, #tpu.memory_space<semaphore_mem>>
      %dma_start3A_86 = arith.constant 0 : i32
      %dma_start3A_87 = tpu.memref_slice %arg5[%arg0, %add3A_77, %dma_start3A_86] : memref<2x10240x128xf32, #tpu.memory_space<hbm>> -> memref<1x128x128xf32, #tpu.memory_space<hbm>>
      %dma_start3A_88 = tpu.memref_squeeze %dma_start3A_87 : memref<1x128x128xf32, #tpu.memory_space<hbm>> -> memref<128x128xf32, #tpu.memory_space<hbm>>
      %dma_start3A_89 = arith.constant 0 : i32
      %dma_start3A_90 = tpu.memref_slice %arg10[%add3A_77, %dma_start3A_89] : memref<10240x128xf32, #tpu.memory_space<vmem_shared>> -> memref<128x128xf32, #tpu.memory_space<vmem_shared>>
      tpu.enqueue_dma source(%dma_start3A_90 : memref<128x128xf32, #tpu.memory_space<vmem_shared>>) target(%dma_start3A_88 : memref<128x128xf32, #tpu.memory_space<hbm>>) target_semaphore(%run_scoped3A : memref<!tpu.dma_semaphore, #tpu.memory_space<semaphore_mem>>)
      %dma_wait3A = arith.constant 0 : i32
      %dma_wait3A_91 = tpu.memref_slice %arg5[%arg0, %add3A_77, %dma_wait3A] : memref<2x10240x128xf32, #tpu.memory_space<hbm>> -> memref<1x128x128xf32, #tpu.memory_space<hbm>>
      %dma_wait3A_92 = tpu.memref_squeeze %dma_wait3A_91 : memref<1x128x128xf32, #tpu.memory_space<hbm>> -> memref<128x128xf32, #tpu.memory_space<hbm>>
      %dma_wait3A_93 = arith.constant 0 : i32
      %dma_wait3A_94 = tpu.memref_slice %arg10[%add3A_77, %dma_wait3A_93] : memref<10240x128xf32, #tpu.memory_space<vmem_shared>> -> memref<128x128xf32, #tpu.memory_space<vmem_shared>>
      tpu.wait_dma2 semaphore(%run_scoped3A : memref<!tpu.dma_semaphore, #tpu.memory_space<semaphore_mem>>) src(%dma_wait3A_94 : memref<128x128xf32, #tpu.memory_space<vmem_shared>>) dst(%dma_wait3A_92 : memref<128x128xf32, #tpu.memory_space<hbm>>)
      tpu.yield
    }) : () -> ()
    %mul3A_78 = arith.constant 640 : i32
    %mul3A_79 = arith.muli %arg1, %mul3A_78 : i32
    %add3A_80 = arith.constant 384 : i32
    %add3A_81 = arith.addi %mul3A_79, %add3A_80 : i32
    "tpu.region"() ({
      %run_scoped3A = tpu.sem_alloc : memref<!tpu.dma_semaphore, #tpu.memory_space<semaphore_mem>>
      %dma_start3A_86 = arith.constant 0 : i32
      %dma_start3A_87 = tpu.memref_slice %arg5[%arg0, %add3A_81, %dma_start3A_86] : memref<2x10240x128xf32, #tpu.memory_space<hbm>> -> memref<1x128x128xf32, #tpu.memory_space<hbm>>
      %dma_start3A_88 = tpu.memref_squeeze %dma_start3A_87 : memref<1x128x128xf32, #tpu.memory_space<hbm>> -> memref<128x128xf32, #tpu.memory_space<hbm>>
      %dma_start3A_89 = arith.constant 0 : i32
      %dma_start3A_90 = tpu.memref_slice %arg10[%add3A_81, %dma_start3A_89] : memref<10240x128xf32, #tpu.memory_space<vmem_shared>> -> memref<128x128xf32, #tpu.memory_space<vmem_shared>>
      tpu.enqueue_dma source(%dma_start3A_90 : memref<128x128xf32, #tpu.memory_space<vmem_shared>>) target(%dma_start3A_88 : memref<128x128xf32, #tpu.memory_space<hbm>>) target_semaphore(%run_scoped3A : memref<!tpu.dma_semaphore, #tpu.memory_space<semaphore_mem>>)
      %dma_wait3A = arith.constant 0 : i32
      %dma_wait3A_91 = tpu.memref_slice %arg5[%arg0, %add3A_81, %dma_wait3A] : memref<2x10240x128xf32, #tpu.memory_space<hbm>> -> memref<1x128x128xf32, #tpu.memory_space<hbm>>
      %dma_wait3A_92 = tpu.memref_squeeze %dma_wait3A_91 : memref<1x128x128xf32, #tpu.memory_space<hbm>> -> memref<128x128xf32, #tpu.memory_space<hbm>>
      %dma_wait3A_93 = arith.constant 0 : i32
      %dma_wait3A_94 = tpu.memref_slice %arg10[%add3A_81, %dma_wait3A_93] : memref<10240x128xf32, #tpu.memory_space<vmem_shared>> -> memref<128x128xf32, #tpu.memory_space<vmem_shared>>
      tpu.wait_dma2 semaphore(%run_scoped3A : memref<!tpu.dma_semaphore, #tpu.memory_space<semaphore_mem>>) src(%dma_wait3A_94 : memref<128x128xf32, #tpu.memory_space<vmem_shared>>) dst(%dma_wait3A_92 : memref<128x128xf32, #tpu.memory_space<hbm>>)
      tpu.yield
    }) : () -> ()
    %mul3A_82 = arith.constant 640 : i32
    %mul3A_83 = arith.muli %arg1, %mul3A_82 : i32
    %add3A_84 = arith.constant 512 : i32
    %add3A_85 = arith.addi %mul3A_83, %add3A_84 : i32
    "tpu.region"() ({
      %run_scoped3A = tpu.sem_alloc : memref<!tpu.dma_semaphore, #tpu.memory_space<semaphore_mem>>
      %dma_start3A_86 = arith.constant 0 : i32
      %dma_start3A_87 = tpu.memref_slice %arg5[%arg0, %add3A_85, %dma_start3A_86] : memref<2x10240x128xf32, #tpu.memory_space<hbm>> -> memref<1x128x128xf32, #tpu.memory_space<hbm>>
      %dma_start3A_88 = tpu.memref_squeeze %dma_start3A_87 : memref<1x128x128xf32, #tpu.memory_space<hbm>> -> memref<128x128xf32, #tpu.memory_space<hbm>>
      %dma_start3A_89 = arith.constant 0 : i32
      %dma_start3A_90 = tpu.memref_slice %arg10[%add3A_85, %dma_start3A_89] : memref<10240x128xf32, #tpu.memory_space<vmem_shared>> -> memref<128x128xf32, #tpu.memory_space<vmem_shared>>
      tpu.enqueue_dma source(%dma_start3A_90 : memref<128x128xf32, #tpu.memory_space<vmem_shared>>) target(%dma_start3A_88 : memref<128x128xf32, #tpu.memory_space<hbm>>) target_semaphore(%run_scoped3A : memref<!tpu.dma_semaphore, #tpu.memory_space<semaphore_mem>>)
      %dma_wait3A = arith.constant 0 : i32
      %dma_wait3A_91 = tpu.memref_slice %arg5[%arg0, %add3A_85, %dma_wait3A] : memref<2x10240x128xf32, #tpu.memory_space<hbm>> -> memref<1x128x128xf32, #tpu.memory_space<hbm>>
      %dma_wait3A_92 = tpu.memref_squeeze %dma_wait3A_91 : memref<1x128x128xf32, #tpu.memory_space<hbm>> -> memref<128x128xf32, #tpu.memory_space<hbm>>
      %dma_wait3A_93 = arith.constant 0 : i32
      %dma_wait3A_94 = tpu.memref_slice %arg10[%add3A_85, %dma_wait3A_93] : memref<10240x128xf32, #tpu.memory_space<vmem_shared>> -> memref<128x128xf32, #tpu.memory_space<vmem_shared>>
      tpu.wait_dma2 semaphore(%run_scoped3A : memref<!tpu.dma_semaphore, #tpu.memory_space<semaphore_mem>>) src(%dma_wait3A_94 : memref<128x128xf32, #tpu.memory_space<vmem_shared>>) dst(%dma_wait3A_92 : memref<128x128xf32, #tpu.memory_space<hbm>>)
      tpu.yield
    }) : () -> ()
    return
  }
}

#map = affine_map<(d0, d1) -> (0, 0)>
#map1 = affine_map<(d0, d1) -> (0, 0, 0)>
module attributes {stable_mosaic.version = 14 : i64} {
  func.func @conv_kernel(%arg0: i32, %arg1: i32, %arg2: memref<10000x128xf32, #tpu.memory_space<hbm>>, %arg3: memref<32x80x128xi32, #tpu.memory_space<hbm>>, %arg4: memref<32x80x128xi32, #tpu.memory_space<hbm>>, %arg5: memref<2x10240x128xf32, #tpu.memory_space<hbm>>, %arg6: memref<40x128xi32, #tpu.memory_space<vmem>>, %arg7: memref<40x128xi32, #tpu.memory_space<vmem>>, %arg8: memref<128x128xf32, #tpu.memory_space<vmem>>, %arg9: memref<128x128xf32, #tpu.memory_space<vmem>>, %arg10: memref<10240x128xf32, #tpu.memory_space<vmem_shared>>, %arg11: memref<!tpu.dma_semaphore, #tpu.memory_space<semaphore_mem>>, %arg12: memref<!tpu.dma_semaphore, #tpu.memory_space<semaphore_mem>>) attributes {dimension_semantics = [#tpu.dimension_semantics<core_parallel>, #tpu.dimension_semantics<subcore_parallel>], iteration_bounds = array<i64: 2, 16>, scalar_prefetch = 0 : i64, scratch_operands = 7 : i64, tpu.core_type = #tpu.core_type<sc_vector_subcore>, window_params = [{transform_indices = #map}, {transform_indices = #map1}, {transform_indices = #map1}, {transform_indices = #map1}]} {
    %mul3A = arith.constant 16 : i32
    %mul3A_0 = arith.muli %arg0, %mul3A : i32
    %add3A = arith.addi %mul3A_0, %arg1 : i32
    %scan3A = arith.constant 0 : i32
    %scan3A_1 = arith.constant 0 : i32
    %scan3A_2 = arith.constant 128 : i32
    %scan3A_3 = arith.addi %scan3A_1, %scan3A_2 : i32
    %scan3A_4 = arith.constant 1 : i32
    scf.for %scan3A_86 = %scan3A_1 to %scan3A_3 step %scan3A_4  : i32 {
      %broadcast_in_dim3A = arith.constant 0.000000e+00 : f32
      %broadcast_in_dim3A_87 = vector.broadcast %broadcast_in_dim3A : f32 to vector<16xf32>
      %swap3A = arith.index_cast %scan3A_86 : i32 to index
      %swap3A_88 = arith.constant 0 : index
      %swap3A_89 = tpu.vector_load %arg8[%swap3A, %swap3A_88] {strides = array<i32>} : memref<128x128xf32, #tpu.memory_space<vmem>>, vector<1x16xf32>,
      %swap3A_90 = vector.shape_cast %swap3A_89 : vector<1x16xf32> to vector<16xf32>
      %swap3A_91 = vector.shape_cast %broadcast_in_dim3A_87 : vector<16xf32> to vector<1x16xf32>
      tpu.vector_store %arg8[%swap3A, %swap3A_88], %swap3A_91 {strides = array<i32>} : memref<128x128xf32, #tpu.memory_space<vmem>>, vector<1x16xf32>,
      %broadcast_in_dim3A_92 = arith.constant 0.000000e+00 : f32
      %broadcast_in_dim3A_93 = vector.broadcast %broadcast_in_dim3A_92 : f32 to vector<16xf32>
      %swap3A_94 = arith.index_cast %scan3A_86 : i32 to index
      %swap3A_95 = arith.constant 16 : index
      %swap3A_96 = tpu.vector_load %arg8[%swap3A_94, %swap3A_95] {strides = array<i32>} : memref<128x128xf32, #tpu.memory_space<vmem>>, vector<1x16xf32>,
      %swap3A_97 = vector.shape_cast %swap3A_96 : vector<1x16xf32> to vector<16xf32>
      %swap3A_98 = vector.shape_cast %broadcast_in_dim3A_93 : vector<16xf32> to vector<1x16xf32>
      tpu.vector_store %arg8[%swap3A_94, %swap3A_95], %swap3A_98 {strides = array<i32>} : memref<128x128xf32, #tpu.memory_space<vmem>>, vector<1x16xf32>,
      %broadcast_in_dim3A_99 = arith.constant 0.000000e+00 : f32
      %broadcast_in_dim3A_100 = vector.broadcast %broadcast_in_dim3A_99 : f32 to vector<16xf32>
      %swap3A_101 = arith.index_cast %scan3A_86 : i32 to index
      %swap3A_102 = arith.constant 32 : index
      %swap3A_103 = tpu.vector_load %arg8[%swap3A_101, %swap3A_102] {strides = array<i32>} : memref<128x128xf32, #tpu.memory_space<vmem>>, vector<1x16xf32>,
      %swap3A_104 = vector.shape_cast %swap3A_103 : vector<1x16xf32> to vector<16xf32>
      %swap3A_105 = vector.shape_cast %broadcast_in_dim3A_100 : vector<16xf32> to vector<1x16xf32>
      tpu.vector_store %arg8[%swap3A_101, %swap3A_102], %swap3A_105 {strides = array<i32>} : memref<128x128xf32, #tpu.memory_space<vmem>>, vector<1x16xf32>,
      %broadcast_in_dim3A_106 = arith.constant 0.000000e+00 : f32
      %broadcast_in_dim3A_107 = vector.broadcast %broadcast_in_dim3A_106 : f32 to vector<16xf32>
      %swap3A_108 = arith.index_cast %scan3A_86 : i32 to index
      %swap3A_109 = arith.constant 48 : index
      %swap3A_110 = tpu.vector_load %arg8[%swap3A_108, %swap3A_109] {strides = array<i32>} : memref<128x128xf32, #tpu.memory_space<vmem>>, vector<1x16xf32>,
      %swap3A_111 = vector.shape_cast %swap3A_110 : vector<1x16xf32> to vector<16xf32>
      %swap3A_112 = vector.shape_cast %broadcast_in_dim3A_107 : vector<16xf32> to vector<1x16xf32>
      tpu.vector_store %arg8[%swap3A_108, %swap3A_109], %swap3A_112 {strides = array<i32>} : memref<128x128xf32, #tpu.memory_space<vmem>>, vector<1x16xf32>,
      %broadcast_in_dim3A_113 = arith.constant 0.000000e+00 : f32
      %broadcast_in_dim3A_114 = vector.broadcast %broadcast_in_dim3A_113 : f32 to vector<16xf32>
      %swap3A_115 = arith.index_cast %scan3A_86 : i32 to index
      %swap3A_116 = arith.constant 64 : index
      %swap3A_117 = tpu.vector_load %arg8[%swap3A_115, %swap3A_116] {strides = array<i32>} : memref<128x128xf32, #tpu.memory_space<vmem>>, vector<1x16xf32>,
      %swap3A_118 = vector.shape_cast %swap3A_117 : vector<1x16xf32> to vector<16xf32>
      %swap3A_119 = vector.shape_cast %broadcast_in_dim3A_114 : vector<16xf32> to vector<1x16xf32>
      tpu.vector_store %arg8[%swap3A_115, %swap3A_116], %swap3A_119 {strides = array<i32>} : memref<128x128xf32, #tpu.memory_space<vmem>>, vector<1x16xf32>,
      %broadcast_in_dim3A_120 = arith.constant 0.000000e+00 : f32
      %broadcast_in_dim3A_121 = vector.broadcast %broadcast_in_dim3A_120 : f32 to vector<16xf32>
      %swap3A_122 = arith.index_cast %scan3A_86 : i32 to index
      %swap3A_123 = arith.constant 80 : index
      %swap3A_124 = tpu.vector_load %arg8[%swap3A_122, %swap3A_123] {strides = array<i32>} : memref<128x128xf32, #tpu.memory_space<vmem>>, vector<1x16xf32>,
      %swap3A_125 = vector.shape_cast %swap3A_124 : vector<1x16xf32> to vector<16xf32>
      %swap3A_126 = vector.shape_cast %broadcast_in_dim3A_121 : vector<16xf32> to vector<1x16xf32>
      tpu.vector_store %arg8[%swap3A_122, %swap3A_123], %swap3A_126 {strides = array<i32>} : memref<128x128xf32, #tpu.memory_space<vmem>>, vector<1x16xf32>,
      %broadcast_in_dim3A_127 = arith.constant 0.000000e+00 : f32
      %broadcast_in_dim3A_128 = vector.broadcast %broadcast_in_dim3A_127 : f32 to vector<16xf32>
      %swap3A_129 = arith.index_cast %scan3A_86 : i32 to index
      %swap3A_130 = arith.constant 96 : index
      %swap3A_131 = tpu.vector_load %arg8[%swap3A_129, %swap3A_130] {strides = array<i32>} : memref<128x128xf32, #tpu.memory_space<vmem>>, vector<1x16xf32>,
      %swap3A_132 = vector.shape_cast %swap3A_131 : vector<1x16xf32> to vector<16xf32>
      %swap3A_133 = vector.shape_cast %broadcast_in_dim3A_128 : vector<16xf32> to vector<1x16xf32>
      tpu.vector_store %arg8[%swap3A_129, %swap3A_130], %swap3A_133 {strides = array<i32>} : memref<128x128xf32, #tpu.memory_space<vmem>>, vector<1x16xf32>,
      %broadcast_in_dim3A_134 = arith.constant 0.000000e+00 : f32
      %broadcast_in_dim3A_135 = vector.broadcast %broadcast_in_dim3A_134 : f32 to vector<16xf32>
      %swap3A_136 = arith.index_cast %scan3A_86 : i32 to index
      %swap3A_137 = arith.constant 112 : index
      %swap3A_138 = tpu.vector_load %arg8[%swap3A_136, %swap3A_137] {strides = array<i32>} : memref<128x128xf32, #tpu.memory_space<vmem>>, vector<1x16xf32>,
      %swap3A_139 = vector.shape_cast %swap3A_138 : vector<1x16xf32> to vector<16xf32>
      %swap3A_140 = vector.shape_cast %broadcast_in_dim3A_135 : vector<16xf32> to vector<1x16xf32>
      tpu.vector_store %arg8[%swap3A_136, %swap3A_137], %swap3A_140 {strides = array<i32>} : memref<128x128xf32, #tpu.memory_space<vmem>>, vector<1x16xf32>,
    }
    %scan3A_5 = arith.constant 128 : i32
    %mul3A_6 = arith.constant 640 : i32
    %mul3A_7 = arith.muli %arg1, %mul3A_6 : i32
    %add3A_8 = arith.constant 0 : i32
    %add3A_9 = arith.addi %mul3A_7, %add3A_8 : i32
    "tpu.region"() ({
      %run_scoped3A = tpu.sem_alloc : memref<!tpu.dma_semaphore, #tpu.memory_space<semaphore_mem>>
      %dma_start3A_86 = arith.constant 0 : i32
      %dma_start3A_87 = tpu.memref_slice %arg10[%add3A_9, %dma_start3A_86] : memref<10240x128xf32, #tpu.memory_space<vmem_shared>> -> memref<128x128xf32, #tpu.memory_space<vmem_shared>>
      %dma_start3A_88 = arith.constant 0 : i32
      %dma_start3A_89 = tpu.memref_slice %arg10[%add3A_9, %dma_start3A_88] : memref<10240x128xf32, #tpu.memory_space<vmem_shared>> -> memref<128x128xf32, #tpu.memory_space<vmem_shared>>
      tpu.enqueue_dma source(%arg8 : memref<128x128xf32, #tpu.memory_space<vmem>>) target(%dma_start3A_89 : memref<128x128xf32, #tpu.memory_space<vmem_shared>>) target_semaphore(%run_scoped3A : memref<!tpu.dma_semaphore, #tpu.memory_space<semaphore_mem>>)
      %dma_wait3A = arith.constant 0 : i32
      %dma_wait3A_90 = tpu.memref_slice %arg10[%add3A_9, %dma_wait3A] : memref<10240x128xf32, #tpu.memory_space<vmem_shared>> -> memref<128x128xf32, #tpu.memory_space<vmem_shared>>
      %dma_wait3A_91 = arith.constant 0 : i32
      %dma_wait3A_92 = tpu.memref_slice %arg10[%add3A_9, %dma_wait3A_91] : memref<10240x128xf32, #tpu.memory_space<vmem_shared>> -> memref<128x128xf32, #tpu.memory_space<vmem_shared>>
      tpu.wait_dma2 semaphore(%run_scoped3A : memref<!tpu.dma_semaphore, #tpu.memory_space<semaphore_mem>>) src(%arg8 : memref<128x128xf32, #tpu.memory_space<vmem>>) dst(%dma_wait3A_92 : memref<128x128xf32, #tpu.memory_space<vmem_shared>>)
      tpu.yield
    }) : () -> ()
    %mul3A_10 = arith.constant 640 : i32
    %mul3A_11 = arith.muli %arg1, %mul3A_10 : i32
    %add3A_12 = arith.constant 128 : i32
    %add3A_13 = arith.addi %mul3A_11, %add3A_12 : i32
    "tpu.region"() ({
      %run_scoped3A = tpu.sem_alloc : memref<!tpu.dma_semaphore, #tpu.memory_space<semaphore_mem>>
      %dma_start3A_86 = arith.constant 0 : i32
      %dma_start3A_87 = tpu.memref_slice %arg10[%add3A_13, %dma_start3A_86] : memref<10240x128xf32, #tpu.memory_space<vmem_shared>> -> memref<128x128xf32, #tpu.memory_space<vmem_shared>>
      %dma_start3A_88 = arith.constant 0 : i32
      %dma_start3A_89 = tpu.memref_slice %arg10[%add3A_13, %dma_start3A_88] : memref<10240x128xf32, #tpu.memory_space<vmem_shared>> -> memref<128x128xf32, #tpu.memory_space<vmem_shared>>
      tpu.enqueue_dma source(%arg8 : memref<128x128xf32, #tpu.memory_space<vmem>>) target(%dma_start3A_89 : memref<128x128xf32, #tpu.memory_space<vmem_shared>>) target_semaphore(%run_scoped3A : memref<!tpu.dma_semaphore, #tpu.memory_space<semaphore_mem>>)
      %dma_wait3A = arith.constant 0 : i32
      %dma_wait3A_90 = tpu.memref_slice %arg10[%add3A_13, %dma_wait3A] : memref<10240x128xf32, #tpu.memory_space<vmem_shared>> -> memref<128x128xf32, #tpu.memory_space<vmem_shared>>
      %dma_wait3A_91 = arith.constant 0 : i32
      %dma_wait3A_92 = tpu.memref_slice %arg10[%add3A_13, %dma_wait3A_91] : memref<10240x128xf32, #tpu.memory_space<vmem_shared>> -> memref<128x128xf32, #tpu.memory_space<vmem_shared>>
      tpu.wait_dma2 semaphore(%run_scoped3A : memref<!tpu.dma_semaphore, #tpu.memory_space<semaphore_mem>>) src(%arg8 : memref<128x128xf32, #tpu.memory_space<vmem>>) dst(%dma_wait3A_92 : memref<128x128xf32, #tpu.memory_space<vmem_shared>>)
      tpu.yield
    }) : () -> ()
    %mul3A_14 = arith.constant 640 : i32
    %mul3A_15 = arith.muli %arg1, %mul3A_14 : i32
    %add3A_16 = arith.constant 256 : i32
    %add3A_17 = arith.addi %mul3A_15, %add3A_16 : i32
    "tpu.region"() ({
      %run_scoped3A = tpu.sem_alloc : memref<!tpu.dma_semaphore, #tpu.memory_space<semaphore_mem>>
      %dma_start3A_86 = arith.constant 0 : i32
      %dma_start3A_87 = tpu.memref_slice %arg10[%add3A_17, %dma_start3A_86] : memref<10240x128xf32, #tpu.memory_space<vmem_shared>> -> memref<128x128xf32, #tpu.memory_space<vmem_shared>>
      %dma_start3A_88 = arith.constant 0 : i32
      %dma_start3A_89 = tpu.memref_slice %arg10[%add3A_17, %dma_start3A_88] : memref<10240x128xf32, #tpu.memory_space<vmem_shared>> -> memref<128x128xf32, #tpu.memory_space<vmem_shared>>
      tpu.enqueue_dma source(%arg8 : memref<128x128xf32, #tpu.memory_space<vmem>>) target(%dma_start3A_89 : memref<128x128xf32, #tpu.memory_space<vmem_shared>>) target_semaphore(%run_scoped3A : memref<!tpu.dma_semaphore, #tpu.memory_space<semaphore_mem>>)
      %dma_wait3A = arith.constant 0 : i32
      %dma_wait3A_90 = tpu.memref_slice %arg10[%add3A_17, %dma_wait3A] : memref<10240x128xf32, #tpu.memory_space<vmem_shared>> -> memref<128x128xf32, #tpu.memory_space<vmem_shared>>
      %dma_wait3A_91 = arith.constant 0 : i32
      %dma_wait3A_92 = tpu.memref_slice %arg10[%add3A_17, %dma_wait3A_91] : memref<10240x128xf32, #tpu.memory_space<vmem_shared>> -> memref<128x128xf32, #tpu.memory_space<vmem_shared>>
      tpu.wait_dma2 semaphore(%run_scoped3A : memref<!tpu.dma_semaphore, #tpu.memory_space<semaphore_mem>>) src(%arg8 : memref<128x128xf32, #tpu.memory_space<vmem>>) dst(%dma_wait3A_92 : memref<128x128xf32, #tpu.memory_space<vmem_shared>>)
      tpu.yield
    }) : () -> ()
    %mul3A_18 = arith.constant 640 : i32
    %mul3A_19 = arith.muli %arg1, %mul3A_18 : i32
    %add3A_20 = arith.constant 384 : i32
    %add3A_21 = arith.addi %mul3A_19, %add3A_20 : i32
    "tpu.region"() ({
      %run_scoped3A = tpu.sem_alloc : memref<!tpu.dma_semaphore, #tpu.memory_space<semaphore_mem>>
      %dma_start3A_86 = arith.constant 0 : i32
      %dma_start3A_87 = tpu.memref_slice %arg10[%add3A_21, %dma_start3A_86] : memref<10240x128xf32, #tpu.memory_space<vmem_shared>> -> memref<128x128xf32, #tpu.memory_space<vmem_shared>>
      %dma_start3A_88 = arith.constant 0 : i32
      %dma_start3A_89 = tpu.memref_slice %arg10[%add3A_21, %dma_start3A_88] : memref<10240x128xf32, #tpu.memory_space<vmem_shared>> -> memref<128x128xf32, #tpu.memory_space<vmem_shared>>
      tpu.enqueue_dma source(%arg8 : memref<128x128xf32, #tpu.memory_space<vmem>>) target(%dma_start3A_89 : memref<128x128xf32, #tpu.memory_space<vmem_shared>>) target_semaphore(%run_scoped3A : memref<!tpu.dma_semaphore, #tpu.memory_space<semaphore_mem>>)
      %dma_wait3A = arith.constant 0 : i32
      %dma_wait3A_90 = tpu.memref_slice %arg10[%add3A_21, %dma_wait3A] : memref<10240x128xf32, #tpu.memory_space<vmem_shared>> -> memref<128x128xf32, #tpu.memory_space<vmem_shared>>
      %dma_wait3A_91 = arith.constant 0 : i32
      %dma_wait3A_92 = tpu.memref_slice %arg10[%add3A_21, %dma_wait3A_91] : memref<10240x128xf32, #tpu.memory_space<vmem_shared>> -> memref<128x128xf32, #tpu.memory_space<vmem_shared>>
      tpu.wait_dma2 semaphore(%run_scoped3A : memref<!tpu.dma_semaphore, #tpu.memory_space<semaphore_mem>>) src(%arg8 : memref<128x128xf32, #tpu.memory_space<vmem>>) dst(%dma_wait3A_92 : memref<128x128xf32, #tpu.memory_space<vmem_shared>>)
      tpu.yield
    }) : () -> ()
    %mul3A_22 = arith.constant 640 : i32
    %mul3A_23 = arith.muli %arg1, %mul3A_22 : i32
    %add3A_24 = arith.constant 512 : i32
    %add3A_25 = arith.addi %mul3A_23, %add3A_24 : i32
    "tpu.region"() ({
      %run_scoped3A = tpu.sem_alloc : memref<!tpu.dma_semaphore, #tpu.memory_space<semaphore_mem>>
      %dma_start3A_86 = arith.constant 0 : i32
      %dma_start3A_87 = tpu.memref_slice %arg10[%add3A_25, %dma_start3A_86] : memref<10240x128xf32, #tpu.memory_space<vmem_shared>> -> memref<128x128xf32, #tpu.memory_space<vmem_shared>>
      %dma_start3A_88 = arith.constant 0 : i32
      %dma_start3A_89 = tpu.memref_slice %arg10[%add3A_25, %dma_start3A_88] : memref<10240x128xf32, #tpu.memory_space<vmem_shared>> -> memref<128x128xf32, #tpu.memory_space<vmem_shared>>
      tpu.enqueue_dma source(%arg8 : memref<128x128xf32, #tpu.memory_space<vmem>>) target(%dma_start3A_89 : memref<128x128xf32, #tpu.memory_space<vmem_shared>>) target_semaphore(%run_scoped3A : memref<!tpu.dma_semaphore, #tpu.memory_space<semaphore_mem>>)
      %dma_wait3A = arith.constant 0 : i32
      %dma_wait3A_90 = tpu.memref_slice %arg10[%add3A_25, %dma_wait3A] : memref<10240x128xf32, #tpu.memory_space<vmem_shared>> -> memref<128x128xf32, #tpu.memory_space<vmem_shared>>
      %dma_wait3A_91 = arith.constant 0 : i32
      %dma_wait3A_92 = tpu.memref_slice %arg10[%add3A_25, %dma_wait3A_91] : memref<10240x128xf32, #tpu.memory_space<vmem_shared>> -> memref<128x128xf32, #tpu.memory_space<vmem_shared>>
      tpu.wait_dma2 semaphore(%run_scoped3A : memref<!tpu.dma_semaphore, #tpu.memory_space<semaphore_mem>>) src(%arg8 : memref<128x128xf32, #tpu.memory_space<vmem>>) dst(%dma_wait3A_92 : memref<128x128xf32, #tpu.memory_space<vmem_shared>>)
      tpu.yield
    }) : () -> ()
    %barrier3A = arith.constant 0 : index
    tpu.barrier barrier_id(%barrier3A)
    "tpu.region"() ({
      %run_scoped3A = tpu.sem_alloc : memref<!tpu.dma_semaphore, #tpu.memory_space<semaphore_mem>>
      %dma_start3A_86 = arith.constant 0 : i32
      %dma_start3A_87 = arith.constant 0 : i32
      %dma_start3A_88 = tpu.memref_slice %arg3[%add3A, %dma_start3A_86, %dma_start3A_87] : memref<32x80x128xi32, #tpu.memory_space<hbm>> -> memref<1x40x128xi32, #tpu.memory_space<hbm>>
      %dma_start3A_89 = tpu.memref_squeeze %dma_start3A_88 : memref<1x40x128xi32, #tpu.memory_space<hbm>> -> memref<40x128xi32, #tpu.memory_space<hbm>>
      %dma_start3A_90 = arith.constant 0 : i32
      %dma_start3A_91 = arith.constant 0 : i32
      %dma_start3A_92 = tpu.memref_slice %arg3[%add3A, %dma_start3A_90, %dma_start3A_91] : memref<32x80x128xi32, #tpu.memory_space<hbm>> -> memref<1x40x128xi32, #tpu.memory_space<hbm>>
      %dma_start3A_93 = tpu.memref_squeeze %dma_start3A_92 : memref<1x40x128xi32, #tpu.memory_space<hbm>> -> memref<40x128xi32, #tpu.memory_space<hbm>>
      tpu.enqueue_dma source(%dma_start3A_93 : memref<40x128xi32, #tpu.memory_space<hbm>>) target(%arg6 : memref<40x128xi32, #tpu.memory_space<vmem>>) target_semaphore(%run_scoped3A : memref<!tpu.dma_semaphore, #tpu.memory_space<semaphore_mem>>)
      %dma_wait3A = arith.constant 0 : i32
      %dma_wait3A_94 = arith.constant 0 : i32
      %dma_wait3A_95 = tpu.memref_slice %arg3[%add3A, %dma_wait3A, %dma_wait3A_94] : memref<32x80x128xi32, #tpu.memory_space<hbm>> -> memref<1x40x128xi32, #tpu.memory_space<hbm>>
      %dma_wait3A_96 = tpu.memref_squeeze %dma_wait3A_95 : memref<1x40x128xi32, #tpu.memory_space<hbm>> -> memref<40x128xi32, #tpu.memory_space<hbm>>
      %dma_wait3A_97 = arith.constant 0 : i32
      %dma_wait3A_98 = arith.constant 0 : i32
      %dma_wait3A_99 = tpu.memref_slice %arg3[%add3A, %dma_wait3A_97, %dma_wait3A_98] : memref<32x80x128xi32, #tpu.memory_space<hbm>> -> memref<1x40x128xi32, #tpu.memory_space<hbm>>
      %dma_wait3A_100 = tpu.memref_squeeze %dma_wait3A_99 : memref<1x40x128xi32, #tpu.memory_space<hbm>> -> memref<40x128xi32, #tpu.memory_space<hbm>>
      tpu.wait_dma2 semaphore(%run_scoped3A : memref<!tpu.dma_semaphore, #tpu.memory_space<semaphore_mem>>) src(%dma_wait3A_100 : memref<40x128xi32, #tpu.memory_space<hbm>>) dst(%arg6 : memref<40x128xi32, #tpu.memory_space<vmem>>)
      tpu.yield
    }) : () -> ()
    "tpu.region"() ({
      %run_scoped3A = tpu.sem_alloc : memref<!tpu.dma_semaphore, #tpu.memory_space<semaphore_mem>>
      %dma_start3A_86 = arith.constant 0 : i32
      %dma_start3A_87 = arith.constant 0 : i32
      %dma_start3A_88 = tpu.memref_slice %arg4[%add3A, %dma_start3A_86, %dma_start3A_87] : memref<32x80x128xi32, #tpu.memory_space<hbm>> -> memref<1x40x128xi32, #tpu.memory_space<hbm>>
      %dma_start3A_89 = tpu.memref_squeeze %dma_start3A_88 : memref<1x40x128xi32, #tpu.memory_space<hbm>> -> memref<40x128xi32, #tpu.memory_space<hbm>>
      %dma_start3A_90 = arith.constant 0 : i32
      %dma_start3A_91 = arith.constant 0 : i32
      %dma_start3A_92 = tpu.memref_slice %arg4[%add3A, %dma_start3A_90, %dma_start3A_91] : memref<32x80x128xi32, #tpu.memory_space<hbm>> -> memref<1x40x128xi32, #tpu.memory_space<hbm>>
      %dma_start3A_93 = tpu.memref_squeeze %dma_start3A_92 : memref<1x40x128xi32, #tpu.memory_space<hbm>> -> memref<40x128xi32, #tpu.memory_space<hbm>>
      tpu.enqueue_dma source(%dma_start3A_93 : memref<40x128xi32, #tpu.memory_space<hbm>>) target(%arg7 : memref<40x128xi32, #tpu.memory_space<vmem>>) target_semaphore(%run_scoped3A : memref<!tpu.dma_semaphore, #tpu.memory_space<semaphore_mem>>)
      %dma_wait3A = arith.constant 0 : i32
      %dma_wait3A_94 = arith.constant 0 : i32
      %dma_wait3A_95 = tpu.memref_slice %arg4[%add3A, %dma_wait3A, %dma_wait3A_94] : memref<32x80x128xi32, #tpu.memory_space<hbm>> -> memref<1x40x128xi32, #tpu.memory_space<hbm>>
      %dma_wait3A_96 = tpu.memref_squeeze %dma_wait3A_95 : memref<1x40x128xi32, #tpu.memory_space<hbm>> -> memref<40x128xi32, #tpu.memory_space<hbm>>
      %dma_wait3A_97 = arith.constant 0 : i32
      %dma_wait3A_98 = arith.constant 0 : i32
      %dma_wait3A_99 = tpu.memref_slice %arg4[%add3A, %dma_wait3A_97, %dma_wait3A_98] : memref<32x80x128xi32, #tpu.memory_space<hbm>> -> memref<1x40x128xi32, #tpu.memory_space<hbm>>
      %dma_wait3A_100 = tpu.memref_squeeze %dma_wait3A_99 : memref<1x40x128xi32, #tpu.memory_space<hbm>> -> memref<40x128xi32, #tpu.memory_space<hbm>>
      tpu.wait_dma2 semaphore(%run_scoped3A : memref<!tpu.dma_semaphore, #tpu.memory_space<semaphore_mem>>) src(%dma_wait3A_100 : memref<40x128xi32, #tpu.memory_space<hbm>>) dst(%arg7 : memref<40x128xi32, #tpu.memory_space<vmem>>)
      tpu.yield
    }) : () -> ()
    %dma_start3A = arith.constant 0 : i32
    %dma_start3A_26 = arith.constant 0 : i32
    %dma_start3A_27 = tpu.memref_slice %arg6[%dma_start3A, %dma_start3A_26] : memref<40x128xi32, #tpu.memory_space<vmem>> -> memref<1x128xi32, #tpu.memory_space<vmem>>
    %dma_start3A_28 = tpu.memref_squeeze %dma_start3A_27 : memref<1x128xi32, #tpu.memory_space<vmem>> -> memref<128xi32, #tpu.memory_space<vmem>>
    %dma_start3A_29 = arith.constant 0 : i32
    %dma_start3A_30 = arith.constant 0 : i32
    %dma_start3A_31 = tpu.memref_slice %arg2[%dma_start3A_29, %dma_start3A_30] : memref<10000x128xf32, #tpu.memory_space<hbm>> -> memref<10000x128xf32, #tpu.memory_space<hbm>>
    tpu.enqueue_indirect_dma source(%dma_start3A_31 : memref<10000x128xf32, #tpu.memory_space<hbm>>) target(%arg8 : memref<128x128xf32, #tpu.memory_space<vmem>>) offsets(%dma_start3A_28 : memref<128xi32, #tpu.memory_space<vmem>>) semaphore(%arg11 : memref<!tpu.dma_semaphore, #tpu.memory_space<semaphore_mem>>)
    %dma_start3A_32 = arith.constant 1 : i32
    %dma_start3A_33 = arith.constant 0 : i32
    %dma_start3A_34 = tpu.memref_slice %arg6[%dma_start3A_32, %dma_start3A_33] : memref<40x128xi32, #tpu.memory_space<vmem>> -> memref<1x128xi32, #tpu.memory_space<vmem>>
    %dma_start3A_35 = tpu.memref_squeeze %dma_start3A_34 : memref<1x128xi32, #tpu.memory_space<vmem>> -> memref<128xi32, #tpu.memory_space<vmem>>
    %dma_start3A_36 = arith.constant 0 : i32
    %dma_start3A_37 = arith.constant 0 : i32
    %dma_start3A_38 = tpu.memref_slice %arg2[%dma_start3A_36, %dma_start3A_37] : memref<10000x128xf32, #tpu.memory_space<hbm>> -> memref<10000x128xf32, #tpu.memory_space<hbm>>
    tpu.enqueue_indirect_dma source(%dma_start3A_38 : memref<10000x128xf32, #tpu.memory_space<hbm>>) target(%arg9 : memref<128x128xf32, #tpu.memory_space<vmem>>) offsets(%dma_start3A_35 : memref<128xi32, #tpu.memory_space<vmem>>) semaphore(%arg12 : memref<!tpu.dma_semaphore, #tpu.memory_space<semaphore_mem>>)
    %scan3A_39 = arith.constant 0 : i32
    %scan3A_40 = arith.constant 0 : i32
    %scan3A_41 = arith.constant 20 : i32
    %scan3A_42 = arith.addi %scan3A_40, %scan3A_41 : i32
    %scan3A_43 = arith.constant 1 : i32
    scf.for %scan3A_86 = %scan3A_40 to %scan3A_42 step %scan3A_43  : i32 {
      %mul3A_87 = arith.constant 2 : i32
      %mul3A_88 = arith.muli %scan3A_86, %mul3A_87 : i32
      %add3A_89 = arith.constant 0 : i32
      %add3A_90 = arith.addi %mul3A_88, %add3A_89 : i32
      %dma_wait3A = arith.constant 0 : i32
      %dma_wait3A_91 = tpu.memref_slice %arg6[%add3A_90, %dma_wait3A] : memref<40x128xi32, #tpu.memory_space<vmem>> -> memref<1x128xi32, #tpu.memory_space<vmem>>
      %dma_wait3A_92 = tpu.memref_squeeze %dma_wait3A_91 : memref<1x128xi32, #tpu.memory_space<vmem>> -> memref<128xi32, #tpu.memory_space<vmem>>
      %dma_wait3A_93 = arith.constant 0 : i32
      %dma_wait3A_94 = arith.constant 0 : i32
      %dma_wait3A_95 = tpu.memref_slice %arg2[%dma_wait3A_93, %dma_wait3A_94] : memref<10000x128xf32, #tpu.memory_space<hbm>> -> memref<10000x128xf32, #tpu.memory_space<hbm>>
      tpu.wait_indirect_dma semaphore(%arg11 : memref<!tpu.dma_semaphore, #tpu.memory_space<semaphore_mem>>) src(%dma_wait3A_95 : memref<10000x128xf32, #tpu.memory_space<hbm>>) dst(%arg8 : memref<128x128xf32, #tpu.memory_space<vmem>>)
      "tpu.region"() ({
        %run_scoped3A = tpu.sem_alloc : memref<!tpu.dma_semaphore, #tpu.memory_space<semaphore_mem>>
        %dma_start3A_117 = arith.constant 0 : i32
        %dma_start3A_118 = tpu.memref_slice %arg7[%add3A_90, %dma_start3A_117] : memref<40x128xi32, #tpu.memory_space<vmem>> -> memref<1x128xi32, #tpu.memory_space<vmem>>
        %dma_start3A_119 = tpu.memref_squeeze %dma_start3A_118 : memref<1x128xi32, #tpu.memory_space<vmem>> -> memref<128xi32, #tpu.memory_space<vmem>>
        %dma_start3A_120 = arith.constant 0 : i32
        %dma_start3A_121 = arith.constant 0 : i32
        %dma_start3A_122 = tpu.memref_slice %arg10[%dma_start3A_120, %dma_start3A_121] : memref<10240x128xf32, #tpu.memory_space<vmem_shared>> -> memref<10240x128xf32, #tpu.memory_space<vmem_shared>>
        tpu.enqueue_indirect_dma source(%arg8 : memref<128x128xf32, #tpu.memory_space<vmem>>) target(%dma_start3A_122 : memref<10240x128xf32, #tpu.memory_space<vmem_shared>>) offsets(%dma_start3A_119 : memref<128xi32, #tpu.memory_space<vmem>>) semaphore(%run_scoped3A : memref<!tpu.dma_semaphore, #tpu.memory_space<semaphore_mem>>) {add = true}
        %dma_wait3A_123 = arith.constant 0 : i32
        %dma_wait3A_124 = tpu.memref_slice %arg7[%add3A_90, %dma_wait3A_123] : memref<40x128xi32, #tpu.memory_space<vmem>> -> memref<1x128xi32, #tpu.memory_space<vmem>>
        %dma_wait3A_125 = tpu.memref_squeeze %dma_wait3A_124 : memref<1x128xi32, #tpu.memory_space<vmem>> -> memref<128xi32, #tpu.memory_space<vmem>>
        %dma_wait3A_126 = arith.constant 0 : i32
        %dma_wait3A_127 = arith.constant 0 : i32
        %dma_wait3A_128 = tpu.memref_slice %arg10[%dma_wait3A_126, %dma_wait3A_127] : memref<10240x128xf32, #tpu.memory_space<vmem_shared>> -> memref<10240x128xf32, #tpu.memory_space<vmem_shared>>
        tpu.wait_indirect_dma semaphore(%run_scoped3A : memref<!tpu.dma_semaphore, #tpu.memory_space<semaphore_mem>>) src(%arg8 : memref<128x128xf32, #tpu.memory_space<vmem>>) dst(%dma_wait3A_128 : memref<10240x128xf32, #tpu.memory_space<vmem_shared>>)
        tpu.yield
      }) : () -> ()
      %add3A_96 = arith.constant 2 : i32
      %add3A_97 = arith.addi %add3A_90, %add3A_96 : i32
      %lt3A = arith.constant 40 : i32
      %lt3A_98 = arith.cmpi slt, %add3A_97, %lt3A : i32
      %convert_element_type3A = arith.extui %lt3A_98 : i1 to i32
      %cond3A = arith.constant 0 : i32
      %cond3A_99 = arith.cmpi ne, %convert_element_type3A, %cond3A : i32
      scf.if %cond3A_99 {
        %add3A_117 = arith.constant 2 : i32
        %add3A_118 = arith.addi %add3A_90, %add3A_117 : i32
        %dma_start3A_119 = arith.constant 0 : i32
        %dma_start3A_120 = tpu.memref_slice %arg6[%add3A_118, %dma_start3A_119] : memref<40x128xi32, #tpu.memory_space<vmem>> -> memref<1x128xi32, #tpu.memory_space<vmem>>
        %dma_start3A_121 = tpu.memref_squeeze %dma_start3A_120 : memref<1x128xi32, #tpu.memory_space<vmem>> -> memref<128xi32, #tpu.memory_space<vmem>>
        %dma_start3A_122 = arith.constant 0 : i32
        %dma_start3A_123 = arith.constant 0 : i32
        %dma_start3A_124 = tpu.memref_slice %arg2[%dma_start3A_122, %dma_start3A_123] : memref<10000x128xf32, #tpu.memory_space<hbm>> -> memref<10000x128xf32, #tpu.memory_space<hbm>>
        tpu.enqueue_indirect_dma source(%dma_start3A_124 : memref<10000x128xf32, #tpu.memory_space<hbm>>) target(%arg8 : memref<128x128xf32, #tpu.memory_space<vmem>>) offsets(%dma_start3A_121 : memref<128xi32, #tpu.memory_space<vmem>>) semaphore(%arg11 : memref<!tpu.dma_semaphore, #tpu.memory_space<semaphore_mem>>)
      } else {
      }
      %mul3A_100 = arith.constant 2 : i32
      %mul3A_101 = arith.muli %scan3A_86, %mul3A_100 : i32
      %add3A_102 = arith.constant 1 : i32
      %add3A_103 = arith.addi %mul3A_101, %add3A_102 : i32
      %dma_wait3A_104 = arith.constant 0 : i32
      %dma_wait3A_105 = tpu.memref_slice %arg6[%add3A_103, %dma_wait3A_104] : memref<40x128xi32, #tpu.memory_space<vmem>> -> memref<1x128xi32, #tpu.memory_space<vmem>>
      %dma_wait3A_106 = tpu.memref_squeeze %dma_wait3A_105 : memref<1x128xi32, #tpu.memory_space<vmem>> -> memref<128xi32, #tpu.memory_space<vmem>>
      %dma_wait3A_107 = arith.constant 0 : i32
      %dma_wait3A_108 = arith.constant 0 : i32
      %dma_wait3A_109 = tpu.memref_slice %arg2[%dma_wait3A_107, %dma_wait3A_108] : memref<10000x128xf32, #tpu.memory_space<hbm>> -> memref<10000x128xf32, #tpu.memory_space<hbm>>
      tpu.wait_indirect_dma semaphore(%arg12 : memref<!tpu.dma_semaphore, #tpu.memory_space<semaphore_mem>>) src(%dma_wait3A_109 : memref<10000x128xf32, #tpu.memory_space<hbm>>) dst(%arg9 : memref<128x128xf32, #tpu.memory_space<vmem>>)
      "tpu.region"() ({
        %run_scoped3A = tpu.sem_alloc : memref<!tpu.dma_semaphore, #tpu.memory_space<semaphore_mem>>
        %dma_start3A_117 = arith.constant 0 : i32
        %dma_start3A_118 = tpu.memref_slice %arg7[%add3A_103, %dma_start3A_117] : memref<40x128xi32, #tpu.memory_space<vmem>> -> memref<1x128xi32, #tpu.memory_space<vmem>>
        %dma_start3A_119 = tpu.memref_squeeze %dma_start3A_118 : memref<1x128xi32, #tpu.memory_space<vmem>> -> memref<128xi32, #tpu.memory_space<vmem>>
        %dma_start3A_120 = arith.constant 0 : i32
        %dma_start3A_121 = arith.constant 0 : i32
        %dma_start3A_122 = tpu.memref_slice %arg10[%dma_start3A_120, %dma_start3A_121] : memref<10240x128xf32, #tpu.memory_space<vmem_shared>> -> memref<10240x128xf32, #tpu.memory_space<vmem_shared>>
        tpu.enqueue_indirect_dma source(%arg9 : memref<128x128xf32, #tpu.memory_space<vmem>>) target(%dma_start3A_122 : memref<10240x128xf32, #tpu.memory_space<vmem_shared>>) offsets(%dma_start3A_119 : memref<128xi32, #tpu.memory_space<vmem>>) semaphore(%run_scoped3A : memref<!tpu.dma_semaphore, #tpu.memory_space<semaphore_mem>>) {add = true}
        %dma_wait3A_123 = arith.constant 0 : i32
        %dma_wait3A_124 = tpu.memref_slice %arg7[%add3A_103, %dma_wait3A_123] : memref<40x128xi32, #tpu.memory_space<vmem>> -> memref<1x128xi32, #tpu.memory_space<vmem>>
        %dma_wait3A_125 = tpu.memref_squeeze %dma_wait3A_124 : memref<1x128xi32, #tpu.memory_space<vmem>> -> memref<128xi32, #tpu.memory_space<vmem>>
        %dma_wait3A_126 = arith.constant 0 : i32
        %dma_wait3A_127 = arith.constant 0 : i32
        %dma_wait3A_128 = tpu.memref_slice %arg10[%dma_wait3A_126, %dma_wait3A_127] : memref<10240x128xf32, #tpu.memory_space<vmem_shared>> -> memref<10240x128xf32, #tpu.memory_space<vmem_shared>>
        tpu.wait_indirect_dma semaphore(%run_scoped3A : memref<!tpu.dma_semaphore, #tpu.memory_space<semaphore_mem>>) src(%arg9 : memref<128x128xf32, #tpu.memory_space<vmem>>) dst(%dma_wait3A_128 : memref<10240x128xf32, #tpu.memory_space<vmem_shared>>)
        tpu.yield
      }) : () -> ()
      %add3A_110 = arith.constant 2 : i32
      %add3A_111 = arith.addi %add3A_103, %add3A_110 : i32
      %lt3A_112 = arith.constant 40 : i32
      %lt3A_113 = arith.cmpi slt, %add3A_111, %lt3A_112 : i32
      %convert_element_type3A_114 = arith.extui %lt3A_113 : i1 to i32
      %cond3A_115 = arith.constant 0 : i32
      %cond3A_116 = arith.cmpi ne, %convert_element_type3A_114, %cond3A_115 : i32
      scf.if %cond3A_116 {
        %add3A_117 = arith.constant 2 : i32
        %add3A_118 = arith.addi %add3A_103, %add3A_117 : i32
        %dma_start3A_119 = arith.constant 0 : i32
        %dma_start3A_120 = tpu.memref_slice %arg6[%add3A_118, %dma_start3A_119] : memref<40x128xi32, #tpu.memory_space<vmem>> -> memref<1x128xi32, #tpu.memory_space<vmem>>
        %dma_start3A_121 = tpu.memref_squeeze %dma_start3A_120 : memref<1x128xi32, #tpu.memory_space<vmem>> -> memref<128xi32, #tpu.memory_space<vmem>>
        %dma_start3A_122 = arith.constant 0 : i32
        %dma_start3A_123 = arith.constant 0 : i32
        %dma_start3A_124 = tpu.memref_slice %arg2[%dma_start3A_122, %dma_start3A_123] : memref<10000x128xf32, #tpu.memory_space<hbm>> -> memref<10000x128xf32, #tpu.memory_space<hbm>>
        tpu.enqueue_indirect_dma source(%dma_start3A_124 : memref<10000x128xf32, #tpu.memory_space<hbm>>) target(%arg9 : memref<128x128xf32, #tpu.memory_space<vmem>>) offsets(%dma_start3A_121 : memref<128xi32, #tpu.memory_space<vmem>>) semaphore(%arg12 : memref<!tpu.dma_semaphore, #tpu.memory_space<semaphore_mem>>)
      } else {
      }
    }
    %scan3A_44 = arith.constant 20 : i32
    "tpu.region"() ({
      %run_scoped3A = tpu.sem_alloc : memref<!tpu.dma_semaphore, #tpu.memory_space<semaphore_mem>>
      %dma_start3A_86 = arith.constant 40 : i32
      %dma_start3A_87 = arith.constant 0 : i32
      %dma_start3A_88 = tpu.memref_slice %arg3[%add3A, %dma_start3A_86, %dma_start3A_87] : memref<32x80x128xi32, #tpu.memory_space<hbm>> -> memref<1x40x128xi32, #tpu.memory_space<hbm>>
      %dma_start3A_89 = tpu.memref_squeeze %dma_start3A_88 : memref<1x40x128xi32, #tpu.memory_space<hbm>> -> memref<40x128xi32, #tpu.memory_space<hbm>>
      %dma_start3A_90 = arith.constant 40 : i32
      %dma_start3A_91 = arith.constant 0 : i32
      %dma_start3A_92 = tpu.memref_slice %arg3[%add3A, %dma_start3A_90, %dma_start3A_91] : memref<32x80x128xi32, #tpu.memory_space<hbm>> -> memref<1x40x128xi32, #tpu.memory_space<hbm>>
      %dma_start3A_93 = tpu.memref_squeeze %dma_start3A_92 : memref<1x40x128xi32, #tpu.memory_space<hbm>> -> memref<40x128xi32, #tpu.memory_space<hbm>>
      tpu.enqueue_dma source(%dma_start3A_93 : memref<40x128xi32, #tpu.memory_space<hbm>>) target(%arg6 : memref<40x128xi32, #tpu.memory_space<vmem>>) target_semaphore(%run_scoped3A : memref<!tpu.dma_semaphore, #tpu.memory_space<semaphore_mem>>)
      %dma_wait3A = arith.constant 40 : i32
      %dma_wait3A_94 = arith.constant 0 : i32
      %dma_wait3A_95 = tpu.memref_slice %arg3[%add3A, %dma_wait3A, %dma_wait3A_94] : memref<32x80x128xi32, #tpu.memory_space<hbm>> -> memref<1x40x128xi32, #tpu.memory_space<hbm>>
      %dma_wait3A_96 = tpu.memref_squeeze %dma_wait3A_95 : memref<1x40x128xi32, #tpu.memory_space<hbm>> -> memref<40x128xi32, #tpu.memory_space<hbm>>
      %dma_wait3A_97 = arith.constant 40 : i32
      %dma_wait3A_98 = arith.constant 0 : i32
      %dma_wait3A_99 = tpu.memref_slice %arg3[%add3A, %dma_wait3A_97, %dma_wait3A_98] : memref<32x80x128xi32, #tpu.memory_space<hbm>> -> memref<1x40x128xi32, #tpu.memory_space<hbm>>
      %dma_wait3A_100 = tpu.memref_squeeze %dma_wait3A_99 : memref<1x40x128xi32, #tpu.memory_space<hbm>> -> memref<40x128xi32, #tpu.memory_space<hbm>>
      tpu.wait_dma2 semaphore(%run_scoped3A : memref<!tpu.dma_semaphore, #tpu.memory_space<semaphore_mem>>) src(%dma_wait3A_100 : memref<40x128xi32, #tpu.memory_space<hbm>>) dst(%arg6 : memref<40x128xi32, #tpu.memory_space<vmem>>)
      tpu.yield
    }) : () -> ()
    "tpu.region"() ({
      %run_scoped3A = tpu.sem_alloc : memref<!tpu.dma_semaphore, #tpu.memory_space<semaphore_mem>>
      %dma_start3A_86 = arith.constant 40 : i32
      %dma_start3A_87 = arith.constant 0 : i32
      %dma_start3A_88 = tpu.memref_slice %arg4[%add3A, %dma_start3A_86, %dma_start3A_87] : memref<32x80x128xi32, #tpu.memory_space<hbm>> -> memref<1x40x128xi32, #tpu.memory_space<hbm>>
      %dma_start3A_89 = tpu.memref_squeeze %dma_start3A_88 : memref<1x40x128xi32, #tpu.memory_space<hbm>> -> memref<40x128xi32, #tpu.memory_space<hbm>>
      %dma_start3A_90 = arith.constant 40 : i32
      %dma_start3A_91 = arith.constant 0 : i32
      %dma_start3A_92 = tpu.memref_slice %arg4[%add3A, %dma_start3A_90, %dma_start3A_91] : memref<32x80x128xi32, #tpu.memory_space<hbm>> -> memref<1x40x128xi32, #tpu.memory_space<hbm>>
      %dma_start3A_93 = tpu.memref_squeeze %dma_start3A_92 : memref<1x40x128xi32, #tpu.memory_space<hbm>> -> memref<40x128xi32, #tpu.memory_space<hbm>>
      tpu.enqueue_dma source(%dma_start3A_93 : memref<40x128xi32, #tpu.memory_space<hbm>>) target(%arg7 : memref<40x128xi32, #tpu.memory_space<vmem>>) target_semaphore(%run_scoped3A : memref<!tpu.dma_semaphore, #tpu.memory_space<semaphore_mem>>)
      %dma_wait3A = arith.constant 40 : i32
      %dma_wait3A_94 = arith.constant 0 : i32
      %dma_wait3A_95 = tpu.memref_slice %arg4[%add3A, %dma_wait3A, %dma_wait3A_94] : memref<32x80x128xi32, #tpu.memory_space<hbm>> -> memref<1x40x128xi32, #tpu.memory_space<hbm>>
      %dma_wait3A_96 = tpu.memref_squeeze %dma_wait3A_95 : memref<1x40x128xi32, #tpu.memory_space<hbm>> -> memref<40x128xi32, #tpu.memory_space<hbm>>
      %dma_wait3A_97 = arith.constant 40 : i32
      %dma_wait3A_98 = arith.constant 0 : i32
      %dma_wait3A_99 = tpu.memref_slice %arg4[%add3A, %dma_wait3A_97, %dma_wait3A_98] : memref<32x80x128xi32, #tpu.memory_space<hbm>> -> memref<1x40x128xi32, #tpu.memory_space<hbm>>
      %dma_wait3A_100 = tpu.memref_squeeze %dma_wait3A_99 : memref<1x40x128xi32, #tpu.memory_space<hbm>> -> memref<40x128xi32, #tpu.memory_space<hbm>>
      tpu.wait_dma2 semaphore(%run_scoped3A : memref<!tpu.dma_semaphore, #tpu.memory_space<semaphore_mem>>) src(%dma_wait3A_100 : memref<40x128xi32, #tpu.memory_space<hbm>>) dst(%arg7 : memref<40x128xi32, #tpu.memory_space<vmem>>)
      tpu.yield
    }) : () -> ()
    %dma_start3A_45 = arith.constant 0 : i32
    %dma_start3A_46 = arith.constant 0 : i32
    %dma_start3A_47 = tpu.memref_slice %arg6[%dma_start3A_45, %dma_start3A_46] : memref<40x128xi32, #tpu.memory_space<vmem>> -> memref<1x128xi32, #tpu.memory_space<vmem>>
    %dma_start3A_48 = tpu.memref_squeeze %dma_start3A_47 : memref<1x128xi32, #tpu.memory_space<vmem>> -> memref<128xi32, #tpu.memory_space<vmem>>
    %dma_start3A_49 = arith.constant 0 : i32
    %dma_start3A_50 = arith.constant 0 : i32
    %dma_start3A_51 = tpu.memref_slice %arg2[%dma_start3A_49, %dma_start3A_50] : memref<10000x128xf32, #tpu.memory_space<hbm>> -> memref<10000x128xf32, #tpu.memory_space<hbm>>
    tpu.enqueue_indirect_dma source(%dma_start3A_51 : memref<10000x128xf32, #tpu.memory_space<hbm>>) target(%arg8 : memref<128x128xf32, #tpu.memory_space<vmem>>) offsets(%dma_start3A_48 : memref<128xi32, #tpu.memory_space<vmem>>) semaphore(%arg11 : memref<!tpu.dma_semaphore, #tpu.memory_space<semaphore_mem>>)
    %dma_start3A_52 = arith.constant 1 : i32
    %dma_start3A_53 = arith.constant 0 : i32
    %dma_start3A_54 = tpu.memref_slice %arg6[%dma_start3A_52, %dma_start3A_53] : memref<40x128xi32, #tpu.memory_space<vmem>> -> memref<1x128xi32, #tpu.memory_space<vmem>>
    %dma_start3A_55 = tpu.memref_squeeze %dma_start3A_54 : memref<1x128xi32, #tpu.memory_space<vmem>> -> memref<128xi32, #tpu.memory_space<vmem>>
    %dma_start3A_56 = arith.constant 0 : i32
    %dma_start3A_57 = arith.constant 0 : i32
    %dma_start3A_58 = tpu.memref_slice %arg2[%dma_start3A_56, %dma_start3A_57] : memref<10000x128xf32, #tpu.memory_space<hbm>> -> memref<10000x128xf32, #tpu.memory_space<hbm>>
    tpu.enqueue_indirect_dma source(%dma_start3A_58 : memref<10000x128xf32, #tpu.memory_space<hbm>>) target(%arg9 : memref<128x128xf32, #tpu.memory_space<vmem>>) offsets(%dma_start3A_55 : memref<128xi32, #tpu.memory_space<vmem>>) semaphore(%arg12 : memref<!tpu.dma_semaphore, #tpu.memory_space<semaphore_mem>>)
    %scan3A_59 = arith.constant 0 : i32
    %scan3A_60 = arith.constant 0 : i32
    %scan3A_61 = arith.constant 20 : i32
    %scan3A_62 = arith.addi %scan3A_60, %scan3A_61 : i32
    %scan3A_63 = arith.constant 1 : i32
    scf.for %scan3A_86 = %scan3A_60 to %scan3A_62 step %scan3A_63  : i32 {
      %mul3A_87 = arith.constant 2 : i32
      %mul3A_88 = arith.muli %scan3A_86, %mul3A_87 : i32
      %add3A_89 = arith.constant 0 : i32
      %add3A_90 = arith.addi %mul3A_88, %add3A_89 : i32
      %dma_wait3A = arith.constant 0 : i32
      %dma_wait3A_91 = tpu.memref_slice %arg6[%add3A_90, %dma_wait3A] : memref<40x128xi32, #tpu.memory_space<vmem>> -> memref<1x128xi32, #tpu.memory_space<vmem>>
      %dma_wait3A_92 = tpu.memref_squeeze %dma_wait3A_91 : memref<1x128xi32, #tpu.memory_space<vmem>> -> memref<128xi32, #tpu.memory_space<vmem>>
      %dma_wait3A_93 = arith.constant 0 : i32
      %dma_wait3A_94 = arith.constant 0 : i32
      %dma_wait3A_95 = tpu.memref_slice %arg2[%dma_wait3A_93, %dma_wait3A_94] : memref<10000x128xf32, #tpu.memory_space<hbm>> -> memref<10000x128xf32, #tpu.memory_space<hbm>>
      tpu.wait_indirect_dma semaphore(%arg11 : memref<!tpu.dma_semaphore, #tpu.memory_space<semaphore_mem>>) src(%dma_wait3A_95 : memref<10000x128xf32, #tpu.memory_space<hbm>>) dst(%arg8 : memref<128x128xf32, #tpu.memory_space<vmem>>)
      "tpu.region"() ({
        %run_scoped3A = tpu.sem_alloc : memref<!tpu.dma_semaphore, #tpu.memory_space<semaphore_mem>>
        %dma_start3A_117 = arith.constant 0 : i32
        %dma_start3A_118 = tpu.memref_slice %arg7[%add3A_90, %dma_start3A_117] : memref<40x128xi32, #tpu.memory_space<vmem>> -> memref<1x128xi32, #tpu.memory_space<vmem>>
        %dma_start3A_119 = tpu.memref_squeeze %dma_start3A_118 : memref<1x128xi32, #tpu.memory_space<vmem>> -> memref<128xi32, #tpu.memory_space<vmem>>
        %dma_start3A_120 = arith.constant 0 : i32
        %dma_start3A_121 = arith.constant 0 : i32
        %dma_start3A_122 = tpu.memref_slice %arg10[%dma_start3A_120, %dma_start3A_121] : memref<10240x128xf32, #tpu.memory_space<vmem_shared>> -> memref<10240x128xf32, #tpu.memory_space<vmem_shared>>
        tpu.enqueue_indirect_dma source(%arg8 : memref<128x128xf32, #tpu.memory_space<vmem>>) target(%dma_start3A_122 : memref<10240x128xf32, #tpu.memory_space<vmem_shared>>) offsets(%dma_start3A_119 : memref<128xi32, #tpu.memory_space<vmem>>) semaphore(%run_scoped3A : memref<!tpu.dma_semaphore, #tpu.memory_space<semaphore_mem>>) {add = true}
        %dma_wait3A_123 = arith.constant 0 : i32
        %dma_wait3A_124 = tpu.memref_slice %arg7[%add3A_90, %dma_wait3A_123] : memref<40x128xi32, #tpu.memory_space<vmem>> -> memref<1x128xi32, #tpu.memory_space<vmem>>
        %dma_wait3A_125 = tpu.memref_squeeze %dma_wait3A_124 : memref<1x128xi32, #tpu.memory_space<vmem>> -> memref<128xi32, #tpu.memory_space<vmem>>
        %dma_wait3A_126 = arith.constant 0 : i32
        %dma_wait3A_127 = arith.constant 0 : i32
        %dma_wait3A_128 = tpu.memref_slice %arg10[%dma_wait3A_126, %dma_wait3A_127] : memref<10240x128xf32, #tpu.memory_space<vmem_shared>> -> memref<10240x128xf32, #tpu.memory_space<vmem_shared>>
        tpu.wait_indirect_dma semaphore(%run_scoped3A : memref<!tpu.dma_semaphore, #tpu.memory_space<semaphore_mem>>) src(%arg8 : memref<128x128xf32, #tpu.memory_space<vmem>>) dst(%dma_wait3A_128 : memref<10240x128xf32, #tpu.memory_space<vmem_shared>>)
        tpu.yield
      }) : () -> ()
      %add3A_96 = arith.constant 2 : i32
      %add3A_97 = arith.addi %add3A_90, %add3A_96 : i32
      %lt3A = arith.constant 40 : i32
      %lt3A_98 = arith.cmpi slt, %add3A_97, %lt3A : i32
      %convert_element_type3A = arith.extui %lt3A_98 : i1 to i32
      %cond3A = arith.constant 0 : i32
      %cond3A_99 = arith.cmpi ne, %convert_element_type3A, %cond3A : i32
      scf.if %cond3A_99 {
        %add3A_117 = arith.constant 2 : i32
        %add3A_118 = arith.addi %add3A_90, %add3A_117 : i32
        %dma_start3A_119 = arith.constant 0 : i32
        %dma_start3A_120 = tpu.memref_slice %arg6[%add3A_118, %dma_start3A_119] : memref<40x128xi32, #tpu.memory_space<vmem>> -> memref<1x128xi32, #tpu.memory_space<vmem>>
        %dma_start3A_121 = tpu.memref_squeeze %dma_start3A_120 : memref<1x128xi32, #tpu.memory_space<vmem>> -> memref<128xi32, #tpu.memory_space<vmem>>
        %dma_start3A_122 = arith.constant 0 : i32
        %dma_start3A_123 = arith.constant 0 : i32
        %dma_start3A_124 = tpu.memref_slice %arg2[%dma_start3A_122, %dma_start3A_123] : memref<10000x128xf32, #tpu.memory_space<hbm>> -> memref<10000x128xf32, #tpu.memory_space<hbm>>
        tpu.enqueue_indirect_dma source(%dma_start3A_124 : memref<10000x128xf32, #tpu.memory_space<hbm>>) target(%arg8 : memref<128x128xf32, #tpu.memory_space<vmem>>) offsets(%dma_start3A_121 : memref<128xi32, #tpu.memory_space<vmem>>) semaphore(%arg11 : memref<!tpu.dma_semaphore, #tpu.memory_space<semaphore_mem>>)
      } else {
      }
      %mul3A_100 = arith.constant 2 : i32
      %mul3A_101 = arith.muli %scan3A_86, %mul3A_100 : i32
      %add3A_102 = arith.constant 1 : i32
      %add3A_103 = arith.addi %mul3A_101, %add3A_102 : i32
      %dma_wait3A_104 = arith.constant 0 : i32
      %dma_wait3A_105 = tpu.memref_slice %arg6[%add3A_103, %dma_wait3A_104] : memref<40x128xi32, #tpu.memory_space<vmem>> -> memref<1x128xi32, #tpu.memory_space<vmem>>
      %dma_wait3A_106 = tpu.memref_squeeze %dma_wait3A_105 : memref<1x128xi32, #tpu.memory_space<vmem>> -> memref<128xi32, #tpu.memory_space<vmem>>
      %dma_wait3A_107 = arith.constant 0 : i32
      %dma_wait3A_108 = arith.constant 0 : i32
      %dma_wait3A_109 = tpu.memref_slice %arg2[%dma_wait3A_107, %dma_wait3A_108] : memref<10000x128xf32, #tpu.memory_space<hbm>> -> memref<10000x128xf32, #tpu.memory_space<hbm>>
      tpu.wait_indirect_dma semaphore(%arg12 : memref<!tpu.dma_semaphore, #tpu.memory_space<semaphore_mem>>) src(%dma_wait3A_109 : memref<10000x128xf32, #tpu.memory_space<hbm>>) dst(%arg9 : memref<128x128xf32, #tpu.memory_space<vmem>>)
      "tpu.region"() ({
        %run_scoped3A = tpu.sem_alloc : memref<!tpu.dma_semaphore, #tpu.memory_space<semaphore_mem>>
        %dma_start3A_117 = arith.constant 0 : i32
        %dma_start3A_118 = tpu.memref_slice %arg7[%add3A_103, %dma_start3A_117] : memref<40x128xi32, #tpu.memory_space<vmem>> -> memref<1x128xi32, #tpu.memory_space<vmem>>
        %dma_start3A_119 = tpu.memref_squeeze %dma_start3A_118 : memref<1x128xi32, #tpu.memory_space<vmem>> -> memref<128xi32, #tpu.memory_space<vmem>>
        %dma_start3A_120 = arith.constant 0 : i32
        %dma_start3A_121 = arith.constant 0 : i32
        %dma_start3A_122 = tpu.memref_slice %arg10[%dma_start3A_120, %dma_start3A_121] : memref<10240x128xf32, #tpu.memory_space<vmem_shared>> -> memref<10240x128xf32, #tpu.memory_space<vmem_shared>>
        tpu.enqueue_indirect_dma source(%arg9 : memref<128x128xf32, #tpu.memory_space<vmem>>) target(%dma_start3A_122 : memref<10240x128xf32, #tpu.memory_space<vmem_shared>>) offsets(%dma_start3A_119 : memref<128xi32, #tpu.memory_space<vmem>>) semaphore(%run_scoped3A : memref<!tpu.dma_semaphore, #tpu.memory_space<semaphore_mem>>) {add = true}
        %dma_wait3A_123 = arith.constant 0 : i32
        %dma_wait3A_124 = tpu.memref_slice %arg7[%add3A_103, %dma_wait3A_123] : memref<40x128xi32, #tpu.memory_space<vmem>> -> memref<1x128xi32, #tpu.memory_space<vmem>>
        %dma_wait3A_125 = tpu.memref_squeeze %dma_wait3A_124 : memref<1x128xi32, #tpu.memory_space<vmem>> -> memref<128xi32, #tpu.memory_space<vmem>>
        %dma_wait3A_126 = arith.constant 0 : i32
        %dma_wait3A_127 = arith.constant 0 : i32
        %dma_wait3A_128 = tpu.memref_slice %arg10[%dma_wait3A_126, %dma_wait3A_127] : memref<10240x128xf32, #tpu.memory_space<vmem_shared>> -> memref<10240x128xf32, #tpu.memory_space<vmem_shared>>
        tpu.wait_indirect_dma semaphore(%run_scoped3A : memref<!tpu.dma_semaphore, #tpu.memory_space<semaphore_mem>>) src(%arg9 : memref<128x128xf32, #tpu.memory_space<vmem>>) dst(%dma_wait3A_128 : memref<10240x128xf32, #tpu.memory_space<vmem_shared>>)
        tpu.yield
      }) : () -> ()
      %add3A_110 = arith.constant 2 : i32
      %add3A_111 = arith.addi %add3A_103, %add3A_110 : i32
      %lt3A_112 = arith.constant 40 : i32
      %lt3A_113 = arith.cmpi slt, %add3A_111, %lt3A_112 : i32
      %convert_element_type3A_114 = arith.extui %lt3A_113 : i1 to i32
      %cond3A_115 = arith.constant 0 : i32
      %cond3A_116 = arith.cmpi ne, %convert_element_type3A_114, %cond3A_115 : i32
      scf.if %cond3A_116 {
        %add3A_117 = arith.constant 2 : i32
        %add3A_118 = arith.addi %add3A_103, %add3A_117 : i32
        %dma_start3A_119 = arith.constant 0 : i32
        %dma_start3A_120 = tpu.memref_slice %arg6[%add3A_118, %dma_start3A_119] : memref<40x128xi32, #tpu.memory_space<vmem>> -> memref<1x128xi32, #tpu.memory_space<vmem>>
        %dma_start3A_121 = tpu.memref_squeeze %dma_start3A_120 : memref<1x128xi32, #tpu.memory_space<vmem>> -> memref<128xi32, #tpu.memory_space<vmem>>
        %dma_start3A_122 = arith.constant 0 : i32
        %dma_start3A_123 = arith.constant 0 : i32
        %dma_start3A_124 = tpu.memref_slice %arg2[%dma_start3A_122, %dma_start3A_123] : memref<10000x128xf32, #tpu.memory_space<hbm>> -> memref<10000x128xf32, #tpu.memory_space<hbm>>
        tpu.enqueue_indirect_dma source(%dma_start3A_124 : memref<10000x128xf32, #tpu.memory_space<hbm>>) target(%arg9 : memref<128x128xf32, #tpu.memory_space<vmem>>) offsets(%dma_start3A_121 : memref<128xi32, #tpu.memory_space<vmem>>) semaphore(%arg12 : memref<!tpu.dma_semaphore, #tpu.memory_space<semaphore_mem>>)
      } else {
      }
    }
    %scan3A_64 = arith.constant 20 : i32
    %barrier3A_65 = arith.constant 0 : index
    tpu.barrier barrier_id(%barrier3A_65)
    %mul3A_66 = arith.constant 640 : i32
    %mul3A_67 = arith.muli %arg1, %mul3A_66 : i32
    %add3A_68 = arith.constant 0 : i32
    %add3A_69 = arith.addi %mul3A_67, %add3A_68 : i32
    "tpu.region"() ({
      %run_scoped3A = tpu.sem_alloc : memref<!tpu.dma_semaphore, #tpu.memory_space<semaphore_mem>>
      %dma_start3A_86 = arith.constant 0 : i32
      %dma_start3A_87 = tpu.memref_slice %arg5[%arg0, %add3A_69, %dma_start3A_86] : memref<2x10240x128xf32, #tpu.memory_space<hbm>> -> memref<1x128x128xf32, #tpu.memory_space<hbm>>
      %dma_start3A_88 = tpu.memref_squeeze %dma_start3A_87 : memref<1x128x128xf32, #tpu.memory_space<hbm>> -> memref<128x128xf32, #tpu.memory_space<hbm>>
      %dma_start3A_89 = arith.constant 0 : i32
      %dma_start3A_90 = tpu.memref_slice %arg10[%add3A_69, %dma_start3A_89] : memref<10240x128xf32, #tpu.memory_space<vmem_shared>> -> memref<128x128xf32, #tpu.memory_space<vmem_shared>>
      tpu.enqueue_dma source(%dma_start3A_90 : memref<128x128xf32, #tpu.memory_space<vmem_shared>>) target(%dma_start3A_88 : memref<128x128xf32, #tpu.memory_space<hbm>>) target_semaphore(%run_scoped3A : memref<!tpu.dma_semaphore, #tpu.memory_space<semaphore_mem>>)
      %dma_wait3A = arith.constant 0 : i32
      %dma_wait3A_91 = tpu.memref_slice %arg5[%arg0, %add3A_69, %dma_wait3A] : memref<2x10240x128xf32, #tpu.memory_space<hbm>> -> memref<1x128x128xf32, #tpu.memory_space<hbm>>
      %dma_wait3A_92 = tpu.memref_squeeze %dma_wait3A_91 : memref<1x128x128xf32, #tpu.memory_space<hbm>> -> memref<128x128xf32, #tpu.memory_space<hbm>>
      %dma_wait3A_93 = arith.constant 0 : i32
      %dma_wait3A_94 = tpu.memref_slice %arg10[%add3A_69, %dma_wait3A_93] : memref<10240x128xf32, #tpu.memory_space<vmem_shared>> -> memref<128x128xf32, #tpu.memory_space<vmem_shared>>
      tpu.wait_dma2 semaphore(%run_scoped3A : memref<!tpu.dma_semaphore, #tpu.memory_space<semaphore_mem>>) src(%dma_wait3A_94 : memref<128x128xf32, #tpu.memory_space<vmem_shared>>) dst(%dma_wait3A_92 : memref<128x128xf32, #tpu.memory_space<hbm>>)
      tpu.yield
    }) : () -> ()
    %mul3A_70 = arith.constant 640 : i32
    %mul3A_71 = arith.muli %arg1, %mul3A_70 : i32
    %add3A_72 = arith.constant 128 : i32
    %add3A_73 = arith.addi %mul3A_71, %add3A_72 : i32
    "tpu.region"() ({
      %run_scoped3A = tpu.sem_alloc : memref<!tpu.dma_semaphore, #tpu.memory_space<semaphore_mem>>
      %dma_start3A_86 = arith.constant 0 : i32
      %dma_start3A_87 = tpu.memref_slice %arg5[%arg0, %add3A_73, %dma_start3A_86] : memref<2x10240x128xf32, #tpu.memory_space<hbm>> -> memref<1x128x128xf32, #tpu.memory_space<hbm>>
      %dma_start3A_88 = tpu.memref_squeeze %dma_start3A_87 : memref<1x128x128xf32, #tpu.memory_space<hbm>> -> memref<128x128xf32, #tpu.memory_space<hbm>>
      %dma_start3A_89 = arith.constant 0 : i32
      %dma_start3A_90 = tpu.memref_slice %arg10[%add3A_73, %dma_start3A_89] : memref<10240x128xf32, #tpu.memory_space<vmem_shared>> -> memref<128x128xf32, #tpu.memory_space<vmem_shared>>
      tpu.enqueue_dma source(%dma_start3A_90 : memref<128x128xf32, #tpu.memory_space<vmem_shared>>) target(%dma_start3A_88 : memref<128x128xf32, #tpu.memory_space<hbm>>) target_semaphore(%run_scoped3A : memref<!tpu.dma_semaphore, #tpu.memory_space<semaphore_mem>>)
      %dma_wait3A = arith.constant 0 : i32
      %dma_wait3A_91 = tpu.memref_slice %arg5[%arg0, %add3A_73, %dma_wait3A] : memref<2x10240x128xf32, #tpu.memory_space<hbm>> -> memref<1x128x128xf32, #tpu.memory_space<hbm>>
      %dma_wait3A_92 = tpu.memref_squeeze %dma_wait3A_91 : memref<1x128x128xf32, #tpu.memory_space<hbm>> -> memref<128x128xf32, #tpu.memory_space<hbm>>
      %dma_wait3A_93 = arith.constant 0 : i32
      %dma_wait3A_94 = tpu.memref_slice %arg10[%add3A_73, %dma_wait3A_93] : memref<10240x128xf32, #tpu.memory_space<vmem_shared>> -> memref<128x128xf32, #tpu.memory_space<vmem_shared>>
      tpu.wait_dma2 semaphore(%run_scoped3A : memref<!tpu.dma_semaphore, #tpu.memory_space<semaphore_mem>>) src(%dma_wait3A_94 : memref<128x128xf32, #tpu.memory_space<vmem_shared>>) dst(%dma_wait3A_92 : memref<128x128xf32, #tpu.memory_space<hbm>>)
      tpu.yield
    }) : () -> ()
    %mul3A_74 = arith.constant 640 : i32
    %mul3A_75 = arith.muli %arg1, %mul3A_74 : i32
    %add3A_76 = arith.constant 256 : i32
    %add3A_77 = arith.addi %mul3A_75, %add3A_76 : i32
    "tpu.region"() ({
      %run_scoped3A = tpu.sem_alloc : memref<!tpu.dma_semaphore, #tpu.memory_space<semaphore_mem>>
      %dma_start3A_86 = arith.constant 0 : i32
      %dma_start3A_87 = tpu.memref_slice %arg5[%arg0, %add3A_77, %dma_start3A_86] : memref<2x10240x128xf32, #tpu.memory_space<hbm>> -> memref<1x128x128xf32, #tpu.memory_space<hbm>>
      %dma_start3A_88 = tpu.memref_squeeze %dma_start3A_87 : memref<1x128x128xf32, #tpu.memory_space<hbm>> -> memref<128x128xf32, #tpu.memory_space<hbm>>
      %dma_start3A_89 = arith.constant 0 : i32
      %dma_start3A_90 = tpu.memref_slice %arg10[%add3A_77, %dma_start3A_89] : memref<10240x128xf32, #tpu.memory_space<vmem_shared>> -> memref<128x128xf32, #tpu.memory_space<vmem_shared>>
      tpu.enqueue_dma source(%dma_start3A_90 : memref<128x128xf32, #tpu.memory_space<vmem_shared>>) target(%dma_start3A_88 : memref<128x128xf32, #tpu.memory_space<hbm>>) target_semaphore(%run_scoped3A : memref<!tpu.dma_semaphore, #tpu.memory_space<semaphore_mem>>)
      %dma_wait3A = arith.constant 0 : i32
      %dma_wait3A_91 = tpu.memref_slice %arg5[%arg0, %add3A_77, %dma_wait3A] : memref<2x10240x128xf32, #tpu.memory_space<hbm>> -> memref<1x128x128xf32, #tpu.memory_space<hbm>>
      %dma_wait3A_92 = tpu.memref_squeeze %dma_wait3A_91 : memref<1x128x128xf32, #tpu.memory_space<hbm>> -> memref<128x128xf32, #tpu.memory_space<hbm>>
      %dma_wait3A_93 = arith.constant 0 : i32
      %dma_wait3A_94 = tpu.memref_slice %arg10[%add3A_77, %dma_wait3A_93] : memref<10240x128xf32, #tpu.memory_space<vmem_shared>> -> memref<128x128xf32, #tpu.memory_space<vmem_shared>>
      tpu.wait_dma2 semaphore(%run_scoped3A : memref<!tpu.dma_semaphore, #tpu.memory_space<semaphore_mem>>) src(%dma_wait3A_94 : memref<128x128xf32, #tpu.memory_space<vmem_shared>>) dst(%dma_wait3A_92 : memref<128x128xf32, #tpu.memory_space<hbm>>)
      tpu.yield
    }) : () -> ()
    %mul3A_78 = arith.constant 640 : i32
    %mul3A_79 = arith.muli %arg1, %mul3A_78 : i32
    %add3A_80 = arith.constant 384 : i32
    %add3A_81 = arith.addi %mul3A_79, %add3A_80 : i32
    "tpu.region"() ({
      %run_scoped3A = tpu.sem_alloc : memref<!tpu.dma_semaphore, #tpu.memory_space<semaphore_mem>>
      %dma_start3A_86 = arith.constant 0 : i32
      %dma_start3A_87 = tpu.memref_slice %arg5[%arg0, %add3A_81, %dma_start3A_86] : memref<2x10240x128xf32, #tpu.memory_space<hbm>> -> memref<1x128x128xf32, #tpu.memory_space<hbm>>
      %dma_start3A_88 = tpu.memref_squeeze %dma_start3A_87 : memref<1x128x128xf32, #tpu.memory_space<hbm>> -> memref<128x128xf32, #tpu.memory_space<hbm>>
      %dma_start3A_89 = arith.constant 0 : i32
      %dma_start3A_90 = tpu.memref_slice %arg10[%add3A_81, %dma_start3A_89] : memref<10240x128xf32, #tpu.memory_space<vmem_shared>> -> memref<128x128xf32, #tpu.memory_space<vmem_shared>>
      tpu.enqueue_dma source(%dma_start3A_90 : memref<128x128xf32, #tpu.memory_space<vmem_shared>>) target(%dma_start3A_88 : memref<128x128xf32, #tpu.memory_space<hbm>>) target_semaphore(%run_scoped3A : memref<!tpu.dma_semaphore, #tpu.memory_space<semaphore_mem>>)
      %dma_wait3A = arith.constant 0 : i32
      %dma_wait3A_91 = tpu.memref_slice %arg5[%arg0, %add3A_81, %dma_wait3A] : memref<2x10240x128xf32, #tpu.memory_space<hbm>> -> memref<1x128x128xf32, #tpu.memory_space<hbm>>
      %dma_wait3A_92 = tpu.memref_squeeze %dma_wait3A_91 : memref<1x128x128xf32, #tpu.memory_space<hbm>> -> memref<128x128xf32, #tpu.memory_space<hbm>>
      %dma_wait3A_93 = arith.constant 0 : i32
      %dma_wait3A_94 = tpu.memref_slice %arg10[%add3A_81, %dma_wait3A_93] : memref<10240x128xf32, #tpu.memory_space<vmem_shared>> -> memref<128x128xf32, #tpu.memory_space<vmem_shared>>
      tpu.wait_dma2 semaphore(%run_scoped3A : memref<!tpu.dma_semaphore, #tpu.memory_space<semaphore_mem>>) src(%dma_wait3A_94 : memref<128x128xf32, #tpu.memory_space<vmem_shared>>) dst(%dma_wait3A_92 : memref<128x128xf32, #tpu.memory_space<hbm>>)
      tpu.yield
    }) : () -> ()
    %mul3A_82 = arith.constant 640 : i32
    %mul3A_83 = arith.muli %arg1, %mul3A_82 : i32
    %add3A_84 = arith.constant 512 : i32
    %add3A_85 = arith.addi %mul3A_83, %add3A_84 : i32
    "tpu.region"() ({
      %run_scoped3A = tpu.sem_alloc : memref<!tpu.dma_semaphore, #tpu.memory_space<semaphore_mem>>
      %dma_start3A_86 = arith.constant 0 : i32
      %dma_start3A_87 = tpu.memref_slice %arg5[%arg0, %add3A_85, %dma_start3A_86] : memref<2x10240x128xf32, #tpu.memory_space<hbm>> -> memref<1x128x128xf32, #tpu.memory_space<hbm>>
      %dma_start3A_88 = tpu.memref_squeeze %dma_start3A_87 : memref<1x128x128xf32, #tpu.memory_space<hbm>> -> memref<128x128xf32, #tpu.memory_space<hbm>>
      %dma_start3A_89 = arith.constant 0 : i32
      %dma_start3A_90 = tpu.memref_slice %arg10[%add3A_85, %dma_start3A_89] : memref<10240x128xf32, #tpu.memory_space<vmem_shared>> -> memref<128x128xf32, #tpu.memory_space<vmem_shared>>
      tpu.enqueue_dma source(%dma_start3A_90 : memref<128x128xf32, #tpu.memory_space<vmem_shared>>) target(%dma_start3A_88 : memref<128x128xf32, #tpu.memory_space<hbm>>) target_semaphore(%run_scoped3A : memref<!tpu.dma_semaphore, #tpu.memory_space<semaphore_mem>>)
      %dma_wait3A = arith.constant 0 : i32
      %dma_wait3A_91 = tpu.memref_slice %arg5[%arg0, %add3A_85, %dma_wait3A] : memref<2x10240x128xf32, #tpu.memory_space<hbm>> -> memref<1x128x128xf32, #tpu.memory_space<hbm>>
      %dma_wait3A_92 = tpu.memref_squeeze %dma_wait3A_91 : memref<1x128x128xf32, #tpu.memory_space<hbm>> -> memref<128x128xf32, #tpu.memory_space<hbm>>
      %dma_wait3A_93 = arith.constant 0 : i32
      %dma_wait3A_94 = tpu.memref_slice %arg10[%add3A_85, %dma_wait3A_93] : memref<10240x128xf32, #tpu.memory_space<vmem_shared>> -> memref<128x128xf32, #tpu.memory_space<vmem_shared>>
      tpu.wait_dma2 semaphore(%run_scoped3A : memref<!tpu.dma_semaphore, #tpu.memory_space<semaphore_mem>>) src(%dma_wait3A_94 : memref<128x128xf32, #tpu.memory_space<vmem_shared>>) dst(%dma_wait3A_92 : memref<128x128xf32, #tpu.memory_space<hbm>>)
      tpu.yield
    }) : () -> ()
    return
  }
}

module attributes {stable_mosaic.version = 14 : i64} {
  func.func @body(%arg0: i32, %arg1: memref<128x2048xf32, #tpu.memory_space<vmem>>, %arg2: memref<128x128xf32, #tpu.memory_space<vmem>>, %arg3: memref<2048x2xf32, #tpu.memory_space<vmem>>, %arg4: memref<2048x128xf32, #tpu.memory_space<vmem>>, %arg5: memref<2048x128xf32, #tpu.memory_space<vmem>>, %arg6: memref<2048x8xf32, #tpu.memory_space<vmem>>, %arg7: memref<2048x8xf32, #tpu.memory_space<vmem>>) attributes {dimension_semantics = [#tpu.dimension_semantics<arbitrary>], iteration_bounds = array<i64: 5>, scalar_prefetch = 0 : i64, scratch_operands = 0 : i64, tpu.core_type = #tpu.core_type<tc>, window_params = [{transform_indices = @transform_0, window_bounds = array<i64: 128, 2048>}, {pipeline_mode = #tpu.pipeline_mode<synchronous>, transform_indices = @transform_1, window_bounds = array<i64: 128, 128>}, {transform_indices = @transform_2, window_bounds = array<i64: 2048, 2>}, {transform_indices = @transform_3, window_bounds = array<i64: 2048, 128>}, {transform_indices = @transform_4, window_bounds = array<i64: 2048, 128>}, {transform_indices = @transform_5, window_bounds = array<i64: 2048, 8>}, {transform_indices = @transform_6, window_bounds = array<i64: 2048, 8>}]} {
    %get3A = arith.constant 0 : index
    %get3A_0 = arith.constant 0 : index
    %get3A_1 = vector.load %arg1[%get3A, %get3A_0] : memref<128x2048xf32, #tpu.memory_space<vmem>>, vector<128x2048xf32>
    %transpose3A = tpu.transpose %get3A_1, [1, 0] : vector<128x2048xf32> -> vector<2048x128xf32>
    %get3A_2 = arith.constant 0 : index
    %get3A_3 = arith.constant 0 : index
    %get3A_4 = vector.load %arg3[%get3A_2, %get3A_3] : memref<2048x2xf32, #tpu.memory_space<vmem>>, vector<2048x2xf32>
    %slice3A = vector.extract_strided_slice %get3A_4 {offsets = [0, 0], sizes = [2048, 1], strides = [1, 1]} : vector<2048x2xf32> to vector<2048x1xf32>
    %slice3A_5 = vector.extract_strided_slice %get3A_4 {offsets = [0, 1], sizes = [2048, 1], strides = [1, 1]} : vector<2048x2xf32> to vector<2048x1xf32>
    %add3A = arith.addf %slice3A, %slice3A_5 : vector<2048x1xf32>
    %add3A_6 = arith.constant 1.000000e+00 : f32
    %add3A_7 = vector.broadcast %add3A_6 : f32 to vector<2048x1xf32>
    %add3A_8 = arith.addf %add3A, %add3A_7 : vector<2048x1xf32>
    %rsqrt3A = math.rsqrt %add3A_8 : vector<2048x1xf32>
    %get3A_9 = arith.constant 0 : index
    %get3A_10 = arith.constant 0 : index
    %get3A_11 = vector.load %arg2[%get3A_9, %get3A_10] : memref<128x128xf32, #tpu.memory_space<vmem>>, vector<128x128xf32>
    %dot_general3A = arith.constant dense<0.000000e+00> : vector<2048x128xf32>
    %dot_general3A_12 = tpu.matmul %transpose3A, %get3A_11, %dot_general3A {dimension_numbers = #tpu.dot_dimension_numbers<[1], [1], [0], [0], [0, 0, 1, 0], [], []>, transpose_lhs_hint = false} : vector<2048x128xf32>, vector<128x128xf32>, vector<2048x128xf32> -> vector<2048x128xf32>
    %swap3A = arith.constant 0 : index
    %swap3A_13 = arith.constant 0 : index
    %swap3A_14 = vector.load %arg4[%swap3A, %swap3A_13] : memref<2048x128xf32, #tpu.memory_space<vmem>>, vector<2048x128xf32>
    tpu.vector_store %arg4[%swap3A, %swap3A_13], %transpose3A {strides = array<i32>} : memref<2048x128xf32, #tpu.memory_space<vmem>>, vector<2048x128xf32>,
    %mul3A = vector.broadcast %rsqrt3A : vector<2048x1xf32> to vector<2048x128xf32>
    %mul3A_15 = arith.mulf %dot_general3A_12, %mul3A : vector<2048x128xf32>
    %swap3A_16 = arith.constant 0 : index
    %swap3A_17 = arith.constant 0 : index
    %swap3A_18 = vector.load %arg5[%swap3A_16, %swap3A_17] : memref<2048x128xf32, #tpu.memory_space<vmem>>, vector<2048x128xf32>
    tpu.vector_store %arg5[%swap3A_16, %swap3A_17], %mul3A_15 {strides = array<i32>} : memref<2048x128xf32, #tpu.memory_space<vmem>>, vector<2048x128xf32>,
    %broadcast_in_dim3A = vector.shape_cast %rsqrt3A : vector<2048x1xf32> to vector<2048x1xf32>
    %broadcast_in_dim3A_19 = vector.broadcast %broadcast_in_dim3A : vector<2048x1xf32> to vector<2048x8xf32>
    %swap3A_20 = arith.constant 0 : index
    %swap3A_21 = arith.constant 0 : index
    %swap3A_22 = vector.load %arg6[%swap3A_20, %swap3A_21] : memref<2048x8xf32, #tpu.memory_space<vmem>>, vector<2048x8xf32>
    tpu.vector_store %arg6[%swap3A_20, %swap3A_21], %broadcast_in_dim3A_19 {strides = array<i32>} : memref<2048x8xf32, #tpu.memory_space<vmem>>, vector<2048x8xf32>,
    %mul3A_23 = arith.mulf %transpose3A, %transpose3A : vector<2048x128xf32>
    %reduce_sum3A = arith.constant dense<0.000000e+00> : vector<2048xf32>
    %reduce_sum3A_24 = vector.multi_reduction <add>, %mul3A_23, %reduce_sum3A [1] : vector<2048x128xf32> to vector<2048xf32>
    %broadcast_in_dim3A_25 = vector.shape_cast %reduce_sum3A_24 : vector<2048xf32> to vector<2048x1xf32>
    %sqrt3A = math.sqrt %broadcast_in_dim3A_25 : vector<2048x1xf32>
    %broadcast_in_dim3A_26 = vector.shape_cast %sqrt3A : vector<2048x1xf32> to vector<2048x1xf32>
    %broadcast_in_dim3A_27 = vector.broadcast %broadcast_in_dim3A_26 : vector<2048x1xf32> to vector<2048x8xf32>
    %swap3A_28 = arith.constant 0 : index
    %swap3A_29 = arith.constant 0 : index
    %swap3A_30 = vector.load %arg7[%swap3A_28, %swap3A_29] : memref<2048x8xf32, #tpu.memory_space<vmem>>, vector<2048x8xf32>
    tpu.vector_store %arg7[%swap3A_28, %swap3A_29], %broadcast_in_dim3A_27 {strides = array<i32>} : memref<2048x8xf32, #tpu.memory_space<vmem>>, vector<2048x8xf32>,
    return
  }
  func.func @transform_0(%arg0: i32) -> (i32, i32) {
    %c0_i32 = arith.constant 0 : i32
    %c0_i32_0 = arith.constant 0 : i32
    return %c0_i32, %arg0 : i32, i32
  }
  func.func @transform_1(%arg0: i32) -> (i32, i32) {
    %c0_i32 = arith.constant 0 : i32
    %c0_i32_0 = arith.constant 0 : i32
    %c0_i32_1 = arith.constant 0 : i32
    return %c0_i32, %c0_i32_0 : i32, i32
  }
  func.func @transform_2(%arg0: i32) -> (i32, i32) {
    %c0_i32 = arith.constant 0 : i32
    %c0_i32_0 = arith.constant 0 : i32
    return %arg0, %c0_i32 : i32, i32
  }
  func.func @transform_3(%arg0: i32) -> (i32, i32) {
    %c0_i32 = arith.constant 0 : i32
    %c0_i32_0 = arith.constant 0 : i32
    return %arg0, %c0_i32 : i32, i32
  }
  func.func @transform_4(%arg0: i32) -> (i32, i32) {
    %c0_i32 = arith.constant 0 : i32
    %c0_i32_0 = arith.constant 0 : i32
    return %arg0, %c0_i32 : i32, i32
  }
  func.func @transform_5(%arg0: i32) -> (i32, i32) {
    %c0_i32 = arith.constant 0 : i32
    %c0_i32_0 = arith.constant 0 : i32
    return %arg0, %c0_i32 : i32, i32
  }
  func.func @transform_6(%arg0: i32) -> (i32, i32) {
    %c0_i32 = arith.constant 0 : i32
    %c0_i32_0 = arith.constant 0 : i32
    return %arg0, %c0_i32 : i32, i32
  }
}

module attributes {stable_mosaic.version = 14 : i64} {
  func.func @body(%arg0: i32, %arg1: i32, %arg2: memref<2x2000x128xf32, #tpu.memory_space<vmem>>, %arg3: memref<2000x128xf32, #tpu.memory_space<vmem>>, %arg4: memref<2000x8xf32, #tpu.memory_space<vmem>>, %arg5: memref<2000x8xf32, #tpu.memory_space<vmem>>, %arg6: memref<2000x128xf32, #tpu.memory_space<vmem>>, %arg7: memref<1x128xf32, #tpu.memory_space<vmem>>, %arg8: memref<1x1xf32, #tpu.memory_space<vmem>>, %arg9: memref<1x128xf32, #tpu.memory_space<vmem>>, %arg10: memref<1x128xf32, #tpu.memory_space<vmem>>, %arg11: memref<1x128xf32, #tpu.memory_space<vmem>>, %arg12: memref<2000x128xf32, #tpu.memory_space<vmem>>, %arg13: memref<10000x128xf32, #tpu.memory_space<vmem>>, %arg14: memref<8x128xf32, #tpu.memory_space<vmem>>) attributes {dimension_semantics = [#tpu.dimension_semantics<arbitrary>, #tpu.dimension_semantics<arbitrary>], iteration_bounds = array<i64: 2, 5>, scalar_prefetch = 0 : i64, scratch_operands = 2 : i64, tpu.core_type = #tpu.core_type<tc>, window_params = [{transform_indices = @transform_0, window_bounds = array<i64: 2, 2000, 128>}, {transform_indices = @transform_1, window_bounds = array<i64: 2000, 128>}, {transform_indices = @transform_2, window_bounds = array<i64: 2000, 8>}, {transform_indices = @transform_3, window_bounds = array<i64: 2000, 8>}, {transform_indices = @transform_4, window_bounds = array<i64: 2000, 128>}, {pipeline_mode = #tpu.pipeline_mode<synchronous>, transform_indices = @transform_5, window_bounds = array<i64: 1, 128>}, {pipeline_mode = #tpu.pipeline_mode<synchronous>, transform_indices = @transform_6, window_bounds = array<i64: 1, 1>}, {pipeline_mode = #tpu.pipeline_mode<synchronous>, transform_indices = @transform_7, window_bounds = array<i64: 1, 128>}, {pipeline_mode = #tpu.pipeline_mode<synchronous>, transform_indices = @transform_8, window_bounds = array<i64: 1, 128>}, {pipeline_mode = #tpu.pipeline_mode<synchronous>, transform_indices = @transform_9, window_bounds = array<i64: 1, 128>}, {transform_indices = @transform_10, window_bounds = array<i64: 2000, 128>}]} {
    %eq3A = arith.constant 0 : i32
    %eq3A_0 = arith.cmpi eq, %arg0, %eq3A : i32
    %convert_element_type3A = arith.extui %eq3A_0 : i1 to i32
    %cond3A = arith.constant 0 : i32
    %cond3A_1 = arith.cmpi ne, %convert_element_type3A, %cond3A : i32
    scf.if %cond3A_1 {
      %get3A = arith.constant 0 : index
      %get3A_7 = arith.constant 0 : index
      %get3A_8 = arith.constant 0 : index
      %get3A_9 = vector.load %arg2[%get3A, %get3A_7, %get3A_8] : memref<2x2000x128xf32, #tpu.memory_space<vmem>>, vector<2x2000x128xf32>
      %slice3A = vector.extract_strided_slice %get3A_9 {offsets = [0, 0, 0], sizes = [1, 2000, 128], strides = [1, 1, 1]} : vector<2x2000x128xf32> to vector<1x2000x128xf32>
      %squeeze3A = vector.shape_cast %slice3A : vector<1x2000x128xf32> to vector<2000x128xf32>
      %slice3A_10 = vector.extract_strided_slice %get3A_9 {offsets = [1, 0, 0], sizes = [1, 2000, 128], strides = [1, 1, 1]} : vector<2x2000x128xf32> to vector<1x2000x128xf32>
      %squeeze3A_11 = vector.shape_cast %slice3A_10 : vector<1x2000x128xf32> to vector<2000x128xf32>
      %add3A = arith.addf %squeeze3A, %squeeze3A_11 : vector<2000x128xf32>
      %get3A_12 = arith.constant 0 : index
      %get3A_13 = arith.constant 0 : index
      %get3A_14 = vector.load %arg4[%get3A_12, %get3A_13] : memref<2000x8xf32, #tpu.memory_space<vmem>>, vector<2000x8xf32>
      %slice3A_15 = vector.extract_strided_slice %get3A_14 {offsets = [0, 0], sizes = [2000, 1], strides = [1, 1]} : vector<2000x8xf32> to vector<2000x1xf32>
      %get3A_16 = arith.constant 0 : index
      %get3A_17 = arith.constant 0 : index
      %get3A_18 = vector.load %arg5[%get3A_16, %get3A_17] : memref<2000x8xf32, #tpu.memory_space<vmem>>, vector<2000x8xf32>
      %slice3A_19 = vector.extract_strided_slice %get3A_18 {offsets = [0, 0], sizes = [2000, 1], strides = [1, 1]} : vector<2000x8xf32> to vector<2000x1xf32>
      %get3A_20 = arith.constant 0 : index
      %get3A_21 = arith.constant 0 : index
      %get3A_22 = vector.load %arg3[%get3A_20, %get3A_21] : memref<2000x128xf32, #tpu.memory_space<vmem>>, vector<2000x128xf32>
      %add3A_23 = arith.addf %add3A, %get3A_22 : vector<2000x128xf32>
      %mul3A = vector.broadcast %slice3A_15 : vector<2000x1xf32> to vector<2000x128xf32>
      %mul3A_24 = arith.mulf %mul3A, %add3A_23 : vector<2000x128xf32>
      %get3A_25 = arith.constant 0 : index
      %get3A_26 = arith.constant 0 : index
      %get3A_27 = vector.load %arg7[%get3A_25, %get3A_26] : memref<1x128xf32, #tpu.memory_space<vmem>>, vector<1x128xf32>
      %add3A_28 = vector.broadcast %get3A_27 : vector<1x128xf32> to vector<2000x128xf32>
      %add3A_29 = arith.addf %mul3A_24, %add3A_28 : vector<2000x128xf32>
      %mul3A_30 = arith.mulf %add3A_29, %add3A_29 : vector<2000x128xf32>
      %reduce_sum3A = arith.constant dense<0.000000e+00> : vector<2000xf32>
      %reduce_sum3A_31 = vector.multi_reduction <add>, %mul3A_30, %reduce_sum3A [1] : vector<2000x128xf32> to vector<2000xf32>
      %broadcast_in_dim3A = vector.shape_cast %reduce_sum3A_31 : vector<2000xf32> to vector<2000x1xf32>
      %sqrt3A = math.sqrt %broadcast_in_dim3A : vector<2000x1xf32>
      %max3A = arith.constant 9.99999996E-13 : f32
      %max3A_32 = vector.broadcast %max3A : f32 to vector<2000x1xf32>
      %max3A_33 = arith.maximumf %sqrt3A, %max3A_32 : vector<2000x1xf32>
      %div3A = vector.broadcast %max3A_33 : vector<2000x1xf32> to vector<2000x128xf32>
      %div3A_34 = arith.divf %add3A_29, %div3A : vector<2000x128xf32>
      %get3A_35 = arith.constant 0 : index
      %get3A_36 = arith.constant 0 : index
      %get3A_37 = vector.load %arg8[%get3A_35, %get3A_36] : memref<1x1xf32, #tpu.memory_space<vmem>>, vector<1x1xf32>
      %get3A_38 = vector.extract %get3A_37[0, 0] : f32 from vector<1x1xf32>
      %mul3A_39 = vector.broadcast %get3A_38 : f32 to vector<2000x1xf32>
      %mul3A_40 = arith.mulf %slice3A_19, %mul3A_39 : vector<2000x1xf32>
      %mul3A_41 = vector.broadcast %mul3A_40 : vector<2000x1xf32> to vector<2000x128xf32>
      %mul3A_42 = arith.mulf %div3A_34, %mul3A_41 : vector<2000x128xf32>
      %mul3A_43 = arith.constant 5.000000e-01 : f32
      %mul3A_44 = vector.broadcast %mul3A_43 : f32 to vector<2000x128xf32>
      %mul3A_45 = arith.mulf %mul3A_44, %mul3A_42 : vector<2000x128xf32>
      %mul3A_46 = arith.constant 0.707106769 : f32
      %mul3A_47 = vector.broadcast %mul3A_46 : f32 to vector<2000x128xf32>
      %mul3A_48 = arith.mulf %mul3A_42, %mul3A_47 : vector<2000x128xf32>
      %erf3A = math.erf %mul3A_48 : vector<2000x128xf32>
      %add3A_49 = arith.constant 1.000000e+00 : f32
      %add3A_50 = vector.broadcast %add3A_49 : f32 to vector<2000x128xf32>
      %add3A_51 = arith.addf %add3A_50, %erf3A : vector<2000x128xf32>
      %mul3A_52 = arith.mulf %mul3A_45, %add3A_51 : vector<2000x128xf32>
      %get3A_53 = arith.constant 0 : index
      %get3A_54 = arith.constant 0 : index
      %get3A_55 = vector.load %arg6[%get3A_53, %get3A_54] : memref<2000x128xf32, #tpu.memory_space<vmem>>, vector<2000x128xf32>
      %add3A_56 = arith.addf %mul3A_52, %get3A_55 : vector<2000x128xf32>
      %mul3A_57 = arith.constant 2000 : i32
      %mul3A_58 = arith.muli %arg1, %mul3A_57 : i32
      %swap3A = arith.index_cast %mul3A_58 : i32 to index
      %swap3A_59 = arith.constant 0 : index
      %swap3A_60 = vector.load %arg13[%swap3A, %swap3A_59] : memref<10000x128xf32, #tpu.memory_space<vmem>>, vector<2000x128xf32>
      tpu.vector_store %arg13[%swap3A, %swap3A_59], %add3A_56 {strides = array<i32>} : memref<10000x128xf32, #tpu.memory_space<vmem>>, vector<2000x128xf32>,
      %reduce_sum3A_61 = arith.constant dense<0.000000e+00> : vector<128xf32>
      %reduce_sum3A_62 = vector.multi_reduction <add>, %add3A_56, %reduce_sum3A_61 [0] : vector<2000x128xf32> to vector<128xf32>
      %broadcast_in_dim3A_63 = vector.shape_cast %reduce_sum3A_62 : vector<128xf32> to vector<1x128xf32>
      %mul3A_64 = arith.mulf %add3A_56, %add3A_56 : vector<2000x128xf32>
      %reduce_sum3A_65 = arith.constant dense<0.000000e+00> : vector<128xf32>
      %reduce_sum3A_66 = vector.multi_reduction <add>, %mul3A_64, %reduce_sum3A_65 [0] : vector<2000x128xf32> to vector<128xf32>
      %broadcast_in_dim3A_67 = vector.shape_cast %reduce_sum3A_66 : vector<128xf32> to vector<1x128xf32>
      %eq3A_68 = arith.constant 0 : i32
      %eq3A_69 = arith.cmpi eq, %arg1, %eq3A_68 : i32
      %convert_element_type3A_70 = arith.extui %eq3A_69 : i1 to i32
      %cond3A_71 = arith.constant 0 : i32
      %cond3A_72 = arith.cmpi ne, %convert_element_type3A_70, %cond3A_71 : i32
      scf.if %cond3A_72 {
        %swap3A_80 = arith.constant 0 : index
        %swap3A_81 = arith.constant 0 : index
        %swap3A_82 = vector.load %arg14[%swap3A_80, %swap3A_81] : memref<8x128xf32, #tpu.memory_space<vmem>>, vector<1x128xf32>
        tpu.vector_store %arg14[%swap3A_80, %swap3A_81], %broadcast_in_dim3A_63 {strides = array<i32>} : memref<8x128xf32, #tpu.memory_space<vmem>>, vector<1x128xf32>,
        %swap3A_83 = arith.constant 1 : index
        %swap3A_84 = arith.constant 0 : index
        %swap3A_85 = vector.load %arg14[%swap3A_83, %swap3A_84] : memref<8x128xf32, #tpu.memory_space<vmem>>, vector<1x128xf32>
        tpu.vector_store %arg14[%swap3A_83, %swap3A_84], %broadcast_in_dim3A_67 {strides = array<i32>} : memref<8x128xf32, #tpu.memory_space<vmem>>, vector<1x128xf32>,
      } else {
      }
      %gt3A = arith.constant 0 : i32
      %gt3A_73 = arith.cmpi sgt, %arg1, %gt3A : i32
      %convert_element_type3A_74 = arith.extui %gt3A_73 : i1 to i32
      %cond3A_75 = arith.constant 0 : i32
      %cond3A_76 = arith.cmpi ne, %convert_element_type3A_74, %cond3A_75 : i32
      scf.if %cond3A_76 {
        %get3A_80 = arith.constant 0 : index
        %get3A_81 = arith.constant 0 : index
        %get3A_82 = vector.load %arg14[%get3A_80, %get3A_81] : memref<8x128xf32, #tpu.memory_space<vmem>>, vector<1x128xf32>
        %add3A_83 = arith.addf %get3A_82, %broadcast_in_dim3A_63 : vector<1x128xf32>
        %swap3A_84 = arith.constant 0 : index
        %swap3A_85 = arith.constant 0 : index
        %swap3A_86 = vector.load %arg14[%swap3A_84, %swap3A_85] : memref<8x128xf32, #tpu.memory_space<vmem>>, vector<1x128xf32>
        tpu.vector_store %arg14[%swap3A_84, %swap3A_85], %add3A_83 {strides = array<i32>} : memref<8x128xf32, #tpu.memory_space<vmem>>, vector<1x128xf32>,
        %get3A_87 = arith.constant 1 : index
        %get3A_88 = arith.constant 0 : index
        %get3A_89 = vector.load %arg14[%get3A_87, %get3A_88] : memref<8x128xf32, #tpu.memory_space<vmem>>, vector<1x128xf32>
        %add3A_90 = arith.addf %get3A_89, %broadcast_in_dim3A_67 : vector<1x128xf32>
        %swap3A_91 = arith.constant 1 : index
        %swap3A_92 = arith.constant 0 : index
        %swap3A_93 = vector.load %arg14[%swap3A_91, %swap3A_92] : memref<8x128xf32, #tpu.memory_space<vmem>>, vector<1x128xf32>
        tpu.vector_store %arg14[%swap3A_91, %swap3A_92], %add3A_90 {strides = array<i32>} : memref<8x128xf32, #tpu.memory_space<vmem>>, vector<1x128xf32>,
      } else {
      }
      %swap3A_77 = arith.constant 0 : index
      %swap3A_78 = arith.constant 0 : index
      %swap3A_79 = vector.load %arg12[%swap3A_77, %swap3A_78] : memref<2000x128xf32, #tpu.memory_space<vmem>>, vector<2000x128xf32>
      tpu.vector_store %arg12[%swap3A_77, %swap3A_78], %add3A_56 {strides = array<i32>} : memref<2000x128xf32, #tpu.memory_space<vmem>>, vector<2000x128xf32>,
    } else {
    }
    %eq3A_2 = arith.constant 1 : i32
    %eq3A_3 = arith.cmpi eq, %arg0, %eq3A_2 : i32
    %convert_element_type3A_4 = arith.extui %eq3A_3 : i1 to i32
    %cond3A_5 = arith.constant 0 : i32
    %cond3A_6 = arith.cmpi ne, %convert_element_type3A_4, %cond3A_5 : i32
    scf.if %cond3A_6 {
      %get3A = arith.constant 0 : index
      %get3A_7 = arith.constant 0 : index
      %get3A_8 = vector.load %arg14[%get3A, %get3A_7] : memref<8x128xf32, #tpu.memory_space<vmem>>, vector<1x128xf32>
      %mul3A = arith.constant 9.99999974E-5 : f32
      %mul3A_9 = vector.broadcast %mul3A : f32 to vector<1x128xf32>
      %mul3A_10 = arith.mulf %get3A_8, %mul3A_9 : vector<1x128xf32>
      %get3A_11 = arith.constant 0 : index
      %get3A_12 = arith.constant 0 : index
      %get3A_13 = vector.load %arg11[%get3A_11, %get3A_12] : memref<1x128xf32, #tpu.memory_space<vmem>>, vector<1x128xf32>
      %mul3A_14 = arith.mulf %mul3A_10, %get3A_13 : vector<1x128xf32>
      %get3A_15 = arith.constant 1 : index
      %get3A_16 = arith.constant 0 : index
      %get3A_17 = vector.load %arg14[%get3A_15, %get3A_16] : memref<8x128xf32, #tpu.memory_space<vmem>>, vector<1x128xf32>
      %mul3A_18 = arith.constant 9.99999974E-5 : f32
      %mul3A_19 = vector.broadcast %mul3A_18 : f32 to vector<1x128xf32>
      %mul3A_20 = arith.mulf %get3A_17, %mul3A_19 : vector<1x128xf32>
      %mul3A_21 = arith.constant 2.000000e+00 : f32
      %mul3A_22 = vector.broadcast %mul3A_21 : f32 to vector<1x128xf32>
      %mul3A_23 = arith.mulf %mul3A_22, %mul3A_14 : vector<1x128xf32>
      %mul3A_24 = arith.mulf %mul3A_23, %mul3A_10 : vector<1x128xf32>
      %sub3A = arith.subf %mul3A_20, %mul3A_24 : vector<1x128xf32>
      %mul3A_25 = arith.mulf %mul3A_14, %mul3A_14 : vector<1x128xf32>
      %add3A = arith.addf %sub3A, %mul3A_25 : vector<1x128xf32>
      %add3A_26 = arith.constant 9.99999974E-6 : f32
      %add3A_27 = vector.broadcast %add3A_26 : f32 to vector<1x128xf32>
      %add3A_28 = arith.addf %add3A, %add3A_27 : vector<1x128xf32>
      %rsqrt3A = math.rsqrt %add3A_28 : vector<1x128xf32>
      %mul3A_29 = arith.constant 2000 : i32
      %mul3A_30 = arith.muli %arg1, %mul3A_29 : i32
      %get3A_31 = arith.index_cast %mul3A_30 : i32 to index
      %get3A_32 = arith.constant 0 : index
      %get3A_33 = vector.load %arg13[%get3A_31, %get3A_32] : memref<10000x128xf32, #tpu.memory_space<vmem>>, vector<2000x128xf32>
      %sub3A_34 = vector.broadcast %mul3A_14 : vector<1x128xf32> to vector<2000x128xf32>
      %sub3A_35 = arith.subf %get3A_33, %sub3A_34 : vector<2000x128xf32>
      %mul3A_36 = vector.broadcast %rsqrt3A : vector<1x128xf32> to vector<2000x128xf32>
      %mul3A_37 = arith.mulf %sub3A_35, %mul3A_36 : vector<2000x128xf32>
      %get3A_38 = arith.constant 0 : index
      %get3A_39 = arith.constant 0 : index
      %get3A_40 = vector.load %arg9[%get3A_38, %get3A_39] : memref<1x128xf32, #tpu.memory_space<vmem>>, vector<1x128xf32>
      %mul3A_41 = vector.broadcast %get3A_40 : vector<1x128xf32> to vector<2000x128xf32>
      %mul3A_42 = arith.mulf %mul3A_37, %mul3A_41 : vector<2000x128xf32>
      %get3A_43 = arith.constant 0 : index
      %get3A_44 = arith.constant 0 : index
      %get3A_45 = vector.load %arg10[%get3A_43, %get3A_44] : memref<1x128xf32, #tpu.memory_space<vmem>>, vector<1x128xf32>
      %add3A_46 = vector.broadcast %get3A_45 : vector<1x128xf32> to vector<2000x128xf32>
      %add3A_47 = arith.addf %mul3A_42, %add3A_46 : vector<2000x128xf32>
      %mul3A_48 = arith.constant 5.000000e-01 : f32
      %mul3A_49 = vector.broadcast %mul3A_48 : f32 to vector<2000x128xf32>
      %mul3A_50 = arith.mulf %mul3A_49, %add3A_47 : vector<2000x128xf32>
      %mul3A_51 = arith.constant 0.707106769 : f32
      %mul3A_52 = vector.broadcast %mul3A_51 : f32 to vector<2000x128xf32>
      %mul3A_53 = arith.mulf %add3A_47, %mul3A_52 : vector<2000x128xf32>
      %erf3A = math.erf %mul3A_53 : vector<2000x128xf32>
      %add3A_54 = arith.constant 1.000000e+00 : f32
      %add3A_55 = vector.broadcast %add3A_54 : f32 to vector<2000x128xf32>
      %add3A_56 = arith.addf %add3A_55, %erf3A : vector<2000x128xf32>
      %mul3A_57 = arith.mulf %mul3A_50, %add3A_56 : vector<2000x128xf32>
      %swap3A = arith.constant 0 : index
      %swap3A_58 = arith.constant 0 : index
      %swap3A_59 = vector.load %arg12[%swap3A, %swap3A_58] : memref<2000x128xf32, #tpu.memory_space<vmem>>, vector<2000x128xf32>
      tpu.vector_store %arg12[%swap3A, %swap3A_58], %mul3A_57 {strides = array<i32>} : memref<2000x128xf32, #tpu.memory_space<vmem>>, vector<2000x128xf32>,
    } else {
    }
    return
  }
  func.func @transform_0(%arg0: i32, %arg1: i32) -> (i32, i32, i32) {
    %sub3A = arith.constant 1 : i32
    %sub3A_0 = arith.subi %sub3A, %arg0 : i32
    %mul3A = arith.muli %arg1, %sub3A_0 : i32
    %c0_i32 = arith.constant 0 : i32
    %c0_i32_1 = arith.constant 0 : i32
    %c0_i32_2 = arith.constant 0 : i32
    return %c0_i32, %mul3A, %c0_i32_1 : i32, i32, i32
  }
  func.func @transform_1(%arg0: i32, %arg1: i32) -> (i32, i32) {
    %sub3A = arith.constant 1 : i32
    %sub3A_0 = arith.subi %sub3A, %arg0 : i32
    %mul3A = arith.muli %arg1, %sub3A_0 : i32
    %c0_i32 = arith.constant 0 : i32
    %c0_i32_1 = arith.constant 0 : i32
    return %mul3A, %c0_i32 : i32, i32
  }
  func.func @transform_2(%arg0: i32, %arg1: i32) -> (i32, i32) {
    %sub3A = arith.constant 1 : i32
    %sub3A_0 = arith.subi %sub3A, %arg0 : i32
    %mul3A = arith.muli %arg1, %sub3A_0 : i32
    %c0_i32 = arith.constant 0 : i32
    %c0_i32_1 = arith.constant 0 : i32
    return %mul3A, %c0_i32 : i32, i32
  }
  func.func @transform_3(%arg0: i32, %arg1: i32) -> (i32, i32) {
    %sub3A = arith.constant 1 : i32
    %sub3A_0 = arith.subi %sub3A, %arg0 : i32
    %mul3A = arith.muli %arg1, %sub3A_0 : i32
    %c0_i32 = arith.constant 0 : i32
    %c0_i32_1 = arith.constant 0 : i32
    return %mul3A, %c0_i32 : i32, i32
  }
  func.func @transform_4(%arg0: i32, %arg1: i32) -> (i32, i32) {
    %sub3A = arith.constant 1 : i32
    %sub3A_0 = arith.subi %sub3A, %arg0 : i32
    %mul3A = arith.muli %arg1, %sub3A_0 : i32
    %c0_i32 = arith.constant 0 : i32
    %c0_i32_1 = arith.constant 0 : i32
    return %mul3A, %c0_i32 : i32, i32
  }
  func.func @transform_5(%arg0: i32, %arg1: i32) -> (i32, i32) {
    %c0_i32 = arith.constant 0 : i32
    %c0_i32_0 = arith.constant 0 : i32
    %c0_i32_1 = arith.constant 0 : i32
    return %c0_i32, %c0_i32_0 : i32, i32
  }
  func.func @transform_6(%arg0: i32, %arg1: i32) -> (i32, i32) {
    %c0_i32 = arith.constant 0 : i32
    %c0_i32_0 = arith.constant 0 : i32
    %c0_i32_1 = arith.constant 0 : i32
    return %c0_i32, %c0_i32_0 : i32, i32
  }
  func.func @transform_7(%arg0: i32, %arg1: i32) -> (i32, i32) {
    %c0_i32 = arith.constant 0 : i32
    %c0_i32_0 = arith.constant 0 : i32
    %c0_i32_1 = arith.constant 0 : i32
    return %c0_i32, %c0_i32_0 : i32, i32
  }
  func.func @transform_8(%arg0: i32, %arg1: i32) -> (i32, i32) {
    %c0_i32 = arith.constant 0 : i32
    %c0_i32_0 = arith.constant 0 : i32
    %c0_i32_1 = arith.constant 0 : i32
    return %c0_i32, %c0_i32_0 : i32, i32
  }
  func.func @transform_9(%arg0: i32, %arg1: i32) -> (i32, i32) {
    %c0_i32 = arith.constant 0 : i32
    %c0_i32_0 = arith.constant 0 : i32
    %c0_i32_1 = arith.constant 0 : i32
    return %c0_i32, %c0_i32_0 : i32, i32
  }
  func.func @transform_10(%arg0: i32, %arg1: i32) -> (i32, i32) {
    %c0_i32 = arith.constant 0 : i32
    %c0_i32_0 = arith.constant 0 : i32
    return %arg1, %c0_i32 : i32, i32
  }
}

module attributes {stable_mosaic.version = 14 : i64} {
  func.func @body(%arg0: i32, %arg1: memref<2x2000x128xf32, #tpu.memory_space<vmem>>, %arg2: memref<2000x128xf32, #tpu.memory_space<vmem>>, %arg3: memref<2000x8xf32, #tpu.memory_space<vmem>>, %arg4: memref<2000x8xf32, #tpu.memory_space<vmem>>, %arg5: memref<128x128xf32, #tpu.memory_space<vmem>>, %arg6: memref<1x128xf32, #tpu.memory_space<vmem>>, %arg7: memref<1x1xf32, #tpu.memory_space<vmem>>, %arg8: memref<2000x128xf32, #tpu.memory_space<vmem>>, %arg9: memref<2000x128xf32, #tpu.memory_space<vmem>>, %arg10: memref<2000x8xf32, #tpu.memory_space<vmem>>) attributes {dimension_semantics = [#tpu.dimension_semantics<arbitrary>], iteration_bounds = array<i64: 5>, scalar_prefetch = 0 : i64, scratch_operands = 0 : i64, tpu.core_type = #tpu.core_type<tc>, window_params = [{transform_indices = @transform_0, window_bounds = array<i64: 2, 2000, 128>}, {transform_indices = @transform_1, window_bounds = array<i64: 2000, 128>}, {transform_indices = @transform_2, window_bounds = array<i64: 2000, 8>}, {transform_indices = @transform_3, window_bounds = array<i64: 2000, 8>}, {pipeline_mode = #tpu.pipeline_mode<synchronous>, transform_indices = @transform_4, window_bounds = array<i64: 128, 128>}, {pipeline_mode = #tpu.pipeline_mode<synchronous>, transform_indices = @transform_5, window_bounds = array<i64: 1, 128>}, {pipeline_mode = #tpu.pipeline_mode<synchronous>, transform_indices = @transform_6, window_bounds = array<i64: 1, 1>}, {transform_indices = @transform_7, window_bounds = array<i64: 2000, 128>}, {transform_indices = @transform_8, window_bounds = array<i64: 2000, 128>}, {transform_indices = @transform_9, window_bounds = array<i64: 2000, 8>}]} {
    %get3A = arith.constant 0 : index
    %get3A_0 = arith.constant 0 : index
    %get3A_1 = arith.constant 0 : index
    %get3A_2 = vector.load %arg1[%get3A, %get3A_0, %get3A_1] : memref<2x2000x128xf32, #tpu.memory_space<vmem>>, vector<2x2000x128xf32>
    %slice3A = vector.extract_strided_slice %get3A_2 {offsets = [0, 0, 0], sizes = [1, 2000, 128], strides = [1, 1, 1]} : vector<2x2000x128xf32> to vector<1x2000x128xf32>
    %squeeze3A = vector.shape_cast %slice3A : vector<1x2000x128xf32> to vector<2000x128xf32>
    %slice3A_3 = vector.extract_strided_slice %get3A_2 {offsets = [1, 0, 0], sizes = [1, 2000, 128], strides = [1, 1, 1]} : vector<2x2000x128xf32> to vector<1x2000x128xf32>
    %squeeze3A_4 = vector.shape_cast %slice3A_3 : vector<1x2000x128xf32> to vector<2000x128xf32>
    %add3A = arith.addf %squeeze3A, %squeeze3A_4 : vector<2000x128xf32>
    %get3A_5 = arith.constant 0 : index
    %get3A_6 = arith.constant 0 : index
    %get3A_7 = vector.load %arg2[%get3A_5, %get3A_6] : memref<2000x128xf32, #tpu.memory_space<vmem>>, vector<2000x128xf32>
    %get3A_8 = arith.constant 0 : index
    %get3A_9 = arith.constant 0 : index
    %get3A_10 = vector.load %arg3[%get3A_8, %get3A_9] : memref<2000x8xf32, #tpu.memory_space<vmem>>, vector<2000x8xf32>
    %slice3A_11 = vector.extract_strided_slice %get3A_10 {offsets = [0, 0], sizes = [2000, 1], strides = [1, 1]} : vector<2000x8xf32> to vector<2000x1xf32>
    %get3A_12 = arith.constant 0 : index
    %get3A_13 = arith.constant 0 : index
    %get3A_14 = vector.load %arg4[%get3A_12, %get3A_13] : memref<2000x8xf32, #tpu.memory_space<vmem>>, vector<2000x8xf32>
    %slice3A_15 = vector.extract_strided_slice %get3A_14 {offsets = [0, 0], sizes = [2000, 1], strides = [1, 1]} : vector<2000x8xf32> to vector<2000x1xf32>
    %add3A_16 = arith.addf %add3A, %get3A_7 : vector<2000x128xf32>
    %mul3A = vector.broadcast %slice3A_11 : vector<2000x1xf32> to vector<2000x128xf32>
    %mul3A_17 = arith.mulf %mul3A, %add3A_16 : vector<2000x128xf32>
    %get3A_18 = arith.constant 0 : index
    %get3A_19 = arith.constant 0 : index
    %get3A_20 = vector.load %arg6[%get3A_18, %get3A_19] : memref<1x128xf32, #tpu.memory_space<vmem>>, vector<1x128xf32>
    %add3A_21 = vector.broadcast %get3A_20 : vector<1x128xf32> to vector<2000x128xf32>
    %add3A_22 = arith.addf %mul3A_17, %add3A_21 : vector<2000x128xf32>
    %mul3A_23 = arith.mulf %add3A_22, %add3A_22 : vector<2000x128xf32>
    %reduce_sum3A = arith.constant dense<0.000000e+00> : vector<2000xf32>
    %reduce_sum3A_24 = vector.multi_reduction <add>, %mul3A_23, %reduce_sum3A [1] : vector<2000x128xf32> to vector<2000xf32>
    %broadcast_in_dim3A = vector.shape_cast %reduce_sum3A_24 : vector<2000xf32> to vector<2000x1xf32>
    %sqrt3A = math.sqrt %broadcast_in_dim3A : vector<2000x1xf32>
    %max3A = arith.constant 9.99999996E-13 : f32
    %max3A_25 = vector.broadcast %max3A : f32 to vector<2000x1xf32>
    %max3A_26 = arith.maximumf %sqrt3A, %max3A_25 : vector<2000x1xf32>
    %div3A = vector.broadcast %max3A_26 : vector<2000x1xf32> to vector<2000x128xf32>
    %div3A_27 = arith.divf %add3A_22, %div3A : vector<2000x128xf32>
    %get3A_28 = arith.constant 0 : index
    %get3A_29 = arith.constant 0 : index
    %get3A_30 = vector.load %arg7[%get3A_28, %get3A_29] : memref<1x1xf32, #tpu.memory_space<vmem>>, vector<1x1xf32>
    %get3A_31 = vector.extract %get3A_30[0, 0] : f32 from vector<1x1xf32>
    %mul3A_32 = vector.broadcast %get3A_31 : f32 to vector<2000x1xf32>
    %mul3A_33 = arith.mulf %slice3A_15, %mul3A_32 : vector<2000x1xf32>
    %mul3A_34 = vector.broadcast %mul3A_33 : vector<2000x1xf32> to vector<2000x128xf32>
    %mul3A_35 = arith.mulf %div3A_27, %mul3A_34 : vector<2000x128xf32>
    %mul3A_36 = arith.constant 5.000000e-01 : f32
    %mul3A_37 = vector.broadcast %mul3A_36 : f32 to vector<2000x128xf32>
    %mul3A_38 = arith.mulf %mul3A_37, %mul3A_35 : vector<2000x128xf32>
    %mul3A_39 = arith.constant 0.707106769 : f32
    %mul3A_40 = vector.broadcast %mul3A_39 : f32 to vector<2000x128xf32>
    %mul3A_41 = arith.mulf %mul3A_35, %mul3A_40 : vector<2000x128xf32>
    %erf3A = math.erf %mul3A_41 : vector<2000x128xf32>
    %add3A_42 = arith.constant 1.000000e+00 : f32
    %add3A_43 = vector.broadcast %add3A_42 : f32 to vector<2000x128xf32>
    %add3A_44 = arith.addf %add3A_43, %erf3A : vector<2000x128xf32>
    %mul3A_45 = arith.mulf %mul3A_38, %add3A_44 : vector<2000x128xf32>
    %get3A_46 = arith.constant 0 : index
    %get3A_47 = arith.constant 0 : index
    %get3A_48 = vector.load %arg5[%get3A_46, %get3A_47] : memref<128x128xf32, #tpu.memory_space<vmem>>, vector<128x128xf32>
    %dot_general3A = arith.constant dense<0.000000e+00> : vector<2000x128xf32>
    %dot_general3A_49 = tpu.matmul %mul3A_45, %get3A_48, %dot_general3A {dimension_numbers = #tpu.dot_dimension_numbers<[1], [1], [0], [0], [0, 0, 1, 0], [], []>, transpose_lhs_hint = false} : vector<2000x128xf32>, vector<128x128xf32>, vector<2000x128xf32> -> vector<2000x128xf32>
    %swap3A = arith.constant 0 : index
    %swap3A_50 = arith.constant 0 : index
    %swap3A_51 = vector.load %arg8[%swap3A, %swap3A_50] : memref<2000x128xf32, #tpu.memory_space<vmem>>, vector<2000x128xf32>
    tpu.vector_store %arg8[%swap3A, %swap3A_50], %mul3A_45 {strides = array<i32>} : memref<2000x128xf32, #tpu.memory_space<vmem>>, vector<2000x128xf32>,
    %mul3A_52 = vector.broadcast %slice3A_11 : vector<2000x1xf32> to vector<2000x128xf32>
    %mul3A_53 = arith.mulf %dot_general3A_49, %mul3A_52 : vector<2000x128xf32>
    %swap3A_54 = arith.constant 0 : index
    %swap3A_55 = arith.constant 0 : index
    %swap3A_56 = vector.load %arg9[%swap3A_54, %swap3A_55] : memref<2000x128xf32, #tpu.memory_space<vmem>>, vector<2000x128xf32>
    tpu.vector_store %arg9[%swap3A_54, %swap3A_55], %mul3A_53 {strides = array<i32>} : memref<2000x128xf32, #tpu.memory_space<vmem>>, vector<2000x128xf32>,
    %mul3A_57 = arith.mulf %mul3A_45, %mul3A_45 : vector<2000x128xf32>
    %reduce_sum3A_58 = arith.constant dense<0.000000e+00> : vector<2000xf32>
    %reduce_sum3A_59 = vector.multi_reduction <add>, %mul3A_57, %reduce_sum3A_58 [1] : vector<2000x128xf32> to vector<2000xf32>
    %broadcast_in_dim3A_60 = vector.shape_cast %reduce_sum3A_59 : vector<2000xf32> to vector<2000x1xf32>
    %sqrt3A_61 = math.sqrt %broadcast_in_dim3A_60 : vector<2000x1xf32>
    %broadcast_in_dim3A_62 = vector.shape_cast %sqrt3A_61 : vector<2000x1xf32> to vector<2000x1xf32>
    %broadcast_in_dim3A_63 = vector.broadcast %broadcast_in_dim3A_62 : vector<2000x1xf32> to vector<2000x8xf32>
    %swap3A_64 = arith.constant 0 : index
    %swap3A_65 = arith.constant 0 : index
    %swap3A_66 = vector.load %arg10[%swap3A_64, %swap3A_65] : memref<2000x8xf32, #tpu.memory_space<vmem>>, vector<2000x8xf32>
    tpu.vector_store %arg10[%swap3A_64, %swap3A_65], %broadcast_in_dim3A_63 {strides = array<i32>} : memref<2000x8xf32, #tpu.memory_space<vmem>>, vector<2000x8xf32>,
    return
  }
  func.func @transform_0(%arg0: i32) -> (i32, i32, i32) {
    %c0_i32 = arith.constant 0 : i32
    %c0_i32_0 = arith.constant 0 : i32
    %c0_i32_1 = arith.constant 0 : i32
    return %c0_i32, %arg0, %c0_i32_0 : i32, i32, i32
  }
  func.func @transform_1(%arg0: i32) -> (i32, i32) {
    %c0_i32 = arith.constant 0 : i32
    %c0_i32_0 = arith.constant 0 : i32
    return %arg0, %c0_i32 : i32, i32
  }
  func.func @transform_2(%arg0: i32) -> (i32, i32) {
    %c0_i32 = arith.constant 0 : i32
    %c0_i32_0 = arith.constant 0 : i32
    return %arg0, %c0_i32 : i32, i32
  }
  func.func @transform_3(%arg0: i32) -> (i32, i32) {
    %c0_i32 = arith.constant 0 : i32
    %c0_i32_0 = arith.constant 0 : i32
    return %arg0, %c0_i32 : i32, i32
  }
  func.func @transform_4(%arg0: i32) -> (i32, i32) {
    %c0_i32 = arith.constant 0 : i32
    %c0_i32_0 = arith.constant 0 : i32
    %c0_i32_1 = arith.constant 0 : i32
    return %c0_i32, %c0_i32_0 : i32, i32
  }
  func.func @transform_5(%arg0: i32) -> (i32, i32) {
    %c0_i32 = arith.constant 0 : i32
    %c0_i32_0 = arith.constant 0 : i32
    %c0_i32_1 = arith.constant 0 : i32
    return %c0_i32, %c0_i32_0 : i32, i32
  }
  func.func @transform_6(%arg0: i32) -> (i32, i32) {
    %c0_i32 = arith.constant 0 : i32
    %c0_i32_0 = arith.constant 0 : i32
    %c0_i32_1 = arith.constant 0 : i32
    return %c0_i32, %c0_i32_0 : i32, i32
  }
  func.func @transform_7(%arg0: i32) -> (i32, i32) {
    %c0_i32 = arith.constant 0 : i32
    %c0_i32_0 = arith.constant 0 : i32
    return %arg0, %c0_i32 : i32, i32
  }
  func.func @transform_8(%arg0: i32) -> (i32, i32) {
    %c0_i32 = arith.constant 0 : i32
    %c0_i32_0 = arith.constant 0 : i32
    return %arg0, %c0_i32 : i32, i32
  }
  func.func @transform_9(%arg0: i32) -> (i32, i32) {
    %c0_i32 = arith.constant 0 : i32
    %c0_i32_0 = arith.constant 0 : i32
    return %arg0, %c0_i32 : i32, i32
  }
}

</mosaic_0001>

<sc_bundles>
// kernel: kernel.11.cloned.1.call-start
scs
__scs_entry_jumppad:
0x0: {  	(pc) =	sbr.rel $0x88, $3  }
0x1: {  	(tag) =	ssettag $0x0;
	lr =	simm.s32 $0x1  }
0x2: {  	[smem:$0x3F96] =	sst lr;
	_ =	strace $0xD0000000  }
0x3: {  	_ = 	snop  }
0x4: {  	_ = 	snop  }
0x5: {  	_ = 	snop  }
0x6: {  	_ = 	snop  }
0x7: {  	_ = 	snop  }
__scs_overlays_trampoline_lowered:
0x8: {  	[smem:$0x3FA5] =	sst s0  }
0x9: {  	[smem:$0x3FA6] =	sst s1  }
0xa: {  	[smem:$0x3FA7] =	sst s2  }
0xb: {  	[smem:$0x3FA8] =	sst s3  }
0xc: {  	[smem:$0x3FA9] =	sst s4  }
0xd: {  	[smem:$0x3FAA] =	sst s5  }
0xe: {  	[smem:$0x3FAB] =	sst s6  }
0xf: {  	[smem:$0x3FAC] =	sst s7  }
0x10: {  	[smem:$0x3FAD] =	sst s8  }
0x11: {  	[smem:$0x3FAE] =	sst s9;
	s0 =	simm.s32 @!p0 $0x0  }
0x12: {  	s1 =	sld [smem:$0x3F94];
	s0 =	simm.s32 @p0 $0x1  }
0x13: {  	[smem:$0x3FAF] =	sst s0;
	s0 =	simm.s32 @!p1 $0x0  }
0x14: {  	s2 =	sld [smem:$0x3F93];
	s0 =	simm.s32 @p1 $0x1  }
0x15: {  	[smem:$0x3FB0] =	sst s0;
	s0 =	simm.s32 @!p2 $0x0  }
0x16: {  	s3 =	sld [smem:$0x3FDB];
	s0 =	simm.s32 @p2 $0x1  }
0x17: {  	s4 =	simm.s32 $0x1BF5;
	[smem:$0x3FB2] =	sst s0  }
0x18: {  	s0 =	sld [smem:$0x3F95];
	_ =	swait.ge [sflag:s4], $0x0  }
0x19: {  	s7 =	sld [smem:$0x3F96]  }
0x1a: {  	s8 =	sadd.s32 $0xFFFFE003, lr  }
0x1b: {  	s9 =	sadd.s32 $0xFFFFFEF7, lr;
	s5 =	simm.s32 $0xFFFFFFFF;
	p2 =	slt.u32 s8, $0xFFFFF086  }
0x1c: {  	p1 =	slt.u32 s9, $0xF7A;
	s5 =	simm.s32 @!p2 $0x0  }
0x1d: {  	s5 =	simm.s32 @p1 $0x1;
	p0 =	seq.s32 s7, s2  }
0x1e: {  	s7 =	smul.u32 @!p0 $0xF7A, s2;
	p2 =	seq.s32 @!p0 s5, $0x0  }
0x1f: {  	s9 =	smul.u32 $0xF7A, s1;
	s8 =	simm.s32 @!p0 $0x1BF5;
	p2 =	por !p2, p0  }
0x20: {  	[sflag:s8] =	ssyncset.s32 @!p0 $0xFFFFF086;
	s6 =	sadd.s32 @!p0 s3, s7;
	s7 =	simm.s32 @!p0 $0x108  }
0x21: {  	s3 =	sadd.s32 s3, s9;
	s6 =	sadd.s32 @!p0 $0x88, s6;
	s7 =	simm.s32 @p2 $0x1082  }
0x22: {  	[simem:s7], [sflag:s8] =	dma.local @!p0 [hbm:s6], $0xF7A  }
0x23: {  	s9 =	sor.u32 $0xD0000000, s2;
	s6 =	simm.s32 $0x108;
	_ =	swait.ge @!p0 [sflag:s8], $0x0  }
0x24: {  	s3 =	sadd.s32 $0x88, s3;
	s6 =	simm.s32 @!p1 $0x1082;
	[sflag:s4] =	ssyncset.s32 $0xFFFFF086  }
0x25: {  	[simem:s6], [sflag:s4] =	dma.local [hbm:s3], $0xF7A  }
0x26: {  	[smem:$0x3F96] =	sst s1;
	(tag) =	ssettag s2;
	_ =	strace s9  }
0x27: {  	s1 =	sld [smem:$0x3FA6]  }
0x28: {  	s2 =	sld [smem:$0x3FA7]  }
0x29: {  	s4 =	sld [smem:$0x3FA9]  }
0x2a: {  	p0 =	seq.s32 s5, $0x0;
	s5 =	sld [smem:$0x3FAA]  }
0x2b: {  	s6 =	sld [smem:$0x3FAB]  }
0x2c: {  	s7 =	sld [smem:$0x3FAC]  }
0x2d: {  	s3 =	simm.s32 $0x108;
	s8 =	sld [smem:$0x3FAD]  }
0x2e: {  	s3 =	simm.s32 @!p0 $0x1082;
	s9 =	sld [smem:$0x3FAE]  }
0x2f: {  	lr =	sadd.s32 s0, s3;
	s0 =	sld [smem:$0x3FA5]  }
0x30: {  	s3 =	sld [smem:$0x3FA8]  }
0x31: {  	[smem:$0x3FB1] =	sst s10  }
0x32: {  	s10 =	sld [smem:$0x3FAF];
	_ =	sdelay $0x3  }
0x33: {  	p0 =	seq.s32 s10, $0x1;
	s10 =	sld [smem:$0x3FB1];
	_ =	sdelay $0x3  }
0x34: {  	[smem:$0x3FB1] =	sst s10  }
0x35: {  	s10 =	sld [smem:$0x3FB0];
	_ =	sdelay $0x3  }
0x36: {  	p1 =	seq.s32 s10, $0x1;
	s10 =	sld [smem:$0x3FB1];
	_ =	sdelay $0x3  }
0x37: {  	[smem:$0x3FB1] =	sst s10  }
0x38: {  	s10 =	sld [smem:$0x3FB2]  }
0x39: {  	_ = 	snop;
	(pc) =	sbr.ind lr, $3  }
0x3a: {  	_ = 	snop  }
0x3b: {  	_ = 	snop  }
0x3c: {  	p2 =	seq.s32 s10, $0x1;
	s10 =	sld [smem:$0x3FB1]  }
0x3d: {  	_ =	shalt  }
0x3e: {  	_ =	shalt  }
0x3f: {  	_ =	shalt  }
0x40: {  	_ =	shalt  }
0x41: {  	_ =	shalt  }
0x42: {  	_ =	shalt  }
0x43: {  	_ =	shalt  }
0x44: {  	_ =	shalt  }
0x45: {  	_ =	shalt  }
0x46: {  	_ =	shalt  }
0x47: {  	_ =	shalt  }
0x48: {  	_ =	shalt  }
0x49: {  	_ =	shalt  }
0x4a: {  	_ =	shalt  }
0x4b: {  	_ =	shalt  }
0x4c: {  	_ =	shalt  }
0x4d: {  	_ =	shalt  }
0x4e: {  	_ =	shalt  }
0x4f: {  	_ =	shalt  }
0x50: {  	_ =	shalt  }
0x51: {  	_ =	shalt  }
0x52: {  	_ =	shalt  }
0x53: {  	_ =	shalt  }
0x54: {  	_ =	shalt  }
0x55: {  	_ =	shalt  }
0x56: {  	_ =	shalt  }
0x57: {  	_ =	shalt  }
0x58: {  	_ =	shalt  }
0x59: {  	_ =	shalt  }
0x5a: {  	_ =	shalt  }
0x5b: {  	_ =	shalt  }
0x5c: {  	_ =	shalt  }
0x5d: {  	_ =	shalt  }
0x5e: {  	_ =	shalt  }
0x5f: {  	_ =	shalt  }
0x60: {  	_ =	shalt  }
0x61: {  	_ =	shalt  }
0x62: {  	_ =	shalt  }
0x63: {  	_ =	shalt  }
0x64: {  	_ =	shalt  }
0x65: {  	_ =	shalt  }
0x66: {  	_ =	shalt  }
0x67: {  	_ =	shalt  }
0x68: {  	_ =	shalt  }
0x69: {  	_ =	shalt  }
0x6a: {  	_ =	shalt  }
0x6b: {  	_ =	shalt  }
0x6c: {  	_ =	shalt  }
0x6d: {  	_ =	shalt  }
0x6e: {  	_ =	shalt  }
0x6f: {  	_ =	shalt  }
0x70: {  	_ =	shalt  }
0x71: {  	_ =	shalt  }
0x72: {  	_ =	shalt  }
0x73: {  	_ =	shalt  }
0x74: {  	_ =	shalt  }
0x75: {  	_ =	shalt  }
0x76: {  	_ =	shalt  }
0x77: {  	_ =	shalt  }
0x78: {  	_ =	shalt  }
0x79: {  	_ =	shalt  }
0x7a: {  	_ =	shalt  }
0x7b: {  	_ =	shalt  }
0x7c: {  	_ =	shalt  }
0x7d: {  	_ =	shalt  }
0x7e: {  	_ =	shalt  }
0x7f: {  	_ =	shalt  }
0x80: {  	_ =	shalt  }
0x81: {  	_ =	shalt  }
0x82: {  	_ =	shalt  }
0x83: {  	_ =	shalt  }
0x84: {  	_ =	shalt  }
0x85: {  	_ =	shalt  }
0x86: {  	_ =	shalt  }
0x87: {  	_ =	shalt  }
.Lfunc_end0:
.L_simem_size_0:
called_computation.1_lowered:
.L_overlay_start_0:
0x88: {  	s2 =	sld [smem:$0x3FD9]  }
0x89: {  	s3 =	sld [smem:$0x3FFE];
	_ =	sdelay $0x1  }
0x8a: {  	s1 =	srdreg.scid  }
0x8b: {  	s0 =	sand.u32 $0x1, s1  }
0x8c: {  	s17 =	sshll.u32 s0, $0xA;
	s2 =	sadd.s32 s3, s2  }
0x8d: {  	s2 =	sadd.s32 s2, s17  }
0x8e: {  	[smem:$0x3FBD] =	sst s2  }
0x8f: {  	_ = 	snop  }
0x90: {  	s2 =	sld [smem:$0x3FD0];
	(tm) =	ssettm $0x1  }
0x91: {  	s18 =	sld [smem:$0x3FFB];
	_ =	sdelay $0x3  }
0x92: {  	_ =	strace s18  }
0x93: {  	s3 =	sld [smem:$0x3FFC];
	_ =	sdelay $0x3  }
0x94: {  	_ =	strace s3  }
0x95: {  	s3 =	sld [smem:$0x3FFD];
	_ =	sdelay $0x3  }
0x96: {  	_ =	strace s3  }
0x97: {  	_ =	strace $0x8FFFFFFF  }
0x98: {  	s19 =	sld [smem:$0x3FDB];
	_ =	sdelay $0x1  }
0x99: {  	s4 =	simm.s32 $_scs_section_size  }
0x9a: {  	s5 =	simm.s32 $_size__tile_overlayer_lowered;
	s6 =	simm.s32 $_tile_overlayer_lowered  }
0x9b: {  	s22 =	simm.s32 $0x1BFF;
	s21 =	sshll.u32 s6, $0x1;
	s3 =	sadd.s32 s4, s19  }
0x9c: {  	s7 =	simm.s32 $0x0;
	s20 =	sshll.u32 s5, $0x1;
	s5 =	sadd.s32 s21, s3  }
0x9d: {  	[timem:s7], [sflag:s22] =	dma.local [hbm:s5], s20  }
0x9e: {  	_ =	swait.ge [sflag:s22], s20  }
0x9f: {  	s4 =	ssub.s32 $0x0, s20;
	[sflag:s22] =	ssyncset.done $0x0  }
0xa0: {  	[sflag:s22] =	ssyncadd.s32 s4;
	_ =	sdelay $0x1  }
0xa1: {  	s23 =	simm.s32 $0x1B8B  }
0xa2: {  	_ =	swait.ge [sflag:s23], $0x1  }
0xa3: {  	[sflag:s23] =	ssyncset.done $0x0  }
0xa4: {  	s25 =	simm.s32 $0x1B8E;
	s24 =	sld [smem:$0x3FFE];
	[sflag:s23] =	ssyncadd.s32 $0xFFFFFFFF  }
0xa5: {  	s26 =	simm.s32 $execute0_lowered;
	[smem:$0x3FD2] =	sst s25  }
0xa6: {  	s5 =	sshll.u32 s26, $0x1;
	_ =	strace $0x80000049;
	[dreg:$0x1] =	wrdreg $0xFFFFFFFF  }
0xa7: {  	s28 =	simm.s32 $_size_execute0_lowered;
	s3 =	sadd.s32 s3, s5;
	[dreg:$0x0] =	wrdreg $0x0  }
0xa8: {  	s5 =	sshll.u32 s28, $0x1;
	[dreg:$0x2] =	wrdreg s3  }
0xa9: {  	[dreg:$0x3] =	wrdreg s5  }
0xaa: {  	[dreg:$0x4] =	wrdreg $0xC0  }
0xab: {  	_ =	task [dreg:s7], $0x5FFFF  }
0xac: {  	[dreg:$0x1] =	wrdreg $0xFFFFFFFF  }
0xad: {  	[dreg:$0x0] =	wrdreg $0x60  }
0xae: {  	[dreg:$0x2] =	wrdreg s2  }
0xaf: {  	[dreg:$0x3] =	wrdreg s24  }
0xb0: {  	[dreg:$0x4] =	wrdreg $0xA8000  }
0xb1: {  	[dreg:$0x5] =	wrdreg $0x9  }
0xb2: {  	_ =	task.clear_ibuf [dreg:s7], $0x6FFFF;
	_ =	strace $0x90000049  }
0xb3: {  	s29 =	simm.s32 $0x9;
	_ =	strace $0x8000004B  }
0xb4: {  	_ =	swait.ge [sflag:s29], $0x1  }
0xb5: {  	[sflag:s29] =	ssyncadd.s32 $0xFFFFFFFF  }
0xb6: {  	_ =	strace $0x9000004B  }
0xb7: {  	_ =	sfence  }
0xb8: {  	s30 =	sld [smem:$0x0];
	_ =	sdelay $0x2  }
0xb9: {  	s31 =	sshll.u32 s1, $0xD;
	s1 =	sshrl.u32 s1, $0x2  }
0xba: {  	s3 =	sand.u32 $0x4000, s31;
	s1 =	sadd.s32 s1, s30  }
0xbb: {  	s0 =	sor.u32 s3, s0;
	s1 =	sshll.u32 s1, $0x11  }
0xbc: {  	s0 =	sor.u32 s1, s0  }
0xbd: {  	s0 =	sadd.s32 $0x8F2B, s0  }
0xbe: {  	[sflag:s0] =	ssyncadd.remote.s32 $0x1  }
0xbf: {  	_ =	sfence.sel $0xFFFF  }
0xc0: {  	[dreg:$0x0] =	wrdreg $0xFFFFFFFF;
	(pc) =	sbr.abs _section_cstart, $3  }
0xc1: {  	[dreg:$0x1] =	wrdreg $0xFFFFFFFF  }
0xc2: {  	_ =	task.clear_ibuf [dreg:s7], $0x2FFFF;
	_ =	strace $0x9FFFFFFF  }
0xc3: {  	(tm) =	ssettm $0x7FFFFFFF  }
tec
execute0_lowered:
.L_overlay_start_1:
0x0: {  	(tag) =	ssettag $0x1  }
0x1: {  	s1 =	rddreg [dreg:$0x0]  }
0x2: {  	s5 =	rddreg [dreg:$0x1]  }
0x3: {  	s2 =	rddreg [dreg:$0x2];
	s4 =	simm.s32 $0x0;
	s6 =	srdreg.scid  }
0x4: {  	s3 =	stileid.u32;
	s24 =	simm.s32 $0x6800;
	s28 =	simm.s32 $0x2700  }
0x5: {  	s29 =	simm.s32 $0x2780;
	[smem:$0x7FF] =	sst s4;
	s7 =	smul.u32 $0x50000, s3  }
0x6: {  	s10 =	sand.u32 $0x1, s6;
	s12 =	sadd.s32 $0xE000, s5;
	s13 =	smul.u32 $0x14000, s3  }
0x7: {  	s14 =	sadd.s32 $0x4000, s5;
	s18 =	sadd.s32 $0x66400, s5;
	_ =	strace $0x8000004A  }
0x8: {  	s6 =	ssub.s32 $0x2, s10;
	s25 =	sshll.u32 s10, $0x4;
	s22 =	smul.u32 $0x140000, s10  }
0x9: {  	s8 =	sshrl.u32 s6, $0x1;
	s26 =	sshrl.u32 s7, $0x2;
	s15 =	sadd.s32 $0x4000, s13  }
0xa: {  	s30 =	sor.u32 s3, s25;
	s16 =	sadd.s32 $0x8000, s13;
	s17 =	sadd.s32 $0xC000, s13  }
0xb: {  	s20 =	sadd.s32 $0x10000, s13;
	s25 =	simm.s32 $0x1;
	s19 =	ssub.s32 s6, s8  }
0xc: {  	s5 =	sadd.s32 s26, s2;
	s6 =	sadd.s32 s15, s2;
	s11 =	smul.u32 $0x2800, s30  }
0xd: {  	s7 =	sadd.s32 s16, s2;
	s8 =	sadd.s32 s17, s2;
	s9 =	sadd.s32 s20, s2  }
0xe: {  	s23 =	sadd.s32 s13, s22;
	s15 =	sadd.s32 s22, s15;
	s16 =	sadd.s32 s22, s16  }
0xf: {  	s17 =	sadd.s32 s22, s17;
	s20 =	sadd.s32 s22, s20;
	s22 =	simm.s32 $0x1400  }
0x10: {  	s26 =	simm.s32 $0x2;
	s31 =	sshrl.u32 s23, $0x3;
	s15 =	sshrl.u32 s15, $0x3  }
0x11: {  	s16 =	sshrl.u32 s16, $0x3;
	s17 =	sshrl.u32 s17, $0x3;
	s20 =	sshrl.u32 s20, $0x3  }
0x12: {  	s19 =	smax.u32 s19, $0x1;
	s23 =	simm.s32 $0x80;
	s21 =	sshrl.u32 s11, $0x3  }
0x13: {  	s15 =	sadd.s32 s18, s15;
	s16 =	sadd.s32 s18, s16;
	s17 =	sadd.s32 s18, s17  }
0x14: {  	s10 =	sadd.s32 s12, s21;
	s11 =	sadd.s32 s14, s21;
	s21 =	sadd.s32 $0x280, s21  }
0x15: {  	s12 =	sadd.s32 s12, s21;
	s13 =	sadd.s32 s14, s21;
	s14 =	sadd.s32 s18, s31  }
0x16: {  	v0 =	vimm.f32 $0.0e+00;
	s18 =	sadd.s32 s18, s20;
	s20 =	simm.s32 $0x2800;
	s21 =	simm.s32 $0x3  }
.LBB2_1:
0x17: {  	s30 =	simm.s32 $0x0;
	s31 =	simm.s32 $0x200  }
.LBB2_2:
0x18: {  	p0 =	sne.s32 s31, $0xFE00;
	[tilespmem:s30+$0x2870] =	vst v0  }
0x19: {  	[tilespmem:s30+$0x2800] =	vst v0  }
0x1a: {  	[tilespmem:s30+$0x2810] =	vst v0  }
.Ltmp0:
0x1b: {  	[tilespmem:s30+$0x2820] =	vst v0;
	(pc) =	sbr.rel @p0 .LBB2_2-.Ltmp0, $4  }
0x1c: {  	[tilespmem:s30+$0x2830] =	vst v0  }
0x1d: {  	[tilespmem:s30+$0x2840] =	vst v0  }
0x1e: {  	[tilespmem:s30+$0x2850] =	vst v0  }
0x1f: {  	[tilespmem:s30+$0x2860] =	vst v0;
	s30 =	sshra.s32 s31, $0x2;
	s31 =	sadd.s32 $0x200, s31  }
0x20: {  	[tilespmem:s30+$0x2870] =	vst v0  }
0x21: {  	[tilespmem:s30+$0x2800] =	vst v0  }
0x22: {  	[tilespmem:s30+$0x2810] =	vst v0  }
0x23: {  	[tilespmem:s30+$0x2820] =	vst v0  }
0x24: {  	[tilespmem:s30+$0x2830] =	vst v0  }
0x25: {  	[tilespmem:s30+$0x2840] =	vst v0  }
0x26: {  	[tilespmem:s30+$0x2850] =	vst v0  }
0x27: {  	[tilespmem:s30+$0x2860] =	vst v0  }
0x28: {  	[spmem:s5] =	stream.linear.scatter [tilespmem:s20], [sflag:$0x3], $0x4000, $0x38;
	[tilespmem:$0x1E800] =	vst v63  }
0x29: {  	_ =	swait.ge [sflag:s21], $0x4000  }
0x2a: {  	[sflag:s21] =	ssyncset.done $0x0  }
0x2b: {  	[sflag:s21] =	ssyncadd.s32 $0xFFFFC000  }
0x2c: {  	[spmem:s6] =	stream.linear.scatter [tilespmem:s20], [sflag:$0x3], $0x4000, $0x38;
	[tilespmem:$0x1E800] =	vst v63  }
0x2d: {  	_ =	swait.ge [sflag:s21], $0x4000  }
0x2e: {  	[sflag:s21] =	ssyncset.done $0x0  }
0x2f: {  	[sflag:s21] =	ssyncadd.s32 $0xFFFFC000  }
0x30: {  	[spmem:s7] =	stream.linear.scatter [tilespmem:s20], [sflag:$0x3], $0x4000, $0x38;
	[tilespmem:$0x1E800] =	vst v63  }
0x31: {  	_ =	swait.ge [sflag:s21], $0x4000  }
0x32: {  	[sflag:s21] =	ssyncset.done $0x0  }
0x33: {  	[sflag:s21] =	ssyncadd.s32 $0xFFFFC000  }
0x34: {  	[spmem:s8] =	stream.linear.scatter [tilespmem:s20], [sflag:$0x3], $0x4000, $0x38;
	[tilespmem:$0x1E800] =	vst v63  }
0x35: {  	_ =	swait.ge [sflag:s21], $0x4000  }
0x36: {  	[sflag:s21] =	ssyncset.done $0x0  }
0x37: {  	[sflag:s21] =	ssyncadd.s32 $0xFFFFC000  }
0x38: {  	[spmem:s9] =	stream.linear.scatter [tilespmem:s20], [sflag:$0x3], $0x4000, $0x38;
	[tilespmem:$0x1E800] =	vst v63  }
0x39: {  	_ =	swait.ge [sflag:s21], $0x4000  }
0x3a: {  	[sflag:s21] =	ssyncset.done $0x0  }
0x3b: {  	[sflag:s21] =	ssyncadd.s32 $0xFFFFC000  }
0x3c: {  	s30 =	simm.s32 $0x0;
	[bflag:$0x0] =	sbarrier.arrive $0xFFFF  }
0x3d: {  	[tilespmem:s30], [sflag:$0x3] =	stream.linear.gather [hbm4b:s10+s30], $0x1400, $0x38;
	[tilespmem:$0x1E800] =	vst v63  }
0x3e: {  	_ =	swait.ge [sflag:s21], $0x1400  }
0x3f: {  	[sflag:s21] =	ssyncset.done $0x0  }
0x40: {  	[sflag:s21] =	ssyncadd.s32 $0xFFFFEC00  }
0x41: {  	[tilespmem:s22], [sflag:$0x3] =	stream.linear.gather [hbm4b:s11+s30], $0x1400, $0x38;
	[tilespmem:$0x1E800] =	vst v63  }
0x42: {  	_ =	swait.ge [sflag:s21], $0x1400  }
0x43: {  	[sflag:s21] =	ssyncset.done $0x0  }
0x44: {  	[sflag:s21] =	ssyncadd.s32 $0xFFFFEC00  }
0x45: {  	[tilespmem:s20], [sflag:$0x1] =	stream.indirect.gather [hbm4b:s1+s23], $0x80, s30, s23, $0xb8;
	[tilespmem:$0x1E800] =	vst v63  }
0x46: {  	_ = 	snop  }
0x47: {  	[tilespmem:s24], [sflag:$0x2] =	stream.indirect.gather [hbm4b:s1+s23], $0x80, s23, s23, $0xb8;
	[tilespmem:$0x1E800] =	vst v63  }
0x48: {  	_ =	swait.ge [sflag:s25], $0x4000  }
0x49: {  	[sflag:s25] =	ssyncset.done $0x0  }
0x4a: {  	s30 =	simm.s32 $0x1400;
	[sflag:s25] =	ssyncadd.s32 $0xFFFFC000  }
0x4b: {  	[spmem:s2] =	stream.indirect.scatter.add.f32 [tilespmem:s20], [sflag:$0x3], $0x80, s30, s23, $0xb8;
	[tilespmem:$0x1E800] =	vst v63  }
0x4c: {  	_ =	swait.ge [sflag:s21], $0x4000  }
0x4d: {  	[sflag:s21] =	ssyncset.done $0x0  }
0x4e: {  	s30 =	simm.s32 $0x100;
	[sflag:s21] =	ssyncadd.s32 $0xFFFFC000  }
0x4f: {  	[tilespmem:s20], [sflag:$0x1] =	stream.indirect.gather [hbm4b:s1+s23], $0x80, s30, s23, $0xb8;
	[tilespmem:$0x1E800] =	vst v63  }
0x50: {  	_ =	swait.ge [sflag:s26], $0x4000  }
0x51: {  	[sflag:s26] =	ssyncset.done $0x0  }
0x52: {  	s30 =	simm.s32 $0x1480;
	[sflag:s26] =	ssyncadd.s32 $0xFFFFC000  }
0x53: {  	[spmem:s2] =	stream.indirect.scatter.add.f32 [tilespmem:s24], [sflag:$0x3], $0x80, s30, s23, $0xb8;
	[tilespmem:$0x1E800] =	vst v63  }
0x54: {  	_ =	swait.ge [sflag:s21], $0x4000  }
0x55: {  	[sflag:s21] =	ssyncset.done $0x0  }
0x56: {  	s31 =	simm.s32 $0x180;
	s30 =	simm.s32 $0x400;
	[sflag:s21] =	ssyncadd.s32 $0xFFFFC000  }
.LBB2_4:
0x57: {  	[tilespmem:s24], [sflag:$0x2] =	stream.indirect.gather [hbm4b:s1+s23], $0x80, s31, s23, $0xb8;
	[tilespmem:$0x1E800] =	vst v63  }
0x58: {  	s31 =	smov.u32 s30  }
0x59: {  	p0 =	sne.s32 s30, $0x4800;
	s30 =	sadd.s32 $0x400, s30;
	_ =	swait.ge [sflag:s25], $0x4000  }
0x5a: {  	s31 =	sshra.s32 s31, $0x2;
	[sflag:s25] =	ssyncset.done $0x0  }
0x5b: {  	s0 =	sadd.s32 $0x1400, s31;
	[sflag:s25] =	ssyncadd.s32 $0xFFFFC000  }
0x5c: {  	[spmem:s2] =	stream.indirect.scatter.add.f32 [tilespmem:s20], [sflag:$0x3], $0x80, s0, s23, $0xb8;
	[tilespmem:$0x1E800] =	vst v63  }
0x5d: {  	_ =	swait.ge [sflag:s21], $0x4000  }
0x5e: {  	[sflag:s21] =	ssyncset.done $0x0  }
0x5f: {  	s0 =	sadd.s32 $0x100, s31;
	[sflag:s21] =	ssyncadd.s32 $0xFFFFC000  }
0x60: {  	[tilespmem:s20], [sflag:$0x1] =	stream.indirect.gather [hbm4b:s1+s23], $0x80, s0, s23, $0xb8;
	[tilespmem:$0x1E800] =	vst v63  }
0x61: {  	_ =	swait.ge [sflag:s26], $0x4000  }
0x62: {  	[sflag:s26] =	ssyncset.done $0x0  }
.Ltmp1:
0x63: {  	s0 =	sadd.s32 $0x1480, s31;
	[sflag:s26] =	ssyncadd.s32 $0xFFFFC000;
	(pc) =	sbr.rel @p0 .LBB2_4-.Ltmp1, $4  }
0x64: {  	[spmem:s2] =	stream.indirect.scatter.add.f32 [tilespmem:s24], [sflag:$0x3], $0x80, s0, s23, $0xb8;
	[tilespmem:$0x1E800] =	vst v63  }
0x65: {  	_ =	swait.ge [sflag:s21], $0x4000  }
0x66: {  	[sflag:s21] =	ssyncset.done $0x0  }
0x67: {  	s31 =	sadd.s32 $0x180, s31;
	[sflag:s21] =	ssyncadd.s32 $0xFFFFC000  }
0x68: {  	[tilespmem:s24], [sflag:$0x2] =	stream.indirect.gather [hbm4b:s1+s23], $0x80, s31, s23, $0xb8;
	[tilespmem:$0x1E800] =	vst v63  }
0x69: {  	_ =	swait.ge [sflag:s25], $0x4000  }
0x6a: {  	[sflag:s25] =	ssyncset.done $0x0  }
0x6b: {  	[sflag:s25] =	ssyncadd.s32 $0xFFFFC000  }
0x6c: {  	[spmem:s2] =	stream.indirect.scatter.add.f32 [tilespmem:s20], [sflag:$0x3], $0x80, s28, s23, $0xb8;
	[tilespmem:$0x1E800] =	vst v63  }
0x6d: {  	_ =	swait.ge [sflag:s21], $0x4000  }
0x6e: {  	[sflag:s21] =	ssyncset.done $0x0  }
0x6f: {  	[sflag:s21] =	ssyncadd.s32 $0xFFFFC000  }
0x70: {  	_ =	swait.ge [sflag:s26], $0x4000  }
0x71: {  	[sflag:s26] =	ssyncset.done $0x0  }
0x72: {  	[sflag:s26] =	ssyncadd.s32 $0xFFFFC000  }
0x73: {  	[spmem:s2] =	stream.indirect.scatter.add.f32 [tilespmem:s24], [sflag:$0x3], $0x80, s29, s23, $0xb8;
	[tilespmem:$0x1E800] =	vst v63  }
0x74: {  	_ =	swait.ge [sflag:s21], $0x4000  }
0x75: {  	[sflag:s21] =	ssyncset.done $0x0  }
0x76: {  	s0 =	simm.s32 $0x0;
	[sflag:s21] =	ssyncadd.s32 $0xFFFFC000  }
0x77: {  	[tilespmem:s0], [sflag:$0x3] =	stream.linear.gather [hbm4b:s12+s0], $0x1400, $0x38;
	[tilespmem:$0x1E800] =	vst v63  }
0x78: {  	_ =	swait.ge [sflag:s21], $0x1400  }
0x79: {  	[sflag:s21] =	ssyncset.done $0x0  }
0x7a: {  	[sflag:s21] =	ssyncadd.s32 $0xFFFFEC00  }
0x7b: {  	[tilespmem:s22], [sflag:$0x3] =	stream.linear.gather [hbm4b:s13+s0], $0x1400, $0x38;
	[tilespmem:$0x1E800] =	vst v63  }
0x7c: {  	_ =	swait.ge [sflag:s21], $0x1400  }
0x7d: {  	[sflag:s21] =	ssyncset.done $0x0  }
0x7e: {  	[sflag:s21] =	ssyncadd.s32 $0xFFFFEC00  }
0x7f: {  	[tilespmem:s20], [sflag:$0x1] =	stream.indirect.gather [hbm4b:s1+s23], $0x80, s0, s23, $0xb8;
	[tilespmem:$0x1E800] =	vst v63  }
0x80: {  	_ = 	snop  }
0x81: {  	[tilespmem:s24], [sflag:$0x2] =	stream.indirect.gather [hbm4b:s1+s23], $0x80, s23, s23, $0xb8;
	[tilespmem:$0x1E800] =	vst v63  }
0x82: {  	_ =	swait.ge [sflag:s25], $0x4000  }
0x83: {  	[sflag:s25] =	ssyncset.done $0x0  }
0x84: {  	s0 =	simm.s32 $0x1400;
	[sflag:s25] =	ssyncadd.s32 $0xFFFFC000  }
0x85: {  	[spmem:s2] =	stream.indirect.scatter.add.f32 [tilespmem:s20], [sflag:$0x3], $0x80, s0, s23, $0xb8;
	[tilespmem:$0x1E800] =	vst v63  }
0x86: {  	_ =	swait.ge [sflag:s21], $0x4000  }
0x87: {  	[sflag:s21] =	ssyncset.done $0x0  }
0x88: {  	s0 =	simm.s32 $0x100;
	[sflag:s21] =	ssyncadd.s32 $0xFFFFC000  }
0x89: {  	[tilespmem:s20], [sflag:$0x1] =	stream.indirect.gather [hbm4b:s1+s23], $0x80, s0, s23, $0xb8;
	[tilespmem:$0x1E800] =	vst v63  }
0x8a: {  	_ =	swait.ge [sflag:s26], $0x4000  }
0x8b: {  	[sflag:s26] =	ssyncset.done $0x0  }
0x8c: {  	s0 =	simm.s32 $0x1480;
	[sflag:s26] =	ssyncadd.s32 $0xFFFFC000  }
0x8d: {  	[spmem:s2] =	stream.indirect.scatter.add.f32 [tilespmem:s24], [sflag:$0x3], $0x80, s0, s23, $0xb8;
	[tilespmem:$0x1E800] =	vst v63  }
0x8e: {  	_ =	swait.ge [sflag:s21], $0x4000  }
0x8f: {  	[sflag:s21] =	ssyncset.done $0x0  }
0x90: {  	s30 =	simm.s32 $0x400;
	s31 =	simm.s32 $0x180;
	[sflag:s21] =	ssyncadd.s32 $0xFFFFC000  }
.LBB2_6:
0x91: {  	[tilespmem:s24], [sflag:$0x2] =	stream.indirect.gather [hbm4b:s1+s23], $0x80, s31, s23, $0xb8;
	[tilespmem:$0x1E800] =	vst v63  }
0x92: {  	s0 =	smov.u32 s30  }
0x93: {  	p0 =	sne.s32 s30, $0x4800;
	s30 =	sadd.s32 $0x400, s30;
	_ =	swait.ge [sflag:s25], $0x4000  }
0x94: {  	s0 =	sshra.s32 s0, $0x2;
	[sflag:s25] =	ssyncset.done $0x0  }
0x95: {  	s31 =	sadd.s32 $0x1400, s0;
	[sflag:s25] =	ssyncadd.s32 $0xFFFFC000  }
0x96: {  	[spmem:s2] =	stream.indirect.scatter.add.f32 [tilespmem:s20], [sflag:$0x3], $0x80, s31, s23, $0xb8;
	[tilespmem:$0x1E800] =	vst v63  }
0x97: {  	_ =	swait.ge [sflag:s21], $0x4000  }
0x98: {  	[sflag:s21] =	ssyncset.done $0x0  }
0x99: {  	s31 =	sadd.s32 $0x100, s0;
	[sflag:s21] =	ssyncadd.s32 $0xFFFFC000  }
0x9a: {  	[tilespmem:s20], [sflag:$0x1] =	stream.indirect.gather [hbm4b:s1+s23], $0x80, s31, s23, $0xb8;
	[tilespmem:$0x1E800] =	vst v63  }
0x9b: {  	_ =	swait.ge [sflag:s26], $0x4000  }
0x9c: {  	[sflag:s26] =	ssyncset.done $0x0  }
.Ltmp2:
0x9d: {  	s31 =	sadd.s32 $0x1480, s0;
	[sflag:s26] =	ssyncadd.s32 $0xFFFFC000;
	(pc) =	sbr.rel @p0 .LBB2_6-.Ltmp2, $4  }
0x9e: {  	[spmem:s2] =	stream.indirect.scatter.add.f32 [tilespmem:s24], [sflag:$0x3], $0x80, s31, s23, $0xb8;
	[tilespmem:$0x1E800] =	vst v63  }
0x9f: {  	_ =	swait.ge [sflag:s21], $0x4000  }
0xa0: {  	[sflag:s21] =	ssyncset.done $0x0  }
0xa1: {  	s31 =	sadd.s32 $0x180, s0;
	[sflag:s21] =	ssyncadd.s32 $0xFFFFC000  }
0xa2: {  	[tilespmem:s24], [sflag:$0x2] =	stream.indirect.gather [hbm4b:s1+s23], $0x80, s31, s23, $0xb8;
	[tilespmem:$0x1E800] =	vst v63  }
0xa3: {  	_ =	swait.ge [sflag:s25], $0x4000  }
0xa4: {  	[sflag:s25] =	ssyncset.done $0x0  }
0xa5: {  	[sflag:s25] =	ssyncadd.s32 $0xFFFFC000  }
0xa6: {  	[spmem:s2] =	stream.indirect.scatter.add.f32 [tilespmem:s20], [sflag:$0x3], $0x80, s28, s23, $0xb8;
	[tilespmem:$0x1E800] =	vst v63  }
0xa7: {  	_ =	swait.ge [sflag:s21], $0x4000  }
0xa8: {  	[sflag:s21] =	ssyncset.done $0x0  }
0xa9: {  	[sflag:s21] =	ssyncadd.s32 $0xFFFFC000  }
0xaa: {  	_ =	swait.ge [sflag:s26], $0x4000  }
0xab: {  	[sflag:s26] =	ssyncset.done $0x0  }
0xac: {  	[sflag:s26] =	ssyncadd.s32 $0xFFFFC000  }
0xad: {  	[spmem:s2] =	stream.indirect.scatter.add.f32 [tilespmem:s24], [sflag:$0x3], $0x80, s29, s23, $0xb8;
	[tilespmem:$0x1E800] =	vst v63  }
0xae: {  	_ =	swait.ge [sflag:s21], $0x4000  }
0xaf: {  	[sflag:s21] =	ssyncset.done $0x0  }
0xb0: {  	s0 =	sshll.u32 s3, $0x6;
	[sflag:s21] =	ssyncadd.s32 $0xFFFFC000  }
0xb1: {  	s30 =	sshrl.u32 s5, $0x3;
	s0 =	sor.u32 $0x1C03, s0;
	[bflag:$0x0] =	sbarrier.arrive $0xFFFF  }
0xb2: {  	[hbm:s14], [sflag:s0] =	dma.local [spmem:s30], $0x800  }
0xb3: {  	_ =	swait.ge [sflag:s21], $0x800  }
0xb4: {  	[sflag:s21] =	ssyncset.done $0x0  }
0xb5: {  	s31 =	sshrl.u32 s6, $0x3;
	[sflag:s21] =	ssyncadd.s32 $0xFFFFF800  }
0xb6: {  	[hbm:s15], [sflag:s0] =	dma.local [spmem:s31], $0x800  }
0xb7: {  	_ =	swait.ge [sflag:s21], $0x800  }
0xb8: {  	[sflag:s21] =	ssyncset.done $0x0  }
0xb9: {  	s31 =	sshrl.u32 s7, $0x3;
	[sflag:s21] =	ssyncadd.s32 $0xFFFFF800  }
0xba: {  	[hbm:s16], [sflag:s0] =	dma.local [spmem:s31], $0x800  }
0xbb: {  	_ =	swait.ge [sflag:s21], $0x800  }
0xbc: {  	[sflag:s21] =	ssyncset.done $0x0  }
0xbd: {  	s31 =	sshrl.u32 s8, $0x3;
	[sflag:s21] =	ssyncadd.s32 $0xFFFFF800  }
0xbe: {  	[hbm:s17], [sflag:s0] =	dma.local [spmem:s31], $0x800  }
0xbf: {  	s4 =	sadd.s32 $0x1, s4;
	_ =	swait.ge [sflag:s21], $0x800  }
0xc0: {  	p0 =	sne.s32 s4, s19;
	[sflag:s21] =	ssyncset.done $0x0  }
.Ltmp3:
0xc1: {  	s31 =	sshrl.u32 s9, $0x3;
	[sflag:s21] =	ssyncadd.s32 $0xFFFFF800;
	(pc) =	sbr.rel @p0 .LBB2_1-.Ltmp3, $4  }
0xc2: {  	[hbm:s18], [sflag:s0] =	dma.local [spmem:s31], $0x800  }
0xc3: {  	_ =	swait.ge [sflag:s21], $0x800  }
0xc4: {  	[sflag:s21] =	ssyncset.done $0x0  }
0xc5: {  	[sflag:s21] =	ssyncadd.s32 $0xFFFFF800  }
0xc6: {  	_ =	sfence.sel $0x180000  }
0xc7: {  	[bflag:$0x0] =	sbarrier.arrive $0xFFFF  }
0xc8: {  	_ =	strace $0x9000004A  }
0xc9: {  	[bflag:$0x2] =	sbarrier.arrive $0xFFFF  }
0xca: {  	p0 =	sne.s32 s3, $0x0;
	s0 =	rddreg [dreg:$0x3]  }
0xcb: {  	s0 =	sadd.s32 @!p0 $0x100000, s0  }
0xcc: {  	[sflag:s0] =	ssyncadd.tile.s32 @!p0 $0x1;
	_ =	shalt  }
.Lfunc_end2:
_tile_overlayer_lowered:
.L_overlay_start_2:
0xcd: {  	(tag) =	ssettag $0x2  }
0xce: {  	s0 =	rddreg [dreg:$0x0];
	s2 =	stileid.u32  }
0xcf: {  	s1 =	rddreg [dreg:$0x1];
	p0 =	sne.s32 s2, $0x0  }
0xd0: {  	s3 =	rddreg [dreg:$0x2];
	[bflag:$0x3] =	sbarrier.arrive $0xFFFF;
	s2 =	simm.s32 @!p0 $0x1C03  }
0xd1: {  	[timem:s3], [sflag:s2] =	dma.local @!p0 [hbm:s0], s1  }
0xd2: {  	s0 =	simm.s32 @!p0 $0x3  }
0xd3: {  	_ =	swait.ge @!p0 [sflag:s0], s1  }
0xd4: {  	s1 =	ssub.s32 @!p0 $0x0, s1;
	[sflag:s0] =	ssyncset.done @!p0 $0x0  }
0xd5: {  	[sflag:s0] =	ssyncadd.s32 @!p0 s1  }
0xd6: {  	[bflag:$0x3] =	sbarrier.arrive $0xFFFF  }
0xd7: {  	_ =	shalt  }

// kernel: kernel.14.cloned.1.call-start
scs
__scs_entry_jumppad:
0x0: {  	(pc) =	sbr.rel $0x88, $3  }
0x1: {  	(tag) =	ssettag $0x0;
	lr =	simm.s32 $0x1  }
0x2: {  	[smem:$0x3F96] =	sst lr;
	_ =	strace $0xD0000000  }
0x3: {  	_ = 	snop  }
0x4: {  	_ = 	snop  }
0x5: {  	_ = 	snop  }
0x6: {  	_ = 	snop  }
0x7: {  	_ = 	snop  }
__scs_overlays_trampoline_lowered:
0x8: {  	[smem:$0x3FA5] =	sst s0  }
0x9: {  	[smem:$0x3FA6] =	sst s1  }
0xa: {  	[smem:$0x3FA7] =	sst s2  }
0xb: {  	[smem:$0x3FA8] =	sst s3  }
0xc: {  	[smem:$0x3FA9] =	sst s4  }
0xd: {  	[smem:$0x3FAA] =	sst s5  }
0xe: {  	[smem:$0x3FAB] =	sst s6  }
0xf: {  	[smem:$0x3FAC] =	sst s7  }
0x10: {  	[smem:$0x3FAD] =	sst s8  }
0x11: {  	[smem:$0x3FAE] =	sst s9;
	s0 =	simm.s32 @!p0 $0x0  }
0x12: {  	s1 =	sld [smem:$0x3F94];
	s0 =	simm.s32 @p0 $0x1  }
0x13: {  	[smem:$0x3FAF] =	sst s0;
	s0 =	simm.s32 @!p1 $0x0  }
0x14: {  	s2 =	sld [smem:$0x3F93];
	s0 =	simm.s32 @p1 $0x1  }
0x15: {  	[smem:$0x3FB0] =	sst s0;
	s0 =	simm.s32 @!p2 $0x0  }
0x16: {  	s3 =	sld [smem:$0x3FDB];
	s0 =	simm.s32 @p2 $0x1  }
0x17: {  	s4 =	simm.s32 $0x1BF5;
	[smem:$0x3FB2] =	sst s0  }
0x18: {  	s0 =	sld [smem:$0x3F95];
	_ =	swait.ge [sflag:s4], $0x0  }
0x19: {  	s7 =	sld [smem:$0x3F96]  }
0x1a: {  	s8 =	sadd.s32 $0xFFFFE003, lr  }
0x1b: {  	s9 =	sadd.s32 $0xFFFFFEF7, lr;
	s5 =	simm.s32 $0xFFFFFFFF;
	p2 =	slt.u32 s8, $0xFFFFF086  }
0x1c: {  	p1 =	slt.u32 s9, $0xF7A;
	s5 =	simm.s32 @!p2 $0x0  }
0x1d: {  	s5 =	simm.s32 @p1 $0x1;
	p0 =	seq.s32 s7, s2  }
0x1e: {  	s7 =	smul.u32 @!p0 $0xF7A, s2;
	p2 =	seq.s32 @!p0 s5, $0x0  }
0x1f: {  	s9 =	smul.u32 $0xF7A, s1;
	s8 =	simm.s32 @!p0 $0x1BF5;
	p2 =	por !p2, p0  }
0x20: {  	[sflag:s8] =	ssyncset.s32 @!p0 $0xFFFFF086;
	s6 =	sadd.s32 @!p0 s3, s7;
	s7 =	simm.s32 @!p0 $0x108  }
0x21: {  	s3 =	sadd.s32 s3, s9;
	s6 =	sadd.s32 @!p0 $0x88, s6;
	s7 =	simm.s32 @p2 $0x1082  }
0x22: {  	[simem:s7], [sflag:s8] =	dma.local @!p0 [hbm:s6], $0xF7A  }
0x23: {  	s9 =	sor.u32 $0xD0000000, s2;
	s6 =	simm.s32 $0x108;
	_ =	swait.ge @!p0 [sflag:s8], $0x0  }
0x24: {  	s3 =	sadd.s32 $0x88, s3;
	s6 =	simm.s32 @!p1 $0x1082;
	[sflag:s4] =	ssyncset.s32 $0xFFFFF086  }
0x25: {  	[simem:s6], [sflag:s4] =	dma.local [hbm:s3], $0xF7A  }
0x26: {  	[smem:$0x3F96] =	sst s1;
	(tag) =	ssettag s2;
	_ =	strace s9  }
0x27: {  	s1 =	sld [smem:$0x3FA6]  }
0x28: {  	s2 =	sld [smem:$0x3FA7]  }
0x29: {  	s4 =	sld [smem:$0x3FA9]  }
0x2a: {  	p0 =	seq.s32 s5, $0x0;
	s5 =	sld [smem:$0x3FAA]  }
0x2b: {  	s6 =	sld [smem:$0x3FAB]  }
0x2c: {  	s7 =	sld [smem:$0x3FAC]  }
0x2d: {  	s3 =	simm.s32 $0x108;
	s8 =	sld [smem:$0x3FAD]  }
0x2e: {  	s3 =	simm.s32 @!p0 $0x1082;
	s9 =	sld [smem:$0x3FAE]  }
0x2f: {  	lr =	sadd.s32 s0, s3;
	s0 =	sld [smem:$0x3FA5]  }
0x30: {  	s3 =	sld [smem:$0x3FA8]  }
0x31: {  	[smem:$0x3FB1] =	sst s10  }
0x32: {  	s10 =	sld [smem:$0x3FAF];
	_ =	sdelay $0x3  }
0x33: {  	p0 =	seq.s32 s10, $0x1;
	s10 =	sld [smem:$0x3FB1];
	_ =	sdelay $0x3  }
0x34: {  	[smem:$0x3FB1] =	sst s10  }
0x35: {  	s10 =	sld [smem:$0x3FB0];
	_ =	sdelay $0x3  }
0x36: {  	p1 =	seq.s32 s10, $0x1;
	s10 =	sld [smem:$0x3FB1];
	_ =	sdelay $0x3  }
0x37: {  	[smem:$0x3FB1] =	sst s10  }
0x38: {  	s10 =	sld [smem:$0x3FB2]  }
0x39: {  	_ = 	snop;
	(pc) =	sbr.ind lr, $3  }
0x3a: {  	_ = 	snop  }
0x3b: {  	_ = 	snop  }
0x3c: {  	p2 =	seq.s32 s10, $0x1;
	s10 =	sld [smem:$0x3FB1]  }
0x3d: {  	_ =	shalt  }
0x3e: {  	_ =	shalt  }
0x3f: {  	_ =	shalt  }
0x40: {  	_ =	shalt  }
0x41: {  	_ =	shalt  }
0x42: {  	_ =	shalt  }
0x43: {  	_ =	shalt  }
0x44: {  	_ =	shalt  }
0x45: {  	_ =	shalt  }
0x46: {  	_ =	shalt  }
0x47: {  	_ =	shalt  }
0x48: {  	_ =	shalt  }
0x49: {  	_ =	shalt  }
0x4a: {  	_ =	shalt  }
0x4b: {  	_ =	shalt  }
0x4c: {  	_ =	shalt  }
0x4d: {  	_ =	shalt  }
0x4e: {  	_ =	shalt  }
0x4f: {  	_ =	shalt  }
0x50: {  	_ =	shalt  }
0x51: {  	_ =	shalt  }
0x52: {  	_ =	shalt  }
0x53: {  	_ =	shalt  }
0x54: {  	_ =	shalt  }
0x55: {  	_ =	shalt  }
0x56: {  	_ =	shalt  }
0x57: {  	_ =	shalt  }
0x58: {  	_ =	shalt  }
0x59: {  	_ =	shalt  }
0x5a: {  	_ =	shalt  }
0x5b: {  	_ =	shalt  }
0x5c: {  	_ =	shalt  }
0x5d: {  	_ =	shalt  }
0x5e: {  	_ =	shalt  }
0x5f: {  	_ =	shalt  }
0x60: {  	_ =	shalt  }
0x61: {  	_ =	shalt  }
0x62: {  	_ =	shalt  }
0x63: {  	_ =	shalt  }
0x64: {  	_ =	shalt  }
0x65: {  	_ =	shalt  }
0x66: {  	_ =	shalt  }
0x67: {  	_ =	shalt  }
0x68: {  	_ =	shalt  }
0x69: {  	_ =	shalt  }
0x6a: {  	_ =	shalt  }
0x6b: {  	_ =	shalt  }
0x6c: {  	_ =	shalt  }
0x6d: {  	_ =	shalt  }
0x6e: {  	_ =	shalt  }
0x6f: {  	_ =	shalt  }
0x70: {  	_ =	shalt  }
0x71: {  	_ =	shalt  }
0x72: {  	_ =	shalt  }
0x73: {  	_ =	shalt  }
0x74: {  	_ =	shalt  }
0x75: {  	_ =	shalt  }
0x76: {  	_ =	shalt  }
0x77: {  	_ =	shalt  }
0x78: {  	_ =	shalt  }
0x79: {  	_ =	shalt  }
0x7a: {  	_ =	shalt  }
0x7b: {  	_ =	shalt  }
0x7c: {  	_ =	shalt  }
0x7d: {  	_ =	shalt  }
0x7e: {  	_ =	shalt  }
0x7f: {  	_ =	shalt  }
0x80: {  	_ =	shalt  }
0x81: {  	_ =	shalt  }
0x82: {  	_ =	shalt  }
0x83: {  	_ =	shalt  }
0x84: {  	_ =	shalt  }
0x85: {  	_ =	shalt  }
0x86: {  	_ =	shalt  }
0x87: {  	_ =	shalt  }
.Lfunc_end0:
.L_simem_size_0:
called_computation.2_lowered:
.L_overlay_start_0:
0x88: {  	s2 =	sld [smem:$0x3FD9]  }
0x89: {  	s3 =	sld [smem:$0x3FFE];
	_ =	sdelay $0x1  }
0x8a: {  	s1 =	srdreg.scid  }
0x8b: {  	s0 =	sand.u32 $0x1, s1  }
0x8c: {  	s17 =	sshll.u32 s0, $0xA;
	s2 =	sadd.s32 s3, s2  }
0x8d: {  	s2 =	sadd.s32 s2, s17  }
0x8e: {  	[smem:$0x3FBD] =	sst s2  }
0x8f: {  	_ = 	snop  }
0x90: {  	s2 =	sld [smem:$0x3FD0];
	(tm) =	ssettm $0x1  }
0x91: {  	s18 =	sld [smem:$0x3FFB];
	_ =	sdelay $0x3  }
0x92: {  	_ =	strace s18  }
0x93: {  	s3 =	sld [smem:$0x3FFC];
	_ =	sdelay $0x3  }
0x94: {  	_ =	strace s3  }
0x95: {  	s3 =	sld [smem:$0x3FFD];
	_ =	sdelay $0x3  }
0x96: {  	_ =	strace s3  }
0x97: {  	_ =	strace $0x8FFFFFFF  }
0x98: {  	s19 =	sld [smem:$0x3FDB];
	_ =	sdelay $0x1  }
0x99: {  	s4 =	simm.s32 $_scs_section_size  }
0x9a: {  	s5 =	simm.s32 $_size__tile_overlayer_lowered;
	s6 =	simm.s32 $_tile_overlayer_lowered  }
0x9b: {  	s22 =	simm.s32 $0x1BFF;
	s21 =	sshll.u32 s6, $0x1;
	s3 =	sadd.s32 s4, s19  }
0x9c: {  	s7 =	simm.s32 $0x0;
	s20 =	sshll.u32 s5, $0x1;
	s5 =	sadd.s32 s21, s3  }
0x9d: {  	[timem:s7], [sflag:s22] =	dma.local [hbm:s5], s20  }
0x9e: {  	_ =	swait.ge [sflag:s22], s20  }
0x9f: {  	s4 =	ssub.s32 $0x0, s20;
	[sflag:s22] =	ssyncset.done $0x0  }
0xa0: {  	[sflag:s22] =	ssyncadd.s32 s4;
	_ =	sdelay $0x1  }
0xa1: {  	s23 =	simm.s32 $0x1B8B  }
0xa2: {  	_ =	swait.ge [sflag:s23], $0x1  }
0xa3: {  	[sflag:s23] =	ssyncset.done $0x0  }
0xa4: {  	s25 =	simm.s32 $0x1B8E;
	s24 =	sld [smem:$0x3FFE];
	[sflag:s23] =	ssyncadd.s32 $0xFFFFFFFF  }
0xa5: {  	s26 =	simm.s32 $execute0_lowered;
	[smem:$0x3FD2] =	sst s25  }
0xa6: {  	s5 =	sshll.u32 s26, $0x1;
	_ =	strace $0x8000004C;
	[dreg:$0x1] =	wrdreg $0xFFFFFFFF  }
0xa7: {  	s28 =	simm.s32 $_size_execute0_lowered;
	s3 =	sadd.s32 s3, s5;
	[dreg:$0x0] =	wrdreg $0x0  }
0xa8: {  	s5 =	sshll.u32 s28, $0x1;
	[dreg:$0x2] =	wrdreg s3  }
0xa9: {  	[dreg:$0x3] =	wrdreg s5  }
0xaa: {  	[dreg:$0x4] =	wrdreg $0xC0  }
0xab: {  	_ =	task [dreg:s7], $0x5FFFF  }
0xac: {  	[dreg:$0x1] =	wrdreg $0xFFFFFFFF  }
0xad: {  	[dreg:$0x0] =	wrdreg $0x60  }
0xae: {  	[dreg:$0x2] =	wrdreg s2  }
0xaf: {  	[dreg:$0x3] =	wrdreg s24  }
0xb0: {  	[dreg:$0x4] =	wrdreg $0xA8000  }
0xb1: {  	[dreg:$0x5] =	wrdreg $0x9  }
0xb2: {  	_ =	task.clear_ibuf [dreg:s7], $0x6FFFF;
	_ =	strace $0x9000004C  }
0xb3: {  	s29 =	simm.s32 $0x9;
	_ =	strace $0x8000004E  }
0xb4: {  	_ =	swait.ge [sflag:s29], $0x1  }
0xb5: {  	[sflag:s29] =	ssyncadd.s32 $0xFFFFFFFF  }
0xb6: {  	_ =	strace $0x9000004E  }
0xb7: {  	_ =	sfence  }
0xb8: {  	s30 =	sld [smem:$0x0];
	_ =	sdelay $0x2  }
0xb9: {  	s31 =	sshll.u32 s1, $0xD;
	s1 =	sshrl.u32 s1, $0x2  }
0xba: {  	s3 =	sand.u32 $0x4000, s31;
	s1 =	sadd.s32 s1, s30  }
0xbb: {  	s0 =	sor.u32 s3, s0;
	s1 =	sshll.u32 s1, $0x11  }
0xbc: {  	s0 =	sor.u32 s1, s0  }
0xbd: {  	s0 =	sadd.s32 $0x8F2B, s0  }
0xbe: {  	[sflag:s0] =	ssyncadd.remote.s32 $0x1  }
0xbf: {  	_ =	sfence.sel $0xFFFF  }
0xc0: {  	[dreg:$0x0] =	wrdreg $0xFFFFFFFF;
	(pc) =	sbr.abs _section_cstart, $3  }
0xc1: {  	[dreg:$0x1] =	wrdreg $0xFFFFFFFF  }
0xc2: {  	_ =	task.clear_ibuf [dreg:s7], $0x2FFFF;
	_ =	strace $0x9FFFFFFF  }
0xc3: {  	(tm) =	ssettm $0x7FFFFFFF  }
tec
execute0_lowered:
.L_overlay_start_1:
0x0: {  	(tag) =	ssettag $0x1  }
0x1: {  	s1 =	rddreg [dreg:$0x0]  }
0x2: {  	s5 =	rddreg [dreg:$0x1]  }
0x3: {  	s2 =	rddreg [dreg:$0x2];
	s4 =	simm.s32 $0x0;
	s6 =	srdreg.scid  }
0x4: {  	s3 =	stileid.u32;
	s24 =	simm.s32 $0x6800;
	s28 =	simm.s32 $0x2700  }
0x5: {  	s29 =	simm.s32 $0x2780;
	[smem:$0x7FF] =	sst s4;
	s7 =	smul.u32 $0x50000, s3  }
0x6: {  	s10 =	sand.u32 $0x1, s6;
	s12 =	sadd.s32 $0xE000, s5;
	s13 =	smul.u32 $0x14000, s3  }
0x7: {  	s14 =	sadd.s32 $0x4000, s5;
	s18 =	sadd.s32 $0x3F200, s5;
	_ =	strace $0x8000004D  }
0x8: {  	s6 =	ssub.s32 $0x2, s10;
	s25 =	sshll.u32 s10, $0x4;
	s22 =	smul.u32 $0x140000, s10  }
0x9: {  	s8 =	sshrl.u32 s6, $0x1;
	s26 =	sshrl.u32 s7, $0x2;
	s15 =	sadd.s32 $0x4000, s13  }
0xa: {  	s30 =	sor.u32 s3, s25;
	s16 =	sadd.s32 $0x8000, s13;
	s17 =	sadd.s32 $0xC000, s13  }
0xb: {  	s20 =	sadd.s32 $0x10000, s13;
	s25 =	simm.s32 $0x1;
	s19 =	ssub.s32 s6, s8  }
0xc: {  	s5 =	sadd.s32 s26, s2;
	s6 =	sadd.s32 s15, s2;
	s11 =	smul.u32 $0x2800, s30  }
0xd: {  	s7 =	sadd.s32 s16, s2;
	s8 =	sadd.s32 s17, s2;
	s9 =	sadd.s32 s20, s2  }
0xe: {  	s23 =	sadd.s32 s13, s22;
	s15 =	sadd.s32 s22, s15;
	s16 =	sadd.s32 s22, s16  }
0xf: {  	s17 =	sadd.s32 s22, s17;
	s20 =	sadd.s32 s22, s20;
	s22 =	simm.s32 $0x1400  }
0x10: {  	s26 =	simm.s32 $0x2;
	s31 =	sshrl.u32 s23, $0x3;
	s15 =	sshrl.u32 s15, $0x3  }
0x11: {  	s16 =	sshrl.u32 s16, $0x3;
	s17 =	sshrl.u32 s17, $0x3;
	s20 =	sshrl.u32 s20, $0x3  }
0x12: {  	s19 =	smax.u32 s19, $0x1;
	s23 =	simm.s32 $0x80;
	s21 =	sshrl.u32 s11, $0x3  }
0x13: {  	s15 =	sadd.s32 s18, s15;
	s16 =	sadd.s32 s18, s16;
	s17 =	sadd.s32 s18, s17  }
0x14: {  	s10 =	sadd.s32 s12, s21;
	s11 =	sadd.s32 s14, s21;
	s21 =	sadd.s32 $0x280, s21  }
0x15: {  	s12 =	sadd.s32 s12, s21;
	s13 =	sadd.s32 s14, s21;
	s14 =	sadd.s32 s18, s31  }
0x16: {  	v0 =	vimm.f32 $0.0e+00;
	s18 =	sadd.s32 s18, s20;
	s20 =	simm.s32 $0x2800;
	s21 =	simm.s32 $0x3  }
.LBB2_1:
0x17: {  	s30 =	simm.s32 $0x0;
	s31 =	simm.s32 $0x200  }
.LBB2_2:
0x18: {  	p0 =	sne.s32 s31, $0xFE00;
	[tilespmem:s30+$0x2870] =	vst v0  }
0x19: {  	[tilespmem:s30+$0x2800] =	vst v0  }
0x1a: {  	[tilespmem:s30+$0x2810] =	vst v0  }
.Ltmp0:
0x1b: {  	[tilespmem:s30+$0x2820] =	vst v0;
	(pc) =	sbr.rel @p0 .LBB2_2-.Ltmp0, $4  }
0x1c: {  	[tilespmem:s30+$0x2830] =	vst v0  }
0x1d: {  	[tilespmem:s30+$0x2840] =	vst v0  }
0x1e: {  	[tilespmem:s30+$0x2850] =	vst v0  }
0x1f: {  	[tilespmem:s30+$0x2860] =	vst v0;
	s30 =	sshra.s32 s31, $0x2;
	s31 =	sadd.s32 $0x200, s31  }
0x20: {  	[tilespmem:s30+$0x2870] =	vst v0  }
0x21: {  	[tilespmem:s30+$0x2800] =	vst v0  }
0x22: {  	[tilespmem:s30+$0x2810] =	vst v0  }
0x23: {  	[tilespmem:s30+$0x2820] =	vst v0  }
0x24: {  	[tilespmem:s30+$0x2830] =	vst v0  }
0x25: {  	[tilespmem:s30+$0x2840] =	vst v0  }
0x26: {  	[tilespmem:s30+$0x2850] =	vst v0  }
0x27: {  	[tilespmem:s30+$0x2860] =	vst v0  }
0x28: {  	[spmem:s5] =	stream.linear.scatter [tilespmem:s20], [sflag:$0x3], $0x4000, $0x38;
	[tilespmem:$0x1E800] =	vst v63  }
0x29: {  	_ =	swait.ge [sflag:s21], $0x4000  }
0x2a: {  	[sflag:s21] =	ssyncset.done $0x0  }
0x2b: {  	[sflag:s21] =	ssyncadd.s32 $0xFFFFC000  }
0x2c: {  	[spmem:s6] =	stream.linear.scatter [tilespmem:s20], [sflag:$0x3], $0x4000, $0x38;
	[tilespmem:$0x1E800] =	vst v63  }
0x2d: {  	_ =	swait.ge [sflag:s21], $0x4000  }
0x2e: {  	[sflag:s21] =	ssyncset.done $0x0  }
0x2f: {  	[sflag:s21] =	ssyncadd.s32 $0xFFFFC000  }
0x30: {  	[spmem:s7] =	stream.linear.scatter [tilespmem:s20], [sflag:$0x3], $0x4000, $0x38;
	[tilespmem:$0x1E800] =	vst v63  }
0x31: {  	_ =	swait.ge [sflag:s21], $0x4000  }
0x32: {  	[sflag:s21] =	ssyncset.done $0x0  }
0x33: {  	[sflag:s21] =	ssyncadd.s32 $0xFFFFC000  }
0x34: {  	[spmem:s8] =	stream.linear.scatter [tilespmem:s20], [sflag:$0x3], $0x4000, $0x38;
	[tilespmem:$0x1E800] =	vst v63  }
0x35: {  	_ =	swait.ge [sflag:s21], $0x4000  }
0x36: {  	[sflag:s21] =	ssyncset.done $0x0  }
0x37: {  	[sflag:s21] =	ssyncadd.s32 $0xFFFFC000  }
0x38: {  	[spmem:s9] =	stream.linear.scatter [tilespmem:s20], [sflag:$0x3], $0x4000, $0x38;
	[tilespmem:$0x1E800] =	vst v63  }
0x39: {  	_ =	swait.ge [sflag:s21], $0x4000  }
0x3a: {  	[sflag:s21] =	ssyncset.done $0x0  }
0x3b: {  	[sflag:s21] =	ssyncadd.s32 $0xFFFFC000  }
0x3c: {  	s30 =	simm.s32 $0x0;
	[bflag:$0x0] =	sbarrier.arrive $0xFFFF  }
0x3d: {  	[tilespmem:s30], [sflag:$0x3] =	stream.linear.gather [hbm4b:s10+s30], $0x1400, $0x38;
	[tilespmem:$0x1E800] =	vst v63  }
0x3e: {  	_ =	swait.ge [sflag:s21], $0x1400  }
0x3f: {  	[sflag:s21] =	ssyncset.done $0x0  }
0x40: {  	[sflag:s21] =	ssyncadd.s32 $0xFFFFEC00  }
0x41: {  	[tilespmem:s22], [sflag:$0x3] =	stream.linear.gather [hbm4b:s11+s30], $0x1400, $0x38;
	[tilespmem:$0x1E800] =	vst v63  }
0x42: {  	_ =	swait.ge [sflag:s21], $0x1400  }
0x43: {  	[sflag:s21] =	ssyncset.done $0x0  }
0x44: {  	[sflag:s21] =	ssyncadd.s32 $0xFFFFEC00  }
0x45: {  	[tilespmem:s20], [sflag:$0x1] =	stream.indirect.gather [hbm4b:s1+s23], $0x80, s30, s23, $0xb8;
	[tilespmem:$0x1E800] =	vst v63  }
0x46: {  	_ = 	snop  }
0x47: {  	[tilespmem:s24], [sflag:$0x2] =	stream.indirect.gather [hbm4b:s1+s23], $0x80, s23, s23, $0xb8;
	[tilespmem:$0x1E800] =	vst v63  }
0x48: {  	_ =	swait.ge [sflag:s25], $0x4000  }
0x49: {  	[sflag:s25] =	ssyncset.done $0x0  }
0x4a: {  	s30 =	simm.s32 $0x1400;
	[sflag:s25] =	ssyncadd.s32 $0xFFFFC000  }
0x4b: {  	[spmem:s2] =	stream.indirect.scatter.add.f32 [tilespmem:s20], [sflag:$0x3], $0x80, s30, s23, $0xb8;
	[tilespmem:$0x1E800] =	vst v63  }
0x4c: {  	_ =	swait.ge [sflag:s21], $0x4000  }
0x4d: {  	[sflag:s21] =	ssyncset.done $0x0  }
0x4e: {  	s30 =	simm.s32 $0x100;
	[sflag:s21] =	ssyncadd.s32 $0xFFFFC000  }
0x4f: {  	[tilespmem:s20], [sflag:$0x1] =	stream.indirect.gather [hbm4b:s1+s23], $0x80, s30, s23, $0xb8;
	[tilespmem:$0x1E800] =	vst v63  }
0x50: {  	_ =	swait.ge [sflag:s26], $0x4000  }
0x51: {  	[sflag:s26] =	ssyncset.done $0x0  }
0x52: {  	s30 =	simm.s32 $0x1480;
	[sflag:s26] =	ssyncadd.s32 $0xFFFFC000  }
0x53: {  	[spmem:s2] =	stream.indirect.scatter.add.f32 [tilespmem:s24], [sflag:$0x3], $0x80, s30, s23, $0xb8;
	[tilespmem:$0x1E800] =	vst v63  }
0x54: {  	_ =	swait.ge [sflag:s21], $0x4000  }
0x55: {  	[sflag:s21] =	ssyncset.done $0x0  }
0x56: {  	s31 =	simm.s32 $0x180;
	s30 =	simm.s32 $0x400;
	[sflag:s21] =	ssyncadd.s32 $0xFFFFC000  }
.LBB2_4:
0x57: {  	[tilespmem:s24], [sflag:$0x2] =	stream.indirect.gather [hbm4b:s1+s23], $0x80, s31, s23, $0xb8;
	[tilespmem:$0x1E800] =	vst v63  }
0x58: {  	s31 =	smov.u32 s30  }
0x59: {  	p0 =	sne.s32 s30, $0x4800;
	s30 =	sadd.s32 $0x400, s30;
	_ =	swait.ge [sflag:s25], $0x4000  }
0x5a: {  	s31 =	sshra.s32 s31, $0x2;
	[sflag:s25] =	ssyncset.done $0x0  }
0x5b: {  	s0 =	sadd.s32 $0x1400, s31;
	[sflag:s25] =	ssyncadd.s32 $0xFFFFC000  }
0x5c: {  	[spmem:s2] =	stream.indirect.scatter.add.f32 [tilespmem:s20], [sflag:$0x3], $0x80, s0, s23, $0xb8;
	[tilespmem:$0x1E800] =	vst v63  }
0x5d: {  	_ =	swait.ge [sflag:s21], $0x4000  }
0x5e: {  	[sflag:s21] =	ssyncset.done $0x0  }
0x5f: {  	s0 =	sadd.s32 $0x100, s31;
	[sflag:s21] =	ssyncadd.s32 $0xFFFFC000  }
0x60: {  	[tilespmem:s20], [sflag:$0x1] =	stream.indirect.gather [hbm4b:s1+s23], $0x80, s0, s23, $0xb8;
	[tilespmem:$0x1E800] =	vst v63  }
0x61: {  	_ =	swait.ge [sflag:s26], $0x4000  }
0x62: {  	[sflag:s26] =	ssyncset.done $0x0  }
.Ltmp1:
0x63: {  	s0 =	sadd.s32 $0x1480, s31;
	[sflag:s26] =	ssyncadd.s32 $0xFFFFC000;
	(pc) =	sbr.rel @p0 .LBB2_4-.Ltmp1, $4  }
0x64: {  	[spmem:s2] =	stream.indirect.scatter.add.f32 [tilespmem:s24], [sflag:$0x3], $0x80, s0, s23, $0xb8;
	[tilespmem:$0x1E800] =	vst v63  }
0x65: {  	_ =	swait.ge [sflag:s21], $0x4000  }
0x66: {  	[sflag:s21] =	ssyncset.done $0x0  }
0x67: {  	s31 =	sadd.s32 $0x180, s31;
	[sflag:s21] =	ssyncadd.s32 $0xFFFFC000  }
0x68: {  	[tilespmem:s24], [sflag:$0x2] =	stream.indirect.gather [hbm4b:s1+s23], $0x80, s31, s23, $0xb8;
	[tilespmem:$0x1E800] =	vst v63  }
0x69: {  	_ =	swait.ge [sflag:s25], $0x4000  }
0x6a: {  	[sflag:s25] =	ssyncset.done $0x0  }
0x6b: {  	[sflag:s25] =	ssyncadd.s32 $0xFFFFC000  }
0x6c: {  	[spmem:s2] =	stream.indirect.scatter.add.f32 [tilespmem:s20], [sflag:$0x3], $0x80, s28, s23, $0xb8;
	[tilespmem:$0x1E800] =	vst v63  }
0x6d: {  	_ =	swait.ge [sflag:s21], $0x4000  }
0x6e: {  	[sflag:s21] =	ssyncset.done $0x0  }
0x6f: {  	[sflag:s21] =	ssyncadd.s32 $0xFFFFC000  }
0x70: {  	_ =	swait.ge [sflag:s26], $0x4000  }
0x71: {  	[sflag:s26] =	ssyncset.done $0x0  }
0x72: {  	[sflag:s26] =	ssyncadd.s32 $0xFFFFC000  }
0x73: {  	[spmem:s2] =	stream.indirect.scatter.add.f32 [tilespmem:s24], [sflag:$0x3], $0x80, s29, s23, $0xb8;
	[tilespmem:$0x1E800] =	vst v63  }
0x74: {  	_ =	swait.ge [sflag:s21], $0x4000  }
0x75: {  	[sflag:s21] =	ssyncset.done $0x0  }
0x76: {  	s0 =	simm.s32 $0x0;
	[sflag:s21] =	ssyncadd.s32 $0xFFFFC000  }
0x77: {  	[tilespmem:s0], [sflag:$0x3] =	stream.linear.gather [hbm4b:s12+s0], $0x1400, $0x38;
	[tilespmem:$0x1E800] =	vst v63  }
0x78: {  	_ =	swait.ge [sflag:s21], $0x1400  }
0x79: {  	[sflag:s21] =	ssyncset.done $0x0  }
0x7a: {  	[sflag:s21] =	ssyncadd.s32 $0xFFFFEC00  }
0x7b: {  	[tilespmem:s22], [sflag:$0x3] =	stream.linear.gather [hbm4b:s13+s0], $0x1400, $0x38;
	[tilespmem:$0x1E800] =	vst v63  }
0x7c: {  	_ =	swait.ge [sflag:s21], $0x1400  }
0x7d: {  	[sflag:s21] =	ssyncset.done $0x0  }
0x7e: {  	[sflag:s21] =	ssyncadd.s32 $0xFFFFEC00  }
0x7f: {  	[tilespmem:s20], [sflag:$0x1] =	stream.indirect.gather [hbm4b:s1+s23], $0x80, s0, s23, $0xb8;
	[tilespmem:$0x1E800] =	vst v63  }
0x80: {  	_ = 	snop  }
0x81: {  	[tilespmem:s24], [sflag:$0x2] =	stream.indirect.gather [hbm4b:s1+s23], $0x80, s23, s23, $0xb8;
	[tilespmem:$0x1E800] =	vst v63  }
0x82: {  	_ =	swait.ge [sflag:s25], $0x4000  }
0x83: {  	[sflag:s25] =	ssyncset.done $0x0  }
0x84: {  	s0 =	simm.s32 $0x1400;
	[sflag:s25] =	ssyncadd.s32 $0xFFFFC000  }
0x85: {  	[spmem:s2] =	stream.indirect.scatter.add.f32 [tilespmem:s20], [sflag:$0x3], $0x80, s0, s23, $0xb8;
	[tilespmem:$0x1E800] =	vst v63  }
0x86: {  	_ =	swait.ge [sflag:s21], $0x4000  }
0x87: {  	[sflag:s21] =	ssyncset.done $0x0  }
0x88: {  	s0 =	simm.s32 $0x100;
	[sflag:s21] =	ssyncadd.s32 $0xFFFFC000  }
0x89: {  	[tilespmem:s20], [sflag:$0x1] =	stream.indirect.gather [hbm4b:s1+s23], $0x80, s0, s23, $0xb8;
	[tilespmem:$0x1E800] =	vst v63  }
0x8a: {  	_ =	swait.ge [sflag:s26], $0x4000  }
0x8b: {  	[sflag:s26] =	ssyncset.done $0x0  }
0x8c: {  	s0 =	simm.s32 $0x1480;
	[sflag:s26] =	ssyncadd.s32 $0xFFFFC000  }
0x8d: {  	[spmem:s2] =	stream.indirect.scatter.add.f32 [tilespmem:s24], [sflag:$0x3], $0x80, s0, s23, $0xb8;
	[tilespmem:$0x1E800] =	vst v63  }
0x8e: {  	_ =	swait.ge [sflag:s21], $0x4000  }
0x8f: {  	[sflag:s21] =	ssyncset.done $0x0  }
0x90: {  	s30 =	simm.s32 $0x400;
	s31 =	simm.s32 $0x180;
	[sflag:s21] =	ssyncadd.s32 $0xFFFFC000  }
.LBB2_6:
0x91: {  	[tilespmem:s24], [sflag:$0x2] =	stream.indirect.gather [hbm4b:s1+s23], $0x80, s31, s23, $0xb8;
	[tilespmem:$0x1E800] =	vst v63  }
0x92: {  	s0 =	smov.u32 s30  }
0x93: {  	p0 =	sne.s32 s30, $0x4800;
	s30 =	sadd.s32 $0x400, s30;
	_ =	swait.ge [sflag:s25], $0x4000  }
0x94: {  	s0 =	sshra.s32 s0, $0x2;
	[sflag:s25] =	ssyncset.done $0x0  }
0x95: {  	s31 =	sadd.s32 $0x1400, s0;
	[sflag:s25] =	ssyncadd.s32 $0xFFFFC000  }
0x96: {  	[spmem:s2] =	stream.indirect.scatter.add.f32 [tilespmem:s20], [sflag:$0x3], $0x80, s31, s23, $0xb8;
	[tilespmem:$0x1E800] =	vst v63  }
0x97: {  	_ =	swait.ge [sflag:s21], $0x4000  }
0x98: {  	[sflag:s21] =	ssyncset.done $0x0  }
0x99: {  	s31 =	sadd.s32 $0x100, s0;
	[sflag:s21] =	ssyncadd.s32 $0xFFFFC000  }
0x9a: {  	[tilespmem:s20], [sflag:$0x1] =	stream.indirect.gather [hbm4b:s1+s23], $0x80, s31, s23, $0xb8;
	[tilespmem:$0x1E800] =	vst v63  }
0x9b: {  	_ =	swait.ge [sflag:s26], $0x4000  }
0x9c: {  	[sflag:s26] =	ssyncset.done $0x0  }
.Ltmp2:
0x9d: {  	s31 =	sadd.s32 $0x1480, s0;
	[sflag:s26] =	ssyncadd.s32 $0xFFFFC000;
	(pc) =	sbr.rel @p0 .LBB2_6-.Ltmp2, $4  }
0x9e: {  	[spmem:s2] =	stream.indirect.scatter.add.f32 [tilespmem:s24], [sflag:$0x3], $0x80, s31, s23, $0xb8;
	[tilespmem:$0x1E800] =	vst v63  }
0x9f: {  	_ =	swait.ge [sflag:s21], $0x4000  }
0xa0: {  	[sflag:s21] =	ssyncset.done $0x0  }
0xa1: {  	s31 =	sadd.s32 $0x180, s0;
	[sflag:s21] =	ssyncadd.s32 $0xFFFFC000  }
0xa2: {  	[tilespmem:s24], [sflag:$0x2] =	stream.indirect.gather [hbm4b:s1+s23], $0x80, s31, s23, $0xb8;
	[tilespmem:$0x1E800] =	vst v63  }
0xa3: {  	_ =	swait.ge [sflag:s25], $0x4000  }
0xa4: {  	[sflag:s25] =	ssyncset.done $0x0  }
0xa5: {  	[sflag:s25] =	ssyncadd.s32 $0xFFFFC000  }
0xa6: {  	[spmem:s2] =	stream.indirect.scatter.add.f32 [tilespmem:s20], [sflag:$0x3], $0x80, s28, s23, $0xb8;
	[tilespmem:$0x1E800] =	vst v63  }
0xa7: {  	_ =	swait.ge [sflag:s21], $0x4000  }
0xa8: {  	[sflag:s21] =	ssyncset.done $0x0  }
0xa9: {  	[sflag:s21] =	ssyncadd.s32 $0xFFFFC000  }
0xaa: {  	_ =	swait.ge [sflag:s26], $0x4000  }
0xab: {  	[sflag:s26] =	ssyncset.done $0x0  }
0xac: {  	[sflag:s26] =	ssyncadd.s32 $0xFFFFC000  }
0xad: {  	[spmem:s2] =	stream.indirect.scatter.add.f32 [tilespmem:s24], [sflag:$0x3], $0x80, s29, s23, $0xb8;
	[tilespmem:$0x1E800] =	vst v63  }
0xae: {  	_ =	swait.ge [sflag:s21], $0x4000  }
0xaf: {  	[sflag:s21] =	ssyncset.done $0x0  }
0xb0: {  	s0 =	sshll.u32 s3, $0x6;
	[sflag:s21] =	ssyncadd.s32 $0xFFFFC000  }
0xb1: {  	s30 =	sshrl.u32 s5, $0x3;
	s0 =	sor.u32 $0x1C03, s0;
	[bflag:$0x0] =	sbarrier.arrive $0xFFFF  }
0xb2: {  	[hbm:s14], [sflag:s0] =	dma.local [spmem:s30], $0x800  }
0xb3: {  	_ =	swait.ge [sflag:s21], $0x800  }
0xb4: {  	[sflag:s21] =	ssyncset.done $0x0  }
0xb5: {  	s31 =	sshrl.u32 s6, $0x3;
	[sflag:s21] =	ssyncadd.s32 $0xFFFFF800  }
0xb6: {  	[hbm:s15], [sflag:s0] =	dma.local [spmem:s31], $0x800  }
0xb7: {  	_ =	swait.ge [sflag:s21], $0x800  }
0xb8: {  	[sflag:s21] =	ssyncset.done $0x0  }
0xb9: {  	s31 =	sshrl.u32 s7, $0x3;
	[sflag:s21] =	ssyncadd.s32 $0xFFFFF800  }
0xba: {  	[hbm:s16], [sflag:s0] =	dma.local [spmem:s31], $0x800  }
0xbb: {  	_ =	swait.ge [sflag:s21], $0x800  }
0xbc: {  	[sflag:s21] =	ssyncset.done $0x0  }
0xbd: {  	s31 =	sshrl.u32 s8, $0x3;
	[sflag:s21] =	ssyncadd.s32 $0xFFFFF800  }
0xbe: {  	[hbm:s17], [sflag:s0] =	dma.local [spmem:s31], $0x800  }
0xbf: {  	s4 =	sadd.s32 $0x1, s4;
	_ =	swait.ge [sflag:s21], $0x800  }
0xc0: {  	p0 =	sne.s32 s4, s19;
	[sflag:s21] =	ssyncset.done $0x0  }
.Ltmp3:
0xc1: {  	s31 =	sshrl.u32 s9, $0x3;
	[sflag:s21] =	ssyncadd.s32 $0xFFFFF800;
	(pc) =	sbr.rel @p0 .LBB2_1-.Ltmp3, $4  }
0xc2: {  	[hbm:s18], [sflag:s0] =	dma.local [spmem:s31], $0x800  }
0xc3: {  	_ =	swait.ge [sflag:s21], $0x800  }
0xc4: {  	[sflag:s21] =	ssyncset.done $0x0  }
0xc5: {  	[sflag:s21] =	ssyncadd.s32 $0xFFFFF800  }
0xc6: {  	_ =	sfence.sel $0x180000  }
0xc7: {  	[bflag:$0x0] =	sbarrier.arrive $0xFFFF  }
0xc8: {  	_ =	strace $0x9000004D  }
0xc9: {  	[bflag:$0x2] =	sbarrier.arrive $0xFFFF  }
0xca: {  	p0 =	sne.s32 s3, $0x0;
	s0 =	rddreg [dreg:$0x3]  }
0xcb: {  	s0 =	sadd.s32 @!p0 $0x100000, s0  }
0xcc: {  	[sflag:s0] =	ssyncadd.tile.s32 @!p0 $0x1;
	_ =	shalt  }
.Lfunc_end2:
_tile_overlayer_lowered:
.L_overlay_start_2:
0xcd: {  	(tag) =	ssettag $0x2  }
0xce: {  	s0 =	rddreg [dreg:$0x0];
	s2 =	stileid.u32  }
0xcf: {  	s1 =	rddreg [dreg:$0x1];
	p0 =	sne.s32 s2, $0x0  }
0xd0: {  	s3 =	rddreg [dreg:$0x2];
	[bflag:$0x3] =	sbarrier.arrive $0xFFFF;
	s2 =	simm.s32 @!p0 $0x1C03  }
0xd1: {  	[timem:s3], [sflag:s2] =	dma.local @!p0 [hbm:s0], s1  }
0xd2: {  	s0 =	simm.s32 @!p0 $0x3  }
0xd3: {  	_ =	swait.ge @!p0 [sflag:s0], s1  }
0xd4: {  	s1 =	ssub.s32 @!p0 $0x0, s1;
	[sflag:s0] =	ssyncset.done @!p0 $0x0  }
0xd5: {  	[sflag:s0] =	ssyncadd.s32 @!p0 s1  }
0xd6: {  	[bflag:$0x3] =	sbarrier.arrive $0xFFFF  }
0xd7: {  	_ =	shalt  }

// kernel: kernel.8.cloned.1.call-start
scs
__scs_entry_jumppad:
0x0: {  	(pc) =	sbr.rel $0x88, $3  }
0x1: {  	(tag) =	ssettag $0x0;
	lr =	simm.s32 $0x1  }
0x2: {  	[smem:$0x3F96] =	sst lr;
	_ =	strace $0xD0000000  }
0x3: {  	_ = 	snop  }
0x4: {  	_ = 	snop  }
0x5: {  	_ = 	snop  }
0x6: {  	_ = 	snop  }
0x7: {  	_ = 	snop  }
__scs_overlays_trampoline_lowered:
0x8: {  	[smem:$0x3FA5] =	sst s0  }
0x9: {  	[smem:$0x3FA6] =	sst s1  }
0xa: {  	[smem:$0x3FA7] =	sst s2  }
0xb: {  	[smem:$0x3FA8] =	sst s3  }
0xc: {  	[smem:$0x3FA9] =	sst s4  }
0xd: {  	[smem:$0x3FAA] =	sst s5  }
0xe: {  	[smem:$0x3FAB] =	sst s6  }
0xf: {  	[smem:$0x3FAC] =	sst s7  }
0x10: {  	[smem:$0x3FAD] =	sst s8  }
0x11: {  	[smem:$0x3FAE] =	sst s9;
	s0 =	simm.s32 @!p0 $0x0  }
0x12: {  	s1 =	sld [smem:$0x3F94];
	s0 =	simm.s32 @p0 $0x1  }
0x13: {  	[smem:$0x3FAF] =	sst s0;
	s0 =	simm.s32 @!p1 $0x0  }
0x14: {  	s2 =	sld [smem:$0x3F93];
	s0 =	simm.s32 @p1 $0x1  }
0x15: {  	[smem:$0x3FB0] =	sst s0;
	s0 =	simm.s32 @!p2 $0x0  }
0x16: {  	s3 =	sld [smem:$0x3FDB];
	s0 =	simm.s32 @p2 $0x1  }
0x17: {  	s4 =	simm.s32 $0x1BF5;
	[smem:$0x3FB2] =	sst s0  }
0x18: {  	s0 =	sld [smem:$0x3F95];
	_ =	swait.ge [sflag:s4], $0x0  }
0x19: {  	s7 =	sld [smem:$0x3F96]  }
0x1a: {  	s8 =	sadd.s32 $0xFFFFE003, lr  }
0x1b: {  	s9 =	sadd.s32 $0xFFFFFEF7, lr;
	s5 =	simm.s32 $0xFFFFFFFF;
	p2 =	slt.u32 s8, $0xFFFFF086  }
0x1c: {  	p1 =	slt.u32 s9, $0xF7A;
	s5 =	simm.s32 @!p2 $0x0  }
0x1d: {  	s5 =	simm.s32 @p1 $0x1;
	p0 =	seq.s32 s7, s2  }
0x1e: {  	s7 =	smul.u32 @!p0 $0xF7A, s2;
	p2 =	seq.s32 @!p0 s5, $0x0  }
0x1f: {  	s9 =	smul.u32 $0xF7A, s1;
	s8 =	simm.s32 @!p0 $0x1BF5;
	p2 =	por !p2, p0  }
0x20: {  	[sflag:s8] =	ssyncset.s32 @!p0 $0xFFFFF086;
	s6 =	sadd.s32 @!p0 s3, s7;
	s7 =	simm.s32 @!p0 $0x108  }
0x21: {  	s3 =	sadd.s32 s3, s9;
	s6 =	sadd.s32 @!p0 $0x88, s6;
	s7 =	simm.s32 @p2 $0x1082  }
0x22: {  	[simem:s7], [sflag:s8] =	dma.local @!p0 [hbm:s6], $0xF7A  }
0x23: {  	s9 =	sor.u32 $0xD0000000, s2;
	s6 =	simm.s32 $0x108;
	_ =	swait.ge @!p0 [sflag:s8], $0x0  }
0x24: {  	s3 =	sadd.s32 $0x88, s3;
	s6 =	simm.s32 @!p1 $0x1082;
	[sflag:s4] =	ssyncset.s32 $0xFFFFF086  }
0x25: {  	[simem:s6], [sflag:s4] =	dma.local [hbm:s3], $0xF7A  }
0x26: {  	[smem:$0x3F96] =	sst s1;
	(tag) =	ssettag s2;
	_ =	strace s9  }
0x27: {  	s1 =	sld [smem:$0x3FA6]  }
0x28: {  	s2 =	sld [smem:$0x3FA7]  }
0x29: {  	s4 =	sld [smem:$0x3FA9]  }
0x2a: {  	p0 =	seq.s32 s5, $0x0;
	s5 =	sld [smem:$0x3FAA]  }
0x2b: {  	s6 =	sld [smem:$0x3FAB]  }
0x2c: {  	s7 =	sld [smem:$0x3FAC]  }
0x2d: {  	s3 =	simm.s32 $0x108;
	s8 =	sld [smem:$0x3FAD]  }
0x2e: {  	s3 =	simm.s32 @!p0 $0x1082;
	s9 =	sld [smem:$0x3FAE]  }
0x2f: {  	lr =	sadd.s32 s0, s3;
	s0 =	sld [smem:$0x3FA5]  }
0x30: {  	s3 =	sld [smem:$0x3FA8]  }
0x31: {  	[smem:$0x3FB1] =	sst s10  }
0x32: {  	s10 =	sld [smem:$0x3FAF];
	_ =	sdelay $0x3  }
0x33: {  	p0 =	seq.s32 s10, $0x1;
	s10 =	sld [smem:$0x3FB1];
	_ =	sdelay $0x3  }
0x34: {  	[smem:$0x3FB1] =	sst s10  }
0x35: {  	s10 =	sld [smem:$0x3FB0];
	_ =	sdelay $0x3  }
0x36: {  	p1 =	seq.s32 s10, $0x1;
	s10 =	sld [smem:$0x3FB1];
	_ =	sdelay $0x3  }
0x37: {  	[smem:$0x3FB1] =	sst s10  }
0x38: {  	s10 =	sld [smem:$0x3FB2]  }
0x39: {  	_ = 	snop;
	(pc) =	sbr.ind lr, $3  }
0x3a: {  	_ = 	snop  }
0x3b: {  	_ = 	snop  }
0x3c: {  	p2 =	seq.s32 s10, $0x1;
	s10 =	sld [smem:$0x3FB1]  }
0x3d: {  	_ =	shalt  }
0x3e: {  	_ =	shalt  }
0x3f: {  	_ =	shalt  }
0x40: {  	_ =	shalt  }
0x41: {  	_ =	shalt  }
0x42: {  	_ =	shalt  }
0x43: {  	_ =	shalt  }
0x44: {  	_ =	shalt  }
0x45: {  	_ =	shalt  }
0x46: {  	_ =	shalt  }
0x47: {  	_ =	shalt  }
0x48: {  	_ =	shalt  }
0x49: {  	_ =	shalt  }
0x4a: {  	_ =	shalt  }
0x4b: {  	_ =	shalt  }
0x4c: {  	_ =	shalt  }
0x4d: {  	_ =	shalt  }
0x4e: {  	_ =	shalt  }
0x4f: {  	_ =	shalt  }
0x50: {  	_ =	shalt  }
0x51: {  	_ =	shalt  }
0x52: {  	_ =	shalt  }
0x53: {  	_ =	shalt  }
0x54: {  	_ =	shalt  }
0x55: {  	_ =	shalt  }
0x56: {  	_ =	shalt  }
0x57: {  	_ =	shalt  }
0x58: {  	_ =	shalt  }
0x59: {  	_ =	shalt  }
0x5a: {  	_ =	shalt  }
0x5b: {  	_ =	shalt  }
0x5c: {  	_ =	shalt  }
0x5d: {  	_ =	shalt  }
0x5e: {  	_ =	shalt  }
0x5f: {  	_ =	shalt  }
0x60: {  	_ =	shalt  }
0x61: {  	_ =	shalt  }
0x62: {  	_ =	shalt  }
0x63: {  	_ =	shalt  }
0x64: {  	_ =	shalt  }
0x65: {  	_ =	shalt  }
0x66: {  	_ =	shalt  }
0x67: {  	_ =	shalt  }
0x68: {  	_ =	shalt  }
0x69: {  	_ =	shalt  }
0x6a: {  	_ =	shalt  }
0x6b: {  	_ =	shalt  }
0x6c: {  	_ =	shalt  }
0x6d: {  	_ =	shalt  }
0x6e: {  	_ =	shalt  }
0x6f: {  	_ =	shalt  }
0x70: {  	_ =	shalt  }
0x71: {  	_ =	shalt  }
0x72: {  	_ =	shalt  }
0x73: {  	_ =	shalt  }
0x74: {  	_ =	shalt  }
0x75: {  	_ =	shalt  }
0x76: {  	_ =	shalt  }
0x77: {  	_ =	shalt  }
0x78: {  	_ =	shalt  }
0x79: {  	_ =	shalt  }
0x7a: {  	_ =	shalt  }
0x7b: {  	_ =	shalt  }
0x7c: {  	_ =	shalt  }
0x7d: {  	_ =	shalt  }
0x7e: {  	_ =	shalt  }
0x7f: {  	_ =	shalt  }
0x80: {  	_ =	shalt  }
0x81: {  	_ =	shalt  }
0x82: {  	_ =	shalt  }
0x83: {  	_ =	shalt  }
0x84: {  	_ =	shalt  }
0x85: {  	_ =	shalt  }
0x86: {  	_ =	shalt  }
0x87: {  	_ =	shalt  }
.Lfunc_end0:
.L_simem_size_0:
called_computation_lowered:
.L_overlay_start_0:
0x88: {  	s2 =	sld [smem:$0x3FD9]  }
0x89: {  	s3 =	sld [smem:$0x3FFE];
	_ =	sdelay $0x1  }
0x8a: {  	s1 =	srdreg.scid  }
0x8b: {  	s0 =	sand.u32 $0x1, s1  }
0x8c: {  	s17 =	sshll.u32 s0, $0xA;
	s2 =	sadd.s32 s3, s2  }
0x8d: {  	s2 =	sadd.s32 s2, s17  }
0x8e: {  	[smem:$0x3FBD] =	sst s2  }
0x8f: {  	_ = 	snop  }
0x90: {  	s2 =	sld [smem:$0x3FD0];
	(tm) =	ssettm $0x1  }
0x91: {  	s18 =	sld [smem:$0x3FFB];
	_ =	sdelay $0x3  }
0x92: {  	_ =	strace s18  }
0x93: {  	s3 =	sld [smem:$0x3FFC];
	_ =	sdelay $0x3  }
0x94: {  	_ =	strace s3  }
0x95: {  	s3 =	sld [smem:$0x3FFD];
	_ =	sdelay $0x3  }
0x96: {  	_ =	strace s3  }
0x97: {  	_ =	strace $0x8FFFFFFF  }
0x98: {  	s19 =	sld [smem:$0x3FDB];
	_ =	sdelay $0x1  }
0x99: {  	s4 =	simm.s32 $_scs_section_size  }
0x9a: {  	s5 =	simm.s32 $_size__tile_overlayer_lowered;
	s6 =	simm.s32 $_tile_overlayer_lowered  }
0x9b: {  	s22 =	simm.s32 $0x1BFF;
	s21 =	sshll.u32 s6, $0x1;
	s3 =	sadd.s32 s4, s19  }
0x9c: {  	s7 =	simm.s32 $0x0;
	s20 =	sshll.u32 s5, $0x1;
	s5 =	sadd.s32 s21, s3  }
0x9d: {  	[timem:s7], [sflag:s22] =	dma.local [hbm:s5], s20  }
0x9e: {  	_ =	swait.ge [sflag:s22], s20  }
0x9f: {  	s4 =	ssub.s32 $0x0, s20;
	[sflag:s22] =	ssyncset.done $0x0  }
0xa0: {  	[sflag:s22] =	ssyncadd.s32 s4;
	_ =	sdelay $0x1  }
0xa1: {  	s23 =	simm.s32 $0x1B8B  }
0xa2: {  	_ =	swait.ge [sflag:s23], $0x1  }
0xa3: {  	[sflag:s23] =	ssyncset.done $0x0  }
0xa4: {  	s25 =	simm.s32 $0x1B8E;
	s24 =	sld [smem:$0x3FFE];
	[sflag:s23] =	ssyncadd.s32 $0xFFFFFFFF  }
0xa5: {  	s26 =	simm.s32 $execute0_lowered;
	[smem:$0x3FD2] =	sst s25  }
0xa6: {  	s5 =	sshll.u32 s26, $0x1;
	_ =	strace $0x80000046;
	[dreg:$0x1] =	wrdreg $0xFFFFFFFF  }
0xa7: {  	s28 =	simm.s32 $_size_execute0_lowered;
	s3 =	sadd.s32 s3, s5;
	[dreg:$0x0] =	wrdreg $0x0  }
0xa8: {  	s5 =	sshll.u32 s28, $0x1;
	[dreg:$0x2] =	wrdreg s3  }
0xa9: {  	[dreg:$0x3] =	wrdreg s5  }
0xaa: {  	[dreg:$0x4] =	wrdreg $0xC0  }
0xab: {  	_ =	task [dreg:s7], $0x5FFFF  }
0xac: {  	[dreg:$0x1] =	wrdreg $0xFFFFFFFF  }
0xad: {  	[dreg:$0x0] =	wrdreg $0x60  }
0xae: {  	[dreg:$0x2] =	wrdreg s24  }
0xaf: {  	[dreg:$0x3] =	wrdreg s2  }
0xb0: {  	[dreg:$0x4] =	wrdreg $0x29000  }
0xb1: {  	[dreg:$0x5] =	wrdreg $0x9  }
0xb2: {  	_ =	task.clear_ibuf [dreg:s7], $0x6FFFF;
	_ =	strace $0x90000046  }
0xb3: {  	s29 =	simm.s32 $0x9;
	_ =	strace $0x80000048  }
0xb4: {  	_ =	swait.ge [sflag:s29], $0x1  }
0xb5: {  	[sflag:s29] =	ssyncadd.s32 $0xFFFFFFFF  }
0xb6: {  	_ =	strace $0x90000048  }
0xb7: {  	_ =	sfence  }
0xb8: {  	s30 =	sld [smem:$0x0];
	_ =	sdelay $0x2  }
0xb9: {  	s31 =	sshll.u32 s1, $0xD;
	s1 =	sshrl.u32 s1, $0x2  }
0xba: {  	s3 =	sand.u32 $0x4000, s31;
	s1 =	sadd.s32 s1, s30  }
0xbb: {  	s0 =	sor.u32 s3, s0;
	s1 =	sshll.u32 s1, $0x11  }
0xbc: {  	s0 =	sor.u32 s1, s0  }
0xbd: {  	s0 =	sadd.s32 $0x8F2B, s0  }
0xbe: {  	[sflag:s0] =	ssyncadd.remote.s32 $0x1  }
0xbf: {  	_ =	sfence.sel $0xFFFF  }
0xc0: {  	[dreg:$0x0] =	wrdreg $0xFFFFFFFF;
	(pc) =	sbr.abs _section_cstart, $3  }
0xc1: {  	[dreg:$0x1] =	wrdreg $0xFFFFFFFF  }
0xc2: {  	_ =	task.clear_ibuf [dreg:s7], $0x2FFFF;
	_ =	strace $0x9FFFFFFF  }
0xc3: {  	(tm) =	ssettm $0x7FFFFFFF  }
tec
execute0_lowered:
.L_overlay_start_1:
0x0: {  	(tag) =	ssettag $0x1  }
0x1: {  	s4 =	rddreg [dreg:$0x0]  }
0x2: {  	s0 =	srdreg.scid;
	s14 =	rddreg [dreg:$0x1]  }
0x3: {  	s2 =	rddreg [dreg:$0x2];
	s1 =	stileid.u32;
	s19 =	simm.s32 $0x2800  }
0x4: {  	s21 =	simm.s32 $0x0;
	s8 =	sand.u32 $0x1, s0;
	s9 =	smul.u32 $0x280, s1  }
0x5: {  	s0 =	rddreg [dreg:$0x3];
	s11 =	smul.u32 $0x500, s1;
	s20 =	sshll.u32 s1, $0x6  }
0x6: {  	s3 =	sshll.u32 s8, $0x4;
	s6 =	ssub.s32 $0x2, s8;
	s16 =	sshll.u32 s8, $0x7  }
0x7: {  	s20 =	sor.u32 $0x1C01, s20;
	s5 =	sor.u32 s1, s3;
	s3 =	simm.s32 $0x0  }
0x8: {  	s7 =	sshrl.u32 s6, $0x1;
	s10 =	sadd.s32 $0x80, s9;
	s12 =	sadd.s32 $0x100, s9  }
0x9: {  	s13 =	sadd.s32 $0x180, s9;
	s11 =	sor.u32 s16, s11;
	s17 =	sadd.s32 $0x200, s9  }
0xa: {  	s5 =	smul.u32 $0x500, s5;
	[smem:$0x7FF] =	sst s3;
	s15 =	ssub.s32 s6, s7  }
0xb: {  	s6 =	sadd.s32 s10, s2;
	s7 =	sadd.s32 s12, s2;
	s8 =	sadd.s32 s13, s2  }
0xc: {  	s10 =	sshll.u32 s10, $0x1;
	s11 =	sshrl.u32 s11, $0x3;
	s12 =	sshll.u32 s12, $0x1  }
0xd: {  	s13 =	sshll.u32 s13, $0x1;
	_ =	strace $0x80000047;
	s18 =	sor.u32 s16, s10  }
0xe: {  	s10 =	sadd.s32 s14, s11;
	s12 =	sor.u32 s16, s12;
	s13 =	sor.u32 s16, s13  }
0xf: {  	s15 =	smax.u32 s15, $0x1;
	s4 =	sadd.s32 s5, s4;
	s5 =	sadd.s32 s9, s2  }
0x10: {  	s9 =	sadd.s32 s17, s2;
	s31 =	sshrl.u32 s18, $0x3;
	s17 =	sshll.u32 s17, $0x1  }
0x11: {  	s12 =	sshrl.u32 s12, $0x3;
	s13 =	sshrl.u32 s13, $0x3;
	s18 =	simm.s32 $0x80  }
0x12: {  	s4 =	sadd.s32 $0x4000, s4;
	s11 =	sadd.s32 s14, s31;
	s16 =	sor.u32 s16, s17  }
0x13: {  	s12 =	sadd.s32 s14, s12;
	s13 =	sadd.s32 s14, s13;
	s16 =	sshrl.u32 s16, $0x3  }
0x14: {  	v0 =	vimm.f32 $1.000000000e+00;
	v1 =	vimm.f32 $0.0e+00;
	s17 =	simm.s32 $0x2880;
	s14 =	sadd.s32 s14, s16;
	s16 =	simm.s32 $0x1  }
.LBB2_1:
0x15: {  	[tilespmem:s3], [sflag:$0x1] =	stream.linear.gather [hbm4b:s4+s3], $0x2800, $0x38;
	[tilespmem:$0x2B80] =	vst v63  }
0x16: {  	_ =	swait.ge [sflag:s16], $0x2800  }
0x17: {  	[sflag:s16] =	ssyncset.done $0x0  }
0x18: {  	[sflag:s16] =	ssyncadd.s32 $0xFFFFD800  }
0x19: {  	[tilespmem:$0x2800] =	vst v0  }
0x1a: {  	[tilespmem:$0x2880] =	vst v1  }
0x1b: {  	[tilespmem:$0x2810] =	vst v0  }
0x1c: {  	[tilespmem:$0x2890] =	vst v1  }
0x1d: {  	[tilespmem:$0x2820] =	vst v0  }
0x1e: {  	[tilespmem:$0x28A0] =	vst v1  }
0x1f: {  	[tilespmem:$0x2830] =	vst v0  }
0x20: {  	[tilespmem:$0x28B0] =	vst v1  }
0x21: {  	[tilespmem:$0x2840] =	vst v0  }
0x22: {  	[tilespmem:$0x28C0] =	vst v1  }
0x23: {  	[tilespmem:$0x2850] =	vst v0  }
0x24: {  	[tilespmem:$0x28D0] =	vst v1  }
0x25: {  	[tilespmem:$0x2860] =	vst v0  }
0x26: {  	[tilespmem:$0x28E0] =	vst v1  }
0x27: {  	[tilespmem:$0x2870] =	vst v0  }
0x28: {  	[tilespmem:$0x28F0] =	vst v1  }
0x29: {  	[spmem:s5] =	stream.linear.scatter [tilespmem:s17], [sflag:$0x1], $0x80, $0x38;
	[tilespmem:$0x2B80] =	vst v63  }
0x2a: {  	_ =	swait.ge [sflag:s16], $0x80  }
0x2b: {  	[sflag:s16] =	ssyncset.done $0x0  }
0x2c: {  	[sflag:s16] =	ssyncadd.s32 $0xFFFFFF80  }
0x2d: {  	[spmem:s6] =	stream.linear.scatter [tilespmem:s17], [sflag:$0x1], $0x80, $0x38;
	[tilespmem:$0x2B80] =	vst v63  }
0x2e: {  	_ =	swait.ge [sflag:s16], $0x80  }
0x2f: {  	[sflag:s16] =	ssyncset.done $0x0  }
0x30: {  	[sflag:s16] =	ssyncadd.s32 $0xFFFFFF80  }
0x31: {  	[spmem:s7] =	stream.linear.scatter [tilespmem:s17], [sflag:$0x1], $0x80, $0x38;
	[tilespmem:$0x2B80] =	vst v63  }
0x32: {  	_ =	swait.ge [sflag:s16], $0x80  }
0x33: {  	[sflag:s16] =	ssyncset.done $0x0  }
0x34: {  	[sflag:s16] =	ssyncadd.s32 $0xFFFFFF80  }
0x35: {  	[spmem:s8] =	stream.linear.scatter [tilespmem:s17], [sflag:$0x1], $0x80, $0x38;
	[tilespmem:$0x2B80] =	vst v63  }
0x36: {  	_ =	swait.ge [sflag:s16], $0x80  }
0x37: {  	[sflag:s16] =	ssyncset.done $0x0  }
0x38: {  	[sflag:s16] =	ssyncadd.s32 $0xFFFFFF80  }
0x39: {  	[spmem:s9] =	stream.linear.scatter [tilespmem:s17], [sflag:$0x1], $0x80, $0x38;
	[tilespmem:$0x2B80] =	vst v63  }
0x3a: {  	_ =	swait.ge [sflag:s16], $0x80  }
0x3b: {  	[sflag:s16] =	ssyncset.done $0x0  }
0x3c: {  	[sflag:s16] =	ssyncadd.s32 $0xFFFFFF80  }
0x3d: {  	s22 =	simm.s32 $0x0;
	[bflag:$0x0] =	sbarrier.arrive $0xFFFF  }
0x3e: {  	[spmem:s2] =	stream.indirect.scatter.add.f32 [tilespmem:s19], [sflag:$0x1], $0x1, s22, s18, $0xb8;
	[tilespmem:$0x2B80] =	vst v63  }
0x3f: {  	_ =	swait.ge [sflag:s16], $0x80  }
0x40: {  	s22 =	simm.s32 $0x200;
	[sflag:s16] =	ssyncset.done $0x0  }
.LBB2_2:
0x41: {  	s23 =	sshra.s32 s22, $0x2;
	[sflag:s16] =	ssyncadd.s32 $0xFFFFFF80;
	p0 =	sne.s32 s22, $0x9E00  }
0x42: {  	[spmem:s2] =	stream.indirect.scatter.add.f32 [tilespmem:s19], [sflag:$0x1], $0x1, s23, s18, $0xb8;
	[tilespmem:$0x2B80] =	vst v63  }
.Ltmp0:
0x43: {  	_ = 	snop;
	(pc) =	sbr.rel @p0 .LBB2_2-.Ltmp0, $4  }
0x44: {  	_ = 	snop  }
0x45: {  	s22 =	sadd.s32 $0x200, s22  }
0x46: {  	_ =	swait.ge [sflag:s16], $0x80  }
0x47: {  	[sflag:s16] =	ssyncset.done $0x0  }
0x48: {  	[sflag:s16] =	ssyncadd.s32 $0xFFFFFF80  }
0x49: {  	s22 =	sshrl.u32 s5, $0x3;
	[bflag:$0x0] =	sbarrier.arrive $0xFFFF  }
0x4a: {  	[hbm:s10], [sflag:s20] =	dma.local [spmem:s22], $0x10  }
0x4b: {  	_ =	swait.ge [sflag:s16], $0x10  }
0x4c: {  	[sflag:s16] =	ssyncset.done $0x0  }
0x4d: {  	s28 =	sshrl.u32 s6, $0x3;
	[sflag:s16] =	ssyncadd.s32 $0xFFFFFFF0  }
0x4e: {  	[hbm:s11], [sflag:s20] =	dma.local [spmem:s28], $0x10  }
0x4f: {  	_ =	swait.ge [sflag:s16], $0x10  }
0x50: {  	[sflag:s16] =	ssyncset.done $0x0  }
0x51: {  	s29 =	sshrl.u32 s7, $0x3;
	[sflag:s16] =	ssyncadd.s32 $0xFFFFFFF0  }
0x52: {  	[hbm:s12], [sflag:s20] =	dma.local [spmem:s29], $0x10  }
0x53: {  	_ =	swait.ge [sflag:s16], $0x10  }
0x54: {  	[sflag:s16] =	ssyncset.done $0x0  }
0x55: {  	s30 =	sshrl.u32 s8, $0x3;
	[sflag:s16] =	ssyncadd.s32 $0xFFFFFFF0  }
0x56: {  	[hbm:s13], [sflag:s20] =	dma.local [spmem:s30], $0x10  }
0x57: {  	s21 =	sadd.s32 $0x1, s21;
	_ =	swait.ge [sflag:s16], $0x10  }
0x58: {  	p0 =	sne.s32 s21, s15;
	[sflag:s16] =	ssyncset.done $0x0  }
.Ltmp1:
0x59: {  	s31 =	sshrl.u32 s9, $0x3;
	[sflag:s16] =	ssyncadd.s32 $0xFFFFFFF0;
	(pc) =	sbr.rel @p0 .LBB2_1-.Ltmp1, $4  }
0x5a: {  	[hbm:s14], [sflag:s20] =	dma.local [spmem:s31], $0x10  }
0x5b: {  	_ =	swait.ge [sflag:s16], $0x10  }
0x5c: {  	[sflag:s16] =	ssyncset.done $0x0  }
0x5d: {  	[sflag:s16] =	ssyncadd.s32 $0xFFFFFFF0  }
0x5e: {  	_ =	sfence.sel $0x180000  }
0x5f: {  	[bflag:$0x0] =	sbarrier.arrive $0xFFFF  }
0x60: {  	p0 =	sne.s32 s1, $0x0;
	_ =	strace $0x90000047  }
0x61: {  	s0 =	sadd.s32 @!p0 $0x100000, s0;
	[bflag:$0x2] =	sbarrier.arrive $0xFFFF  }
0x62: {  	[sflag:s0] =	ssyncadd.tile.s32 @!p0 $0x1;
	_ =	shalt  }
.Lfunc_end2:
_tile_overlayer_lowered:
.L_overlay_start_2:
0x63: {  	(tag) =	ssettag $0x2  }
0x64: {  	s0 =	rddreg [dreg:$0x0];
	s2 =	stileid.u32  }
0x65: {  	s1 =	rddreg [dreg:$0x1];
	p0 =	sne.s32 s2, $0x0  }
0x66: {  	s3 =	rddreg [dreg:$0x2];
	[bflag:$0x3] =	sbarrier.arrive $0xFFFF;
	s2 =	simm.s32 @!p0 $0x1C01  }
0x67: {  	[timem:s3], [sflag:s2] =	dma.local @!p0 [hbm:s0], s1  }
0x68: {  	s0 =	simm.s32 @!p0 $0x1  }
0x69: {  	_ =	swait.ge @!p0 [sflag:s0], s1  }
0x6a: {  	s1 =	ssub.s32 @!p0 $0x0, s1;
	[sflag:s0] =	ssyncset.done @!p0 $0x0  }
0x6b: {  	[sflag:s0] =	ssyncadd.s32 @!p0 s1  }
0x6c: {  	[bflag:$0x3] =	sbarrier.arrive $0xFFFF  }
0x6d: {  	_ =	shalt  }

</sc_bundles>
